<compile_context>
chip_gen: v7x
topology: tpu7x:2x2x1
jax: 0.10.2.dev20260603
libtpu: 0.0.44.dev20260713+nightly
codegen_flags: <defaults>
</compile_context>

<pallas_src>
import functools

import jax
import jax.numpy as jnp
from jax import lax
from jax.experimental import pallas as pl
from jax.experimental.pallas import tpu as pltpu
from jax.experimental.pallas import tpu_sc as plsc


@functools.cache
def _make_detranspose(V, D):
    info = plsc.get_sparse_core_info()
    nc, ns = info.num_cores, info.num_subcores
    NW = nc * ns
    NB_FULL = V // 128
    TAIL = (V - NB_FULL * 128) * D
    PER_W = (NB_FULL + NW - 1) // NW
    BLK = 128 * D
    mesh = plsc.VectorSubcoreMesh(core_axis_name="c", subcore_axis_name="s")

    @functools.partial(
        pl.kernel,
        mesh=mesh,
        out_type=jax.ShapeDtypeStruct((V * D,), jnp.float32),
        scratch_types=[
            pltpu.VMEM((4, D, 137), jnp.float32),
            pltpu.VMEM((4, BLK), jnp.float32),
            pltpu.VMEM((max(TAIL, 8),), jnp.float32),
            pltpu.SemaphoreType.DMA,
            pltpu.SemaphoreType.DMA,
            pltpu.SemaphoreType.DMA,
        ],
        compiler_params=pltpu.CompilerParams(
            use_tc_tiling_on_sc=True, needs_layout_passes=False
        ),
    )
    def k(wt_hbm, tail_hbm, out_hbm, in_v, cmp_v, tail_v, isem, osem, tsem):
        wid = lax.axis_index("s") * nc + lax.axis_index("c")

        def c0_of(kk):
            return jnp.minimum(wid * PER_W + kk, NB_FULL - 1) * 128

        def in_dst(buf):
            return in_v.at[buf, :, pl.ds(0, 128)]

        for pre in range(3):
            pltpu.async_copy(
                wt_hbm.at[:, pl.ds(c0_of(pre), 128)], in_dst(pre), isem
            )

        if TAIL:
            @pl.when(wid == NW - 1)
            def _():
                pltpu.async_copy(tail_hbm, tail_v.at[pl.ds(0, TAIL)], tsem).wait()
                pltpu.async_copy(
                    tail_v.at[pl.ds(0, TAIL)],
                    out_hbm.at[pl.ds(NB_FULL * BLK, TAIL)],
                    tsem,
                ).wait()

        def per_blk(kk, carry):
            buf = lax.rem(kk, 4)

            @pl.when(kk >= 3)
            def _():
                pltpu.make_async_copy(
                    cmp_v.at[buf], out_hbm.at[pl.ds(0, BLK)], osem
                ).wait()

            pltpu.make_async_copy(
                wt_hbm.at[:, pl.ds(c0_of(kk), 128)], in_dst(buf), isem
            ).wait()

            @pl.when(kk + 3 < PER_W)
            def _():
                pltpu.async_copy(
                    wt_hbm.at[:, pl.ds(c0_of(kk + 3), 128)],
                    in_dst(lax.rem(kk + 3, 4)),
                    isem,
                )

            @plsc.parallel_loop(0, 128, unroll=8)
            def _(ii):
                i_idx = jnp.full((16,), ii, jnp.int32)
                for j in range(D // 16):
                    d_idx = lax.iota(jnp.int32, 16) + (j * 16)
                    x = plsc.load_gather(in_v.at[buf], [d_idx, i_idx])
                    cmp_v[buf, pl.ds(ii * D + j * 16, 16)] = x

            pltpu.async_copy(
                cmp_v.at[buf], out_hbm.at[pl.ds(c0_of(kk) * D, BLK)], osem
            )
            return carry

        lax.fori_loop(0, PER_W, per_blk, 0)

        for _ in range(3):
            pltpu.make_async_copy(
                cmp_v.at[0], out_hbm.at[pl.ds(0, BLK)], osem
            ).wait()

    return k


@functools.cache
def _make_embed(T, B, D, V):
    info = plsc.get_sparse_core_info()
    nc, ns = info.num_cores, info.num_subcores
    NW = nc * ns
    CH = B // NW
    NCB = CH // 128
    NR = D // 8
    SKEW = CH + 9
    mesh = plsc.VectorSubcoreMesh(core_axis_name="c", subcore_axis_name="s")

    @functools.partial(
        pl.kernel,
        mesh=mesh,
        out_type=jax.ShapeDtypeStruct((T, NR, B // 128, 8, 128), jnp.float32),
        scratch_types=[
            pltpu.VMEM((2, CH), jnp.int32),
            pltpu.VMEM((2, CH, D), jnp.float32),
            pltpu.VMEM((2, D, SKEW), jnp.float32),
            pltpu.SemaphoreType.DMA,
            pltpu.SemaphoreType.DMA,
            pltpu.SemaphoreType.DMA,
        ],
        compiler_params=pltpu.CompilerParams(
            use_tc_tiling_on_sc=False, needs_layout_passes=False
        ),
    )
    def k(idx_hbm, table_hbm, out_hbm, idx_v, rows_v, tr_v, isem, gsem, osem):
        wid = lax.axis_index("s") * nc + lax.axis_index("c")
        base_b = wid * CH

        def idx_src(t):
            return idx_hbm.at[pl.ds(t * B + base_b, CH)]

        pltpu.async_copy(idx_src(0), idx_v.at[0], isem)

        def per_t(t, carry):
            b = lax.rem(t, 2)
            p = 1 - b

            @pl.when(t >= 2)
            def _():
                for r in range(NR):
                    for c in range(NCB):
                        pltpu.make_async_copy(
                            tr_v.at[b, pl.ds(r * 8, 8), pl.ds(c * 128, 128)],
                            out_hbm.at[0, r, wid * NCB + c],
                            osem,
                        ).wait()

            @pl.when(t < T)
            def _():
                pltpu.make_async_copy(idx_src(t), idx_v.at[b], isem).wait()
                pltpu.async_copy(table_hbm.at[idx_v.at[b]], rows_v.at[b], gsem)

            @pl.when(t >= 1)
            def _():
                pltpu.make_async_copy(
                    table_hbm.at[idx_v.at[p]], rows_v.at[p], gsem
                ).wait()

                @plsc.parallel_loop(0, CH, unroll=8)
                def _(bb):
                    b_idx = jnp.full((16,), bb, jnp.int32)
                    for j in range(D // 16):
                        x = rows_v[p, bb, pl.ds(j * 16, 16)]
                        d_idx = lax.iota(jnp.int32, 16) + (j * 16)
                        plsc.store_scatter(tr_v.at[p], [d_idx, b_idx], x)

                for r in range(NR):
                    for c in range(NCB):
                        pltpu.async_copy(
                            tr_v.at[p, pl.ds(r * 8, 8), pl.ds(c * 128, 128)],
                            out_hbm.at[t - 1, r, wid * NCB + c],
                            osem,
                        )

            @pl.when(t + 1 < T)
            def _():
                pltpu.async_copy(idx_src(t + 1), idx_v.at[p], isem)

            return carry

        lax.fori_loop(0, T + 1, per_t, 0)

        for r in range(NR):
            for c in range(NCB):
                pltpu.make_async_copy(
                    tr_v.at[0, pl.ds(r * 8, 8), pl.ds(c * 128, 128)],
                    out_hbm.at[0, r, wid * NCB + c],
                    osem,
                ).wait()

    return k


def kernel(X, W):
    B, T = X.shape
    V, D = W.shape
    nfull = (V // 128) * 128
    wt = jnp.transpose(W)
    tail = lax.slice(W, (nfull, 0), (V, D)).reshape((V - nfull) * D)
    wlin = _make_detranspose(V, D)(wt, tail)
    w2 = wlin.reshape(V, D)
    idx = X.transpose(1, 0).reshape(T * B).astype(jnp.int32)
    out5 = _make_embed(T, B, D, V)(idx, w2)
    return out5.transpose(2, 4, 0, 1, 3).reshape(B, T, D)

# --- scband reference (transcript-rebuilt; emitter-appended) ---
"""Pipeline reference for scband-torch-embedding-layer-58703613002089 (READ-ONLY COPY).

The authoritative reference and input builder live on the scoring server;
editing this copy changes nothing except your own understanding.
"""

import jax, jax.numpy as jnp
import numpy as np

VOCAB = 1000000
EMBED_DIM = 32
BATCH = 16384
HIST = 50

def setup_inputs(seed: int = 0) -> dict:
    key = jax.random.key(seed)
    k_idx, k_w = jax.random.split(key)
    X = jax.random.randint(k_idx, (BATCH, HIST), 0, VOCAB, dtype=jnp.int64 if jax.config.jax_enable_x64 else jnp.int32)
    W = jax.random.normal(k_w, (VOCAB, EMBED_DIM), dtype=jnp.float32)
    return {"X": X, "W": W}

def reference(X, W):
    # nn.Embedding lookup: out[b, t, :] = W[X[b, t], :]
    out = jnp.take(W, X, axis=0)
    return out

if __name__ == "__main__":
    import jax
    _d = setup_inputs()
    print(jax.jit(kernel)(*tuple(_d.values())))

</pallas_src>

<mosaic_0001>
#map = affine_map<(d0, d1) -> (0, 0)>
#map1 = affine_map<(d0, d1) -> (0)>
module attributes {stable_mosaic.version = 14 : i64} {
  func.func @k(%arg0: i32, %arg1: i32, %arg2: memref<32x1000000xf32, #tpu.memory_space<hbm>>, %arg3: memref<2048xf32, #tpu.memory_space<hbm>>, %arg4: memref<32000000xf32, #tpu.memory_space<hbm>>, %arg5: memref<4x32x137xf32, #tpu.memory_space<vmem>>, %arg6: memref<4x4096xf32, #tpu.memory_space<vmem>>, %arg7: memref<2048xf32, #tpu.memory_space<vmem>>, %arg8: memref<!tpu.dma_semaphore, #tpu.memory_space<semaphore_mem>>, %arg9: memref<!tpu.dma_semaphore, #tpu.memory_space<semaphore_mem>>, %arg10: memref<!tpu.dma_semaphore, #tpu.memory_space<semaphore_mem>>) attributes {dimension_semantics = [#tpu.dimension_semantics<core_parallel>, #tpu.dimension_semantics<subcore_parallel>], iteration_bounds = array<i64: 2, 16>, scalar_prefetch = 0 : i64, scratch_operands = 6 : i64, tpu.core_type = #tpu.core_type<sc_vector_subcore>, window_params = [{transform_indices = #map}, {transform_indices = #map1}, {transform_indices = #map1}]} {
    %mul3A = arith.constant 2 : i32
    %mul3A_0 = arith.muli %arg1, %mul3A : i32
    %add3A = arith.addi %mul3A_0, %arg0 : i32
    %mul3A_1 = arith.constant 245 : i32
    %mul3A_2 = arith.muli %add3A, %mul3A_1 : i32
    %add3A_3 = arith.constant 0 : i32
    %add3A_4 = arith.addi %mul3A_2, %add3A_3 : i32
    %min3A = arith.constant 7811 : i32
    %min3A_5 = arith.minsi %add3A_4, %min3A : i32
    %mul3A_6 = arith.constant 128 : i32
    %mul3A_7 = arith.muli %min3A_5, %mul3A_6 : i32
    %dma_start3A = arith.constant 0 : i32
    %dma_start3A_8 = arith.constant 0 : i32
    %dma_start3A_9 = arith.constant 0 : i32
    %dma_start3A_10 = tpu.memref_slice %arg5[%dma_start3A, %dma_start3A_8, %dma_start3A_9] : memref<4x32x137xf32, #tpu.memory_space<vmem>> -> memref<1x32x128xf32, #tpu.memory_space<vmem>>
    %dma_start3A_11 = tpu.memref_squeeze %dma_start3A_10 : memref<1x32x128xf32, #tpu.memory_space<vmem>> -> memref<32x128xf32, #tpu.memory_space<vmem>>
    %dma_start3A_12 = arith.constant 0 : i32
    %dma_start3A_13 = tpu.memref_slice %arg2[%dma_start3A_12, %mul3A_7] : memref<32x1000000xf32, #tpu.memory_space<hbm>> -> memref<32x128xf32, #tpu.memory_space<hbm>>
    %dma_start3A_14 = arith.constant 0 : i32
    %dma_start3A_15 = arith.constant 0 : i32
    %dma_start3A_16 = tpu.memref_slice %arg5[%dma_start3A, %dma_start3A_14, %dma_start3A_15] : memref<4x32x137xf32, #tpu.memory_space<vmem>> -> memref<1x32x128xf32, #tpu.memory_space<vmem>>
    %dma_start3A_17 = tpu.memref_squeeze %dma_start3A_16 : memref<1x32x128xf32, #tpu.memory_space<vmem>> -> memref<32x128xf32, #tpu.memory_space<vmem>>
    %dma_start3A_18 = arith.constant 0 : i32
    %dma_start3A_19 = tpu.memref_slice %arg2[%dma_start3A_18, %mul3A_7] : memref<32x1000000xf32, #tpu.memory_space<hbm>> -> memref<32x128xf32, #tpu.memory_space<hbm>>
    tpu.enqueue_dma source(%dma_start3A_19 : memref<32x128xf32, #tpu.memory_space<hbm>>) target(%dma_start3A_17 : memref<32x128xf32, #tpu.memory_space<vmem>>) target_semaphore(%arg8 : memref<!tpu.dma_semaphore, #tpu.memory_space<semaphore_mem>>)
    %mul3A_20 = arith.constant 245 : i32
    %mul3A_21 = arith.muli %add3A, %mul3A_20 : i32
    %add3A_22 = arith.constant 1 : i32
    %add3A_23 = arith.addi %mul3A_21, %add3A_22 : i32
    %min3A_24 = arith.constant 7811 : i32
    %min3A_25 = arith.minsi %add3A_23, %min3A_24 : i32
    %mul3A_26 = arith.constant 128 : i32
    %mul3A_27 = arith.muli %min3A_25, %mul3A_26 : i32
    %dma_start3A_28 = arith.constant 1 : i32
    %dma_start3A_29 = arith.constant 0 : i32
    %dma_start3A_30 = arith.constant 0 : i32
    %dma_start3A_31 = tpu.memref_slice %arg5[%dma_start3A_28, %dma_start3A_29, %dma_start3A_30] : memref<4x32x137xf32, #tpu.memory_space<vmem>> -> memref<1x32x128xf32, #tpu.memory_space<vmem>>
    %dma_start3A_32 = tpu.memref_squeeze %dma_start3A_31 : memref<1x32x128xf32, #tpu.memory_space<vmem>> -> memref<32x128xf32, #tpu.memory_space<vmem>>
    %dma_start3A_33 = arith.constant 0 : i32
    %dma_start3A_34 = tpu.memref_slice %arg2[%dma_start3A_33, %mul3A_27] : memref<32x1000000xf32, #tpu.memory_space<hbm>> -> memref<32x128xf32, #tpu.memory_space<hbm>>
    %dma_start3A_35 = arith.constant 0 : i32
    %dma_start3A_36 = arith.constant 0 : i32
    %dma_start3A_37 = tpu.memref_slice %arg5[%dma_start3A_28, %dma_start3A_35, %dma_start3A_36] : memref<4x32x137xf32, #tpu.memory_space<vmem>> -> memref<1x32x128xf32, #tpu.memory_space<vmem>>
    %dma_start3A_38 = tpu.memref_squeeze %dma_start3A_37 : memref<1x32x128xf32, #tpu.memory_space<vmem>> -> memref<32x128xf32, #tpu.memory_space<vmem>>
    %dma_start3A_39 = arith.constant 0 : i32
    %dma_start3A_40 = tpu.memref_slice %arg2[%dma_start3A_39, %mul3A_27] : memref<32x1000000xf32, #tpu.memory_space<hbm>> -> memref<32x128xf32, #tpu.memory_space<hbm>>
    tpu.enqueue_dma source(%dma_start3A_40 : memref<32x128xf32, #tpu.memory_space<hbm>>) target(%dma_start3A_38 : memref<32x128xf32, #tpu.memory_space<vmem>>) target_semaphore(%arg8 : memref<!tpu.dma_semaphore, #tpu.memory_space<semaphore_mem>>)
    %mul3A_41 = arith.constant 245 : i32
    %mul3A_42 = arith.muli %add3A, %mul3A_41 : i32
    %add3A_43 = arith.constant 2 : i32
    %add3A_44 = arith.addi %mul3A_42, %add3A_43 : i32
    %min3A_45 = arith.constant 7811 : i32
    %min3A_46 = arith.minsi %add3A_44, %min3A_45 : i32
    %mul3A_47 = arith.constant 128 : i32
    %mul3A_48 = arith.muli %min3A_46, %mul3A_47 : i32
    %dma_start3A_49 = arith.constant 2 : i32
    %dma_start3A_50 = arith.constant 0 : i32
    %dma_start3A_51 = arith.constant 0 : i32
    %dma_start3A_52 = tpu.memref_slice %arg5[%dma_start3A_49, %dma_start3A_50, %dma_start3A_51] : memref<4x32x137xf32, #tpu.memory_space<vmem>> -> memref<1x32x128xf32, #tpu.memory_space<vmem>>
    %dma_start3A_53 = tpu.memref_squeeze %dma_start3A_52 : memref<1x32x128xf32, #tpu.memory_space<vmem>> -> memref<32x128xf32, #tpu.memory_space<vmem>>
    %dma_start3A_54 = arith.constant 0 : i32
    %dma_start3A_55 = tpu.memref_slice %arg2[%dma_start3A_54, %mul3A_48] : memref<32x1000000xf32, #tpu.memory_space<hbm>> -> memref<32x128xf32, #tpu.memory_space<hbm>>
    %dma_start3A_56 = arith.constant 0 : i32
    %dma_start3A_57 = arith.constant 0 : i32
    %dma_start3A_58 = tpu.memref_slice %arg5[%dma_start3A_49, %dma_start3A_56, %dma_start3A_57] : memref<4x32x137xf32, #tpu.memory_space<vmem>> -> memref<1x32x128xf32, #tpu.memory_space<vmem>>
    %dma_start3A_59 = tpu.memref_squeeze %dma_start3A_58 : memref<1x32x128xf32, #tpu.memory_space<vmem>> -> memref<32x128xf32, #tpu.memory_space<vmem>>
    %dma_start3A_60 = arith.constant 0 : i32
    %dma_start3A_61 = tpu.memref_slice %arg2[%dma_start3A_60, %mul3A_48] : memref<32x1000000xf32, #tpu.memory_space<hbm>> -> memref<32x128xf32, #tpu.memory_space<hbm>>
    tpu.enqueue_dma source(%dma_start3A_61 : memref<32x128xf32, #tpu.memory_space<hbm>>) target(%dma_start3A_59 : memref<32x128xf32, #tpu.memory_space<vmem>>) target_semaphore(%arg8 : memref<!tpu.dma_semaphore, #tpu.memory_space<semaphore_mem>>)
    %eq3A = arith.constant 31 : i32
    %eq3A_62 = arith.cmpi eq, %add3A, %eq3A : i32
    %convert_element_type3A = arith.extui %eq3A_62 : i1 to i32
    %cond3A = arith.constant 0 : i32
    %cond3A_63 = arith.cmpi ne, %convert_element_type3A, %cond3A : i32
    scf.if %cond3A_63 {
      %dma_start3A_101 = arith.constant 0 : i32
      %dma_start3A_102 = tpu.memref_slice %arg7[%dma_start3A_101] : memref<2048xf32, #tpu.memory_space<vmem>> -> memref<2048xf32, #tpu.memory_space<vmem>>
      %dma_start3A_103 = arith.constant 0 : i32
      %dma_start3A_104 = tpu.memref_slice %arg7[%dma_start3A_103] : memref<2048xf32, #tpu.memory_space<vmem>> -> memref<2048xf32, #tpu.memory_space<vmem>>
      tpu.enqueue_dma source(%arg3 : memref<2048xf32, #tpu.memory_space<hbm>>) target(%dma_start3A_104 : memref<2048xf32, #tpu.memory_space<vmem>>) target_semaphore(%arg10 : memref<!tpu.dma_semaphore, #tpu.memory_space<semaphore_mem>>)
      %dma_wait3A_105 = arith.constant 0 : i32
      %dma_wait3A_106 = tpu.memref_slice %arg7[%dma_wait3A_105] : memref<2048xf32, #tpu.memory_space<vmem>> -> memref<2048xf32, #tpu.memory_space<vmem>>
      %dma_wait3A_107 = arith.constant 0 : i32
      %dma_wait3A_108 = tpu.memref_slice %arg7[%dma_wait3A_107] : memref<2048xf32, #tpu.memory_space<vmem>> -> memref<2048xf32, #tpu.memory_space<vmem>>
      tpu.wait_dma2 semaphore(%arg10 : memref<!tpu.dma_semaphore, #tpu.memory_space<semaphore_mem>>) src(%arg3 : memref<2048xf32, #tpu.memory_space<hbm>>) dst(%dma_wait3A_108 : memref<2048xf32, #tpu.memory_space<vmem>>)
      %dma_start3A_109 = arith.constant 0 : i32
      %dma_start3A_110 = tpu.memref_slice %arg7[%dma_start3A_109] : memref<2048xf32, #tpu.memory_space<vmem>> -> memref<2048xf32, #tpu.memory_space<vmem>>
      %dma_start3A_111 = arith.constant 31997952 : i32
      %dma_start3A_112 = tpu.memref_slice %arg4[%dma_start3A_111] : memref<32000000xf32, #tpu.memory_space<hbm>> -> memref<2048xf32, #tpu.memory_space<hbm>>
      %dma_start3A_113 = arith.constant 31997952 : i32
      %dma_start3A_114 = tpu.memref_slice %arg4[%dma_start3A_113] : memref<32000000xf32, #tpu.memory_space<hbm>> -> memref<2048xf32, #tpu.memory_space<hbm>>
      %dma_start3A_115 = arith.constant 0 : i32
      %dma_start3A_116 = tpu.memref_slice %arg7[%dma_start3A_115] : memref<2048xf32, #tpu.memory_space<vmem>> -> memref<2048xf32, #tpu.memory_space<vmem>>
      tpu.enqueue_dma source(%dma_start3A_116 : memref<2048xf32, #tpu.memory_space<vmem>>) target(%dma_start3A_114 : memref<2048xf32, #tpu.memory_space<hbm>>) target_semaphore(%arg10 : memref<!tpu.dma_semaphore, #tpu.memory_space<semaphore_mem>>)
      %dma_wait3A_117 = arith.constant 0 : i32
      %dma_wait3A_118 = tpu.memref_slice %arg7[%dma_wait3A_117] : memref<2048xf32, #tpu.memory_space<vmem>> -> memref<2048xf32, #tpu.memory_space<vmem>>
      %dma_wait3A_119 = arith.constant 31997952 : i32
      %dma_wait3A_120 = tpu.memref_slice %arg4[%dma_wait3A_119] : memref<32000000xf32, #tpu.memory_space<hbm>> -> memref<2048xf32, #tpu.memory_space<hbm>>
      %dma_wait3A_121 = arith.constant 31997952 : i32
      %dma_wait3A_122 = tpu.memref_slice %arg4[%dma_wait3A_121] : memref<32000000xf32, #tpu.memory_space<hbm>> -> memref<2048xf32, #tpu.memory_space<hbm>>
      %dma_wait3A_123 = arith.constant 0 : i32
      %dma_wait3A_124 = tpu.memref_slice %arg7[%dma_wait3A_123] : memref<2048xf32, #tpu.memory_space<vmem>> -> memref<2048xf32, #tpu.memory_space<vmem>>
      tpu.wait_dma2 semaphore(%arg10 : memref<!tpu.dma_semaphore, #tpu.memory_space<semaphore_mem>>) src(%dma_wait3A_124 : memref<2048xf32, #tpu.memory_space<vmem>>) dst(%dma_wait3A_122 : memref<2048xf32, #tpu.memory_space<hbm>>)
    } else {
    }
    %scan3A = arith.constant 0 : i32
    %scan3A_64 = arith.constant 0 : i32
    %scan3A_65 = arith.constant 245 : i32
    %scan3A_66 = arith.addi %scan3A_64, %scan3A_65 : i32
    %scan3A_67 = arith.constant 1 : i32
    scf.for %scan3A_101 = %scan3A_64 to %scan3A_66 step %scan3A_67  : i32 {
      %rem3A = arith.constant 4 : i32
      %rem3A_102 = arith.remsi %scan3A_101, %rem3A : i32
      %ge3A = arith.constant 3 : i32
      %ge3A_103 = arith.cmpi sge, %scan3A_101, %ge3A : i32
      %convert_element_type3A_104 = arith.extui %ge3A_103 : i1 to i32
      %cond3A_105 = arith.constant 0 : i32
      %cond3A_106 = arith.cmpi ne, %convert_element_type3A_104, %cond3A_105 : i32
      scf.if %cond3A_106 {
        %dma_wait3A_151 = arith.constant 0 : i32
        %dma_wait3A_152 = tpu.memref_slice %arg6[%rem3A_102, %dma_wait3A_151] : memref<4x4096xf32, #tpu.memory_space<vmem>> -> memref<1x4096xf32, #tpu.memory_space<vmem>>
        %dma_wait3A_153 = tpu.memref_squeeze %dma_wait3A_152 : memref<1x4096xf32, #tpu.memory_space<vmem>> -> memref<4096xf32, #tpu.memory_space<vmem>>
        %dma_wait3A_154 = arith.constant 0 : i32
        %dma_wait3A_155 = tpu.memref_slice %arg4[%dma_wait3A_154] : memref<32000000xf32, #tpu.memory_space<hbm>> -> memref<4096xf32, #tpu.memory_space<hbm>>
        %dma_wait3A_156 = arith.constant 0 : i32
        %dma_wait3A_157 = tpu.memref_slice %arg4[%dma_wait3A_156] : memref<32000000xf32, #tpu.memory_space<hbm>> -> memref<4096xf32, #tpu.memory_space<hbm>>
        %dma_wait3A_158 = arith.constant 0 : i32
        %dma_wait3A_159 = tpu.memref_slice %arg6[%rem3A_102, %dma_wait3A_158] : memref<4x4096xf32, #tpu.memory_space<vmem>> -> memref<1x4096xf32, #tpu.memory_space<vmem>>
        %dma_wait3A_160 = tpu.memref_squeeze %dma_wait3A_159 : memref<1x4096xf32, #tpu.memory_space<vmem>> -> memref<4096xf32, #tpu.memory_space<vmem>>
        tpu.wait_dma2 semaphore(%arg9 : memref<!tpu.dma_semaphore, #tpu.memory_space<semaphore_mem>>) src(%dma_wait3A_160 : memref<4096xf32, #tpu.memory_space<vmem>>) dst(%dma_wait3A_157 : memref<4096xf32, #tpu.memory_space<hbm>>)
      } else {
      }
      %mul3A_107 = arith.constant 245 : i32
      %mul3A_108 = arith.muli %add3A, %mul3A_107 : i32
      %add3A_109 = arith.addi %mul3A_108, %scan3A_101 : i32
      %min3A_110 = arith.constant 7811 : i32
      %min3A_111 = arith.minsi %add3A_109, %min3A_110 : i32
      %mul3A_112 = arith.constant 128 : i32
      %mul3A_113 = arith.muli %min3A_111, %mul3A_112 : i32
      %dma_wait3A_114 = arith.constant 0 : i32
      %dma_wait3A_115 = arith.constant 0 : i32
      %dma_wait3A_116 = tpu.memref_slice %arg5[%rem3A_102, %dma_wait3A_114, %dma_wait3A_115] : memref<4x32x137xf32, #tpu.memory_space<vmem>> -> memref<1x32x128xf32, #tpu.memory_space<vmem>>
      %dma_wait3A_117 = tpu.memref_squeeze %dma_wait3A_116 : memref<1x32x128xf32, #tpu.memory_space<vmem>> -> memref<32x128xf32, #tpu.memory_space<vmem>>
      %dma_wait3A_118 = arith.constant 0 : i32
      %dma_wait3A_119 = tpu.memref_slice %arg2[%dma_wait3A_118, %mul3A_113] : memref<32x1000000xf32, #tpu.memory_space<hbm>> -> memref<32x128xf32, #tpu.memory_space<hbm>>
      %dma_wait3A_120 = arith.constant 0 : i32
      %dma_wait3A_121 = arith.constant 0 : i32
      %dma_wait3A_122 = tpu.memref_slice %arg5[%rem3A_102, %dma_wait3A_120, %dma_wait3A_121] : memref<4x32x137xf32, #tpu.memory_space<vmem>> -> memref<1x32x128xf32, #tpu.memory_space<vmem>>
      %dma_wait3A_123 = tpu.memref_squeeze %dma_wait3A_122 : memref<1x32x128xf32, #tpu.memory_space<vmem>> -> memref<32x128xf32, #tpu.memory_space<vmem>>
      %dma_wait3A_124 = arith.constant 0 : i32
      %dma_wait3A_125 = tpu.memref_slice %arg2[%dma_wait3A_124, %mul3A_113] : memref<32x1000000xf32, #tpu.memory_space<hbm>> -> memref<32x128xf32, #tpu.memory_space<hbm>>
      tpu.wait_dma2 semaphore(%arg8 : memref<!tpu.dma_semaphore, #tpu.memory_space<semaphore_mem>>) src(%dma_wait3A_125 : memref<32x128xf32, #tpu.memory_space<hbm>>) dst(%dma_wait3A_123 : memref<32x128xf32, #tpu.memory_space<vmem>>)
      %add3A_126 = arith.constant 3 : i32
      %add3A_127 = arith.addi %scan3A_101, %add3A_126 : i32
      %lt3A = arith.constant 245 : i32
      %lt3A_128 = arith.cmpi slt, %add3A_127, %lt3A : i32
      %convert_element_type3A_129 = arith.extui %lt3A_128 : i1 to i32
      %cond3A_130 = arith.constant 0 : i32
      %cond3A_131 = arith.cmpi ne, %convert_element_type3A_129, %cond3A_130 : i32
      scf.if %cond3A_131 {
        %add3A_151 = arith.constant 3 : i32
        %add3A_152 = arith.addi %scan3A_101, %add3A_151 : i32
        %mul3A_153 = arith.constant 245 : i32
        %mul3A_154 = arith.muli %add3A, %mul3A_153 : i32
        %add3A_155 = arith.addi %mul3A_154, %add3A_152 : i32
        %min3A_156 = arith.constant 7811 : i32
        %min3A_157 = arith.minsi %add3A_155, %min3A_156 : i32
        %mul3A_158 = arith.constant 128 : i32
        %mul3A_159 = arith.muli %min3A_157, %mul3A_158 : i32
        %add3A_160 = arith.constant 3 : i32
        %add3A_161 = arith.addi %scan3A_101, %add3A_160 : i32
        %rem3A_162 = arith.constant 4 : i32
        %rem3A_163 = arith.remsi %add3A_161, %rem3A_162 : i32
        %dma_start3A_164 = arith.constant 0 : i32
        %dma_start3A_165 = arith.constant 0 : i32
        %dma_start3A_166 = tpu.memref_slice %arg5[%rem3A_163, %dma_start3A_164, %dma_start3A_165] : memref<4x32x137xf32, #tpu.memory_space<vmem>> -> memref<1x32x128xf32, #tpu.memory_space<vmem>>
        %dma_start3A_167 = tpu.memref_squeeze %dma_start3A_166 : memref<1x32x128xf32, #tpu.memory_space<vmem>> -> memref<32x128xf32, #tpu.memory_space<vmem>>
        %dma_start3A_168 = arith.constant 0 : i32
        %dma_start3A_169 = tpu.memref_slice %arg2[%dma_start3A_168, %mul3A_159] : memref<32x1000000xf32, #tpu.memory_space<hbm>> -> memref<32x128xf32, #tpu.memory_space<hbm>>
        %dma_start3A_170 = arith.constant 0 : i32
        %dma_start3A_171 = arith.constant 0 : i32
        %dma_start3A_172 = tpu.memref_slice %arg5[%rem3A_163, %dma_start3A_170, %dma_start3A_171] : memref<4x32x137xf32, #tpu.memory_space<vmem>> -> memref<1x32x128xf32, #tpu.memory_space<vmem>>
        %dma_start3A_173 = tpu.memref_squeeze %dma_start3A_172 : memref<1x32x128xf32, #tpu.memory_space<vmem>> -> memref<32x128xf32, #tpu.memory_space<vmem>>
        %dma_start3A_174 = arith.constant 0 : i32
        %dma_start3A_175 = tpu.memref_slice %arg2[%dma_start3A_174, %mul3A_159] : memref<32x1000000xf32, #tpu.memory_space<hbm>> -> memref<32x128xf32, #tpu.memory_space<hbm>>
        tpu.enqueue_dma source(%dma_start3A_175 : memref<32x128xf32, #tpu.memory_space<hbm>>) target(%dma_start3A_173 : memref<32x128xf32, #tpu.memory_space<vmem>>) target_semaphore(%arg8 : memref<!tpu.dma_semaphore, #tpu.memory_space<semaphore_mem>>)
      } else {
      }
      %parallel_loop3A = arith.constant 0 : i32
      %parallel_loop3A_132 = arith.constant 128 : i32
      %parallel_loop3A_133 = arith.constant 1 : i32
      scf.for %parallel_loop3A_151 = %parallel_loop3A to %parallel_loop3A_132 step %parallel_loop3A_133  : i32 {
        %parallel_loop3A_152 = vector.broadcast %parallel_loop3A_151 : i32 to vector<16xi32>
        %parallel_loop3A_153 = tpu.iota {dimensions = array<i32: 0>} : vector<16xi32>
        %parallel_loop3A_154 = arith.constant 0 : i32
        %parallel_loop3A_155 = vector.broadcast %parallel_loop3A_154 : i32 to vector<16xi32>
        %parallel_loop3A_156 = arith.addi %parallel_loop3A_153, %parallel_loop3A_155 : vector<16xi32>
        %parallel_loop3A_157 = arith.constant 0 : i32
        %parallel_loop3A_158 = arith.constant 0 : i32
        %parallel_loop3A_159 = tpu.memref_slice %arg5[%rem3A_102, %parallel_loop3A_157, %parallel_loop3A_158] : memref<4x32x137xf32, #tpu.memory_space<vmem>> -> memref<1x32x137xf32, #tpu.memory_space<vmem>>
        %parallel_loop3A_160 = tpu.memref_squeeze %parallel_loop3A_159 : memref<1x32x137xf32, #tpu.memory_space<vmem>> -> memref<32x137xf32, #tpu.memory_space<vmem>>
        %parallel_loop3A_161 = tpu.vector_load_idx %parallel_loop3A_160[%parallel_loop3A_156, %parallel_loop3A_152] : memref<32x137xf32, #tpu.memory_space<vmem>>[vector<16xi32>, vector<16xi32>], vector<16xf32>,
        %parallel_loop3A_162 = arith.constant 32 : i32
        %parallel_loop3A_163 = arith.muli %parallel_loop3A_151, %parallel_loop3A_162 : i32
        %parallel_loop3A_164 = arith.constant 0 : i32
        %parallel_loop3A_165 = arith.addi %parallel_loop3A_163, %parallel_loop3A_164 : i32
        %parallel_loop3A_166 = arith.index_cast %rem3A_102 : i32 to index
        %parallel_loop3A_167 = arith.index_cast %parallel_loop3A_165 : i32 to index
        %parallel_loop3A_168 = tpu.vector_load %arg6[%parallel_loop3A_166, %parallel_loop3A_167] {strides = array<i32>} : memref<4x4096xf32, #tpu.memory_space<vmem>>, vector<16xf32>,
        tpu.vector_store %arg6[%parallel_loop3A_166, %parallel_loop3A_167], %parallel_loop3A_161 {strides = array<i32>} : memref<4x4096xf32, #tpu.memory_space<vmem>>, vector<16xf32>,
        %parallel_loop3A_169 = tpu.iota {dimensions = array<i32: 0>} : vector<16xi32>
        %parallel_loop3A_170 = arith.constant 16 : i32
        %parallel_loop3A_171 = vector.broadcast %parallel_loop3A_170 : i32 to vector<16xi32>
        %parallel_loop3A_172 = arith.addi %parallel_loop3A_169, %parallel_loop3A_171 : vector<16xi32>
        %parallel_loop3A_173 = arith.constant 0 : i32
        %parallel_loop3A_174 = arith.constant 0 : i32
        %parallel_loop3A_175 = tpu.memref_slice %arg5[%rem3A_102, %parallel_loop3A_173, %parallel_loop3A_174] : memref<4x32x137xf32, #tpu.memory_space<vmem>> -> memref<1x32x137xf32, #tpu.memory_space<vmem>>
        %parallel_loop3A_176 = tpu.memref_squeeze %parallel_loop3A_175 : memref<1x32x137xf32, #tpu.memory_space<vmem>> -> memref<32x137xf32, #tpu.memory_space<vmem>>
        %parallel_loop3A_177 = tpu.vector_load_idx %parallel_loop3A_176[%parallel_loop3A_172, %parallel_loop3A_152] : memref<32x137xf32, #tpu.memory_space<vmem>>[vector<16xi32>, vector<16xi32>], vector<16xf32>,
        %parallel_loop3A_178 = arith.constant 32 : i32
        %parallel_loop3A_179 = arith.muli %parallel_loop3A_151, %parallel_loop3A_178 : i32
        %parallel_loop3A_180 = arith.constant 16 : i32
        %parallel_loop3A_181 = arith.addi %parallel_loop3A_179, %parallel_loop3A_180 : i32
        %parallel_loop3A_182 = arith.index_cast %rem3A_102 : i32 to index
        %parallel_loop3A_183 = arith.index_cast %parallel_loop3A_181 : i32 to index
        %parallel_loop3A_184 = tpu.vector_load %arg6[%parallel_loop3A_182, %parallel_loop3A_183] {strides = array<i32>} : memref<4x4096xf32, #tpu.memory_space<vmem>>, vector<16xf32>,
        tpu.vector_store %arg6[%parallel_loop3A_182, %parallel_loop3A_183], %parallel_loop3A_177 {strides = array<i32>} : memref<4x4096xf32, #tpu.memory_space<vmem>>, vector<16xf32>,
      } {sc.loop_unroll_factor = 8 : i64, sc.parallel_access}
      %mul3A_134 = arith.constant 245 : i32
      %mul3A_135 = arith.muli %add3A, %mul3A_134 : i32
      %add3A_136 = arith.addi %mul3A_135, %scan3A_101 : i32
      %min3A_137 = arith.constant 7811 : i32
      %min3A_138 = arith.minsi %add3A_136, %min3A_137 : i32
      %mul3A_139 = arith.constant 128 : i32
      %mul3A_140 = arith.muli %min3A_138, %mul3A_139 : i32
      %mul3A_141 = arith.constant 32 : i32
      %mul3A_142 = arith.muli %mul3A_140, %mul3A_141 : i32
      %dma_start3A_143 = arith.constant 0 : i32
      %dma_start3A_144 = tpu.memref_slice %arg6[%rem3A_102, %dma_start3A_143] : memref<4x4096xf32, #tpu.memory_space<vmem>> -> memref<1x4096xf32, #tpu.memory_space<vmem>>
      %dma_start3A_145 = tpu.memref_squeeze %dma_start3A_144 : memref<1x4096xf32, #tpu.memory_space<vmem>> -> memref<4096xf32, #tpu.memory_space<vmem>>
      %dma_start3A_146 = tpu.memref_slice %arg4[%mul3A_142] : memref<32000000xf32, #tpu.memory_space<hbm>> -> memref<4096xf32, #tpu.memory_space<hbm>>
      %dma_start3A_147 = tpu.memref_slice %arg4[%mul3A_142] : memref<32000000xf32, #tpu.memory_space<hbm>> -> memref<4096xf32, #tpu.memory_space<hbm>>
      %dma_start3A_148 = arith.constant 0 : i32
      %dma_start3A_149 = tpu.memref_slice %arg6[%rem3A_102, %dma_start3A_148] : memref<4x4096xf32, #tpu.memory_space<vmem>> -> memref<1x4096xf32, #tpu.memory_space<vmem>>
      %dma_start3A_150 = tpu.memref_squeeze %dma_start3A_149 : memref<1x4096xf32, #tpu.memory_space<vmem>> -> memref<4096xf32, #tpu.memory_space<vmem>>
      tpu.enqueue_dma source(%dma_start3A_150 : memref<4096xf32, #tpu.memory_space<vmem>>) target(%dma_start3A_147 : memref<4096xf32, #tpu.memory_space<hbm>>) target_semaphore(%arg9 : memref<!tpu.dma_semaphore, #tpu.memory_space<semaphore_mem>>)
    }
    %scan3A_68 = arith.constant 245 : i32
    %dma_wait3A = arith.constant 0 : i32
    %dma_wait3A_69 = arith.constant 0 : i32
    %dma_wait3A_70 = tpu.memref_slice %arg6[%dma_wait3A, %dma_wait3A_69] : memref<4x4096xf32, #tpu.memory_space<vmem>> -> memref<1x4096xf32, #tpu.memory_space<vmem>>
    %dma_wait3A_71 = tpu.memref_squeeze %dma_wait3A_70 : memref<1x4096xf32, #tpu.memory_space<vmem>> -> memref<4096xf32, #tpu.memory_space<vmem>>
    %dma_wait3A_72 = arith.constant 0 : i32
    %dma_wait3A_73 = tpu.memref_slice %arg4[%dma_wait3A_72] : memref<32000000xf32, #tpu.memory_space<hbm>> -> memref<4096xf32, #tpu.memory_space<hbm>>
    %dma_wait3A_74 = arith.constant 0 : i32
    %dma_wait3A_75 = tpu.memref_slice %arg4[%dma_wait3A_74] : memref<32000000xf32, #tpu.memory_space<hbm>> -> memref<4096xf32, #tpu.memory_space<hbm>>
    %dma_wait3A_76 = arith.constant 0 : i32
    %dma_wait3A_77 = tpu.memref_slice %arg6[%dma_wait3A, %dma_wait3A_76] : memref<4x4096xf32, #tpu.memory_space<vmem>> -> memref<1x4096xf32, #tpu.memory_space<vmem>>
    %dma_wait3A_78 = tpu.memref_squeeze %dma_wait3A_77 : memref<1x4096xf32, #tpu.memory_space<vmem>> -> memref<4096xf32, #tpu.memory_space<vmem>>
    tpu.wait_dma2 semaphore(%arg9 : memref<!tpu.dma_semaphore, #tpu.memory_space<semaphore_mem>>) src(%dma_wait3A_78 : memref<4096xf32, #tpu.memory_space<vmem>>) dst(%dma_wait3A_75 : memref<4096xf32, #tpu.memory_space<hbm>>)
    %dma_wait3A_79 = arith.constant 0 : i32
    %dma_wait3A_80 = arith.constant 0 : i32
    %dma_wait3A_81 = tpu.memref_slice %arg6[%dma_wait3A_79, %dma_wait3A_80] : memref<4x4096xf32, #tpu.memory_space<vmem>> -> memref<1x4096xf32, #tpu.memory_space<vmem>>
    %dma_wait3A_82 = tpu.memref_squeeze %dma_wait3A_81 : memref<1x4096xf32, #tpu.memory_space<vmem>> -> memref<4096xf32, #tpu.memory_space<vmem>>
    %dma_wait3A_83 = arith.constant 0 : i32
    %dma_wait3A_84 = tpu.memref_slice %arg4[%dma_wait3A_83] : memref<32000000xf32, #tpu.memory_space<hbm>> -> memref<4096xf32, #tpu.memory_space<hbm>>
    %dma_wait3A_85 = arith.constant 0 : i32
    %dma_wait3A_86 = tpu.memref_slice %arg4[%dma_wait3A_85] : memref<32000000xf32, #tpu.memory_space<hbm>> -> memref<4096xf32, #tpu.memory_space<hbm>>
    %dma_wait3A_87 = arith.constant 0 : i32
    %dma_wait3A_88 = tpu.memref_slice %arg6[%dma_wait3A_79, %dma_wait3A_87] : memref<4x4096xf32, #tpu.memory_space<vmem>> -> memref<1x4096xf32, #tpu.memory_space<vmem>>
    %dma_wait3A_89 = tpu.memref_squeeze %dma_wait3A_88 : memref<1x4096xf32, #tpu.memory_space<vmem>> -> memref<4096xf32, #tpu.memory_space<vmem>>
    tpu.wait_dma2 semaphore(%arg9 : memref<!tpu.dma_semaphore, #tpu.memory_space<semaphore_mem>>) src(%dma_wait3A_89 : memref<4096xf32, #tpu.memory_space<vmem>>) dst(%dma_wait3A_86 : memref<4096xf32, #tpu.memory_space<hbm>>)
    %dma_wait3A_90 = arith.constant 0 : i32
    %dma_wait3A_91 = arith.constant 0 : i32
    %dma_wait3A_92 = tpu.memref_slice %arg6[%dma_wait3A_90, %dma_wait3A_91] : memref<4x4096xf32, #tpu.memory_space<vmem>> -> memref<1x4096xf32, #tpu.memory_space<vmem>>
    %dma_wait3A_93 = tpu.memref_squeeze %dma_wait3A_92 : memref<1x4096xf32, #tpu.memory_space<vmem>> -> memref<4096xf32, #tpu.memory_space<vmem>>
    %dma_wait3A_94 = arith.constant 0 : i32
    %dma_wait3A_95 = tpu.memref_slice %arg4[%dma_wait3A_94] : memref<32000000xf32, #tpu.memory_space<hbm>> -> memref<4096xf32, #tpu.memory_space<hbm>>
    %dma_wait3A_96 = arith.constant 0 : i32
    %dma_wait3A_97 = tpu.memref_slice %arg4[%dma_wait3A_96] : memref<32000000xf32, #tpu.memory_space<hbm>> -> memref<4096xf32, #tpu.memory_space<hbm>>
    %dma_wait3A_98 = arith.constant 0 : i32
    %dma_wait3A_99 = tpu.memref_slice %arg6[%dma_wait3A_90, %dma_wait3A_98] : memref<4x4096xf32, #tpu.memory_space<vmem>> -> memref<1x4096xf32, #tpu.memory_space<vmem>>
    %dma_wait3A_100 = tpu.memref_squeeze %dma_wait3A_99 : memref<1x4096xf32, #tpu.memory_space<vmem>> -> memref<4096xf32, #tpu.memory_space<vmem>>
    tpu.wait_dma2 semaphore(%arg9 : memref<!tpu.dma_semaphore, #tpu.memory_space<semaphore_mem>>) src(%dma_wait3A_100 : memref<4096xf32, #tpu.memory_space<vmem>>) dst(%dma_wait3A_97 : memref<4096xf32, #tpu.memory_space<hbm>>)
    return
  }
}

#map = affine_map<(d0, d1) -> (0)>
#map1 = affine_map<(d0, d1) -> (0, 0)>
#map2 = affine_map<(d0, d1) -> (0, 0, 0, 0, 0)>
module attributes {stable_mosaic.version = 14 : i64} {
  func.func @k(%arg0: i32, %arg1: i32, %arg2: memref<819200xi32, #tpu.memory_space<hbm>>, %arg3: memref<1000000x32xf32, #tpu.memory_space<hbm>>, %arg4: memref<50x4x128x8x128xf32, #tpu.memory_space<hbm>>, %arg5: memref<2x512xi32, #tpu.memory_space<vmem>>, %arg6: memref<2x512x32xf32, #tpu.memory_space<vmem>>, %arg7: memref<2x32x521xf32, #tpu.memory_space<vmem>>, %arg8: memref<!tpu.dma_semaphore, #tpu.memory_space<semaphore_mem>>, %arg9: memref<!tpu.dma_semaphore, #tpu.memory_space<semaphore_mem>>, %arg10: memref<!tpu.dma_semaphore, #tpu.memory_space<semaphore_mem>>) attributes {dimension_semantics = [#tpu.dimension_semantics<core_parallel>, #tpu.dimension_semantics<subcore_parallel>], iteration_bounds = array<i64: 2, 16>, scalar_prefetch = 0 : i64, scratch_operands = 6 : i64, tpu.core_type = #tpu.core_type<sc_vector_subcore>, window_params = [{transform_indices = #map}, {transform_indices = #map1}, {transform_indices = #map2}]} {
    %mul3A = arith.constant 2 : i32
    %mul3A_0 = arith.muli %arg1, %mul3A : i32
    %add3A = arith.addi %mul3A_0, %arg0 : i32
    %mul3A_1 = arith.constant 512 : i32
    %mul3A_2 = arith.muli %add3A, %mul3A_1 : i32
    %add3A_3 = arith.constant 0 : i32
    %add3A_4 = arith.addi %add3A_3, %mul3A_2 : i32
    %dma_start3A = arith.constant 0 : i32
    %dma_start3A_5 = arith.constant 0 : i32
    %dma_start3A_6 = tpu.memref_slice %arg5[%dma_start3A, %dma_start3A_5] : memref<2x512xi32, #tpu.memory_space<vmem>> -> memref<1x512xi32, #tpu.memory_space<vmem>>
    %dma_start3A_7 = tpu.memref_squeeze %dma_start3A_6 : memref<1x512xi32, #tpu.memory_space<vmem>> -> memref<512xi32, #tpu.memory_space<vmem>>
    %dma_start3A_8 = tpu.memref_slice %arg2[%add3A_4] : memref<819200xi32, #tpu.memory_space<hbm>> -> memref<512xi32, #tpu.memory_space<hbm>>
    %dma_start3A_9 = arith.constant 0 : i32
    %dma_start3A_10 = tpu.memref_slice %arg5[%dma_start3A, %dma_start3A_9] : memref<2x512xi32, #tpu.memory_space<vmem>> -> memref<1x512xi32, #tpu.memory_space<vmem>>
    %dma_start3A_11 = tpu.memref_squeeze %dma_start3A_10 : memref<1x512xi32, #tpu.memory_space<vmem>> -> memref<512xi32, #tpu.memory_space<vmem>>
    %dma_start3A_12 = tpu.memref_slice %arg2[%add3A_4] : memref<819200xi32, #tpu.memory_space<hbm>> -> memref<512xi32, #tpu.memory_space<hbm>>
    tpu.enqueue_dma source(%dma_start3A_12 : memref<512xi32, #tpu.memory_space<hbm>>) target(%dma_start3A_11 : memref<512xi32, #tpu.memory_space<vmem>>) target_semaphore(%arg8 : memref<!tpu.dma_semaphore, #tpu.memory_space<semaphore_mem>>)
    %scan3A = arith.constant 0 : i32
    %scan3A_13 = arith.constant 0 : i32
    %scan3A_14 = arith.constant 51 : i32
    %scan3A_15 = arith.addi %scan3A_13, %scan3A_14 : i32
    %scan3A_16 = arith.constant 1 : i32
    scf.for %scan3A_385 = %scan3A_13 to %scan3A_15 step %scan3A_16  : i32 {
      %rem3A = arith.constant 2 : i32
      %rem3A_386 = arith.remsi %scan3A_385, %rem3A : i32
      %sub3A = arith.constant 1 : i32
      %sub3A_387 = arith.subi %sub3A, %rem3A_386 : i32
      %ge3A = arith.constant 2 : i32
      %ge3A_388 = arith.cmpi sge, %scan3A_385, %ge3A : i32
      %convert_element_type3A = arith.extui %ge3A_388 : i1 to i32
      %cond3A = arith.constant 0 : i32
      %cond3A_389 = arith.cmpi ne, %convert_element_type3A, %cond3A : i32
      scf.if %cond3A_389 {
        %mul3A_406 = arith.constant 4 : i32
        %mul3A_407 = arith.muli %add3A, %mul3A_406 : i32
        %add3A_408 = arith.constant 0 : i32
        %add3A_409 = arith.addi %mul3A_407, %add3A_408 : i32
        %dma_wait3A_410 = arith.constant 0 : i32
        %dma_wait3A_411 = arith.constant 0 : i32
        %dma_wait3A_412 = arith.constant 0 : i32
        %dma_wait3A_413 = arith.constant 0 : i32
        %dma_wait3A_414 = tpu.memref_slice %arg7[%rem3A_386, %dma_wait3A_412, %dma_wait3A_413] : memref<2x32x521xf32, #tpu.memory_space<vmem>> -> memref<1x8x128xf32, #tpu.memory_space<vmem>>
        %dma_wait3A_415 = tpu.memref_squeeze %dma_wait3A_414 : memref<1x8x128xf32, #tpu.memory_space<vmem>> -> memref<8x128xf32, #tpu.memory_space<vmem>>
        %dma_wait3A_416 = arith.constant 0 : i32
        %dma_wait3A_417 = arith.constant 0 : i32
        %dma_wait3A_418 = tpu.memref_slice %arg4[%dma_wait3A_410, %dma_wait3A_411, %add3A_409, %dma_wait3A_416, %dma_wait3A_417] : memref<50x4x128x8x128xf32, #tpu.memory_space<hbm>> -> memref<1x1x1x8x128xf32, #tpu.memory_space<hbm>>
        %dma_wait3A_419 = tpu.memref_squeeze %dma_wait3A_418 : memref<1x1x1x8x128xf32, #tpu.memory_space<hbm>> -> memref<8x128xf32, #tpu.memory_space<hbm>>
        %dma_wait3A_420 = arith.constant 0 : i32
        %dma_wait3A_421 = arith.constant 0 : i32
        %dma_wait3A_422 = tpu.memref_slice %arg4[%dma_wait3A_410, %dma_wait3A_411, %add3A_409, %dma_wait3A_420, %dma_wait3A_421] : memref<50x4x128x8x128xf32, #tpu.memory_space<hbm>> -> memref<1x1x1x8x128xf32, #tpu.memory_space<hbm>>
        %dma_wait3A_423 = tpu.memref_squeeze %dma_wait3A_422 : memref<1x1x1x8x128xf32, #tpu.memory_space<hbm>> -> memref<8x128xf32, #tpu.memory_space<hbm>>
        %dma_wait3A_424 = arith.constant 0 : i32
        %dma_wait3A_425 = arith.constant 0 : i32
        %dma_wait3A_426 = tpu.memref_slice %arg7[%rem3A_386, %dma_wait3A_424, %dma_wait3A_425] : memref<2x32x521xf32, #tpu.memory_space<vmem>> -> memref<1x8x128xf32, #tpu.memory_space<vmem>>
        %dma_wait3A_427 = tpu.memref_squeeze %dma_wait3A_426 : memref<1x8x128xf32, #tpu.memory_space<vmem>> -> memref<8x128xf32, #tpu.memory_space<vmem>>
        tpu.wait_dma2 semaphore(%arg10 : memref<!tpu.dma_semaphore, #tpu.memory_space<semaphore_mem>>) src(%dma_wait3A_427 : memref<8x128xf32, #tpu.memory_space<vmem>>) dst(%dma_wait3A_423 : memref<8x128xf32, #tpu.memory_space<hbm>>)
        %mul3A_428 = arith.constant 4 : i32
        %mul3A_429 = arith.muli %add3A, %mul3A_428 : i32
        %add3A_430 = arith.constant 1 : i32
        %add3A_431 = arith.addi %mul3A_429, %add3A_430 : i32
        %dma_wait3A_432 = arith.constant 0 : i32
        %dma_wait3A_433 = arith.constant 0 : i32
        %dma_wait3A_434 = arith.constant 0 : i32
        %dma_wait3A_435 = arith.constant 128 : i32
        %dma_wait3A_436 = tpu.memref_slice %arg7[%rem3A_386, %dma_wait3A_434, %dma_wait3A_435] : memref<2x32x521xf32, #tpu.memory_space<vmem>> -> memref<1x8x128xf32, #tpu.memory_space<vmem>>
        %dma_wait3A_437 = tpu.memref_squeeze %dma_wait3A_436 : memref<1x8x128xf32, #tpu.memory_space<vmem>> -> memref<8x128xf32, #tpu.memory_space<vmem>>
        %dma_wait3A_438 = arith.constant 0 : i32
        %dma_wait3A_439 = arith.constant 0 : i32
        %dma_wait3A_440 = tpu.memref_slice %arg4[%dma_wait3A_432, %dma_wait3A_433, %add3A_431, %dma_wait3A_438, %dma_wait3A_439] : memref<50x4x128x8x128xf32, #tpu.memory_space<hbm>> -> memref<1x1x1x8x128xf32, #tpu.memory_space<hbm>>
        %dma_wait3A_441 = tpu.memref_squeeze %dma_wait3A_440 : memref<1x1x1x8x128xf32, #tpu.memory_space<hbm>> -> memref<8x128xf32, #tpu.memory_space<hbm>>
        %dma_wait3A_442 = arith.constant 0 : i32
        %dma_wait3A_443 = arith.constant 0 : i32
        %dma_wait3A_444 = tpu.memref_slice %arg4[%dma_wait3A_432, %dma_wait3A_433, %add3A_431, %dma_wait3A_442, %dma_wait3A_443] : memref<50x4x128x8x128xf32, #tpu.memory_space<hbm>> -> memref<1x1x1x8x128xf32, #tpu.memory_space<hbm>>
        %dma_wait3A_445 = tpu.memref_squeeze %dma_wait3A_444 : memref<1x1x1x8x128xf32, #tpu.memory_space<hbm>> -> memref<8x128xf32, #tpu.memory_space<hbm>>
        %dma_wait3A_446 = arith.constant 0 : i32
        %dma_wait3A_447 = arith.constant 128 : i32
        %dma_wait3A_448 = tpu.memref_slice %arg7[%rem3A_386, %dma_wait3A_446, %dma_wait3A_447] : memref<2x32x521xf32, #tpu.memory_space<vmem>> -> memref<1x8x128xf32, #tpu.memory_space<vmem>>
        %dma_wait3A_449 = tpu.memref_squeeze %dma_wait3A_448 : memref<1x8x128xf32, #tpu.memory_space<vmem>> -> memref<8x128xf32, #tpu.memory_space<vmem>>
        tpu.wait_dma2 semaphore(%arg10 : memref<!tpu.dma_semaphore, #tpu.memory_space<semaphore_mem>>) src(%dma_wait3A_449 : memref<8x128xf32, #tpu.memory_space<vmem>>) dst(%dma_wait3A_445 : memref<8x128xf32, #tpu.memory_space<hbm>>)
        %mul3A_450 = arith.constant 4 : i32
        %mul3A_451 = arith.muli %add3A, %mul3A_450 : i32
        %add3A_452 = arith.constant 2 : i32
        %add3A_453 = arith.addi %mul3A_451, %add3A_452 : i32
        %dma_wait3A_454 = arith.constant 0 : i32
        %dma_wait3A_455 = arith.constant 0 : i32
        %dma_wait3A_456 = arith.constant 0 : i32
        %dma_wait3A_457 = arith.constant 256 : i32
        %dma_wait3A_458 = tpu.memref_slice %arg7[%rem3A_386, %dma_wait3A_456, %dma_wait3A_457] : memref<2x32x521xf32, #tpu.memory_space<vmem>> -> memref<1x8x128xf32, #tpu.memory_space<vmem>>
        %dma_wait3A_459 = tpu.memref_squeeze %dma_wait3A_458 : memref<1x8x128xf32, #tpu.memory_space<vmem>> -> memref<8x128xf32, #tpu.memory_space<vmem>>
        %dma_wait3A_460 = arith.constant 0 : i32
        %dma_wait3A_461 = arith.constant 0 : i32
        %dma_wait3A_462 = tpu.memref_slice %arg4[%dma_wait3A_454, %dma_wait3A_455, %add3A_453, %dma_wait3A_460, %dma_wait3A_461] : memref<50x4x128x8x128xf32, #tpu.memory_space<hbm>> -> memref<1x1x1x8x128xf32, #tpu.memory_space<hbm>>
        %dma_wait3A_463 = tpu.memref_squeeze %dma_wait3A_462 : memref<1x1x1x8x128xf32, #tpu.memory_space<hbm>> -> memref<8x128xf32, #tpu.memory_space<hbm>>
        %dma_wait3A_464 = arith.constant 0 : i32
        %dma_wait3A_465 = arith.constant 0 : i32
        %dma_wait3A_466 = tpu.memref_slice %arg4[%dma_wait3A_454, %dma_wait3A_455, %add3A_453, %dma_wait3A_464, %dma_wait3A_465] : memref<50x4x128x8x128xf32, #tpu.memory_space<hbm>> -> memref<1x1x1x8x128xf32, #tpu.memory_space<hbm>>
        %dma_wait3A_467 = tpu.memref_squeeze %dma_wait3A_466 : memref<1x1x1x8x128xf32, #tpu.memory_space<hbm>> -> memref<8x128xf32, #tpu.memory_space<hbm>>
        %dma_wait3A_468 = arith.constant 0 : i32
        %dma_wait3A_469 = arith.constant 256 : i32
        %dma_wait3A_470 = tpu.memref_slice %arg7[%rem3A_386, %dma_wait3A_468, %dma_wait3A_469] : memref<2x32x521xf32, #tpu.memory_space<vmem>> -> memref<1x8x128xf32, #tpu.memory_space<vmem>>
        %dma_wait3A_471 = tpu.memref_squeeze %dma_wait3A_470 : memref<1x8x128xf32, #tpu.memory_space<vmem>> -> memref<8x128xf32, #tpu.memory_space<vmem>>
        tpu.wait_dma2 semaphore(%arg10 : memref<!tpu.dma_semaphore, #tpu.memory_space<semaphore_mem>>) src(%dma_wait3A_471 : memref<8x128xf32, #tpu.memory_space<vmem>>) dst(%dma_wait3A_467 : memref<8x128xf32, #tpu.memory_space<hbm>>)
        %mul3A_472 = arith.constant 4 : i32
        %mul3A_473 = arith.muli %add3A, %mul3A_472 : i32
        %add3A_474 = arith.constant 3 : i32
        %add3A_475 = arith.addi %mul3A_473, %add3A_474 : i32
        %dma_wait3A_476 = arith.constant 0 : i32
        %dma_wait3A_477 = arith.constant 0 : i32
        %dma_wait3A_478 = arith.constant 0 : i32
        %dma_wait3A_479 = arith.constant 384 : i32
        %dma_wait3A_480 = tpu.memref_slice %arg7[%rem3A_386, %dma_wait3A_478, %dma_wait3A_479] : memref<2x32x521xf32, #tpu.memory_space<vmem>> -> memref<1x8x128xf32, #tpu.memory_space<vmem>>
        %dma_wait3A_481 = tpu.memref_squeeze %dma_wait3A_480 : memref<1x8x128xf32, #tpu.memory_space<vmem>> -> memref<8x128xf32, #tpu.memory_space<vmem>>
        %dma_wait3A_482 = arith.constant 0 : i32
        %dma_wait3A_483 = arith.constant 0 : i32
        %dma_wait3A_484 = tpu.memref_slice %arg4[%dma_wait3A_476, %dma_wait3A_477, %add3A_475, %dma_wait3A_482, %dma_wait3A_483] : memref<50x4x128x8x128xf32, #tpu.memory_space<hbm>> -> memref<1x1x1x8x128xf32, #tpu.memory_space<hbm>>
        %dma_wait3A_485 = tpu.memref_squeeze %dma_wait3A_484 : memref<1x1x1x8x128xf32, #tpu.memory_space<hbm>> -> memref<8x128xf32, #tpu.memory_space<hbm>>
        %dma_wait3A_486 = arith.constant 0 : i32
        %dma_wait3A_487 = arith.constant 0 : i32
        %dma_wait3A_488 = tpu.memref_slice %arg4[%dma_wait3A_476, %dma_wait3A_477, %add3A_475, %dma_wait3A_486, %dma_wait3A_487] : memref<50x4x128x8x128xf32, #tpu.memory_space<hbm>> -> memref<1x1x1x8x128xf32, #tpu.memory_space<hbm>>
        %dma_wait3A_489 = tpu.memref_squeeze %dma_wait3A_488 : memref<1x1x1x8x128xf32, #tpu.memory_space<hbm>> -> memref<8x128xf32, #tpu.memory_space<hbm>>
        %dma_wait3A_490 = arith.constant 0 : i32
        %dma_wait3A_491 = arith.constant 384 : i32
        %dma_wait3A_492 = tpu.memref_slice %arg7[%rem3A_386, %dma_wait3A_490, %dma_wait3A_491] : memref<2x32x521xf32, #tpu.memory_space<vmem>> -> memref<1x8x128xf32, #tpu.memory_space<vmem>>
        %dma_wait3A_493 = tpu.memref_squeeze %dma_wait3A_492 : memref<1x8x128xf32, #tpu.memory_space<vmem>> -> memref<8x128xf32, #tpu.memory_space<vmem>>
        tpu.wait_dma2 semaphore(%arg10 : memref<!tpu.dma_semaphore, #tpu.memory_space<semaphore_mem>>) src(%dma_wait3A_493 : memref<8x128xf32, #tpu.memory_space<vmem>>) dst(%dma_wait3A_489 : memref<8x128xf32, #tpu.memory_space<hbm>>)
        %mul3A_494 = arith.constant 4 : i32
        %mul3A_495 = arith.muli %add3A, %mul3A_494 : i32
        %add3A_496 = arith.constant 0 : i32
        %add3A_497 = arith.addi %mul3A_495, %add3A_496 : i32
        %dma_wait3A_498 = arith.constant 0 : i32
        %dma_wait3A_499 = arith.constant 1 : i32
        %dma_wait3A_500 = arith.constant 8 : i32
        %dma_wait3A_501 = arith.constant 0 : i32
        %dma_wait3A_502 = tpu.memref_slice %arg7[%rem3A_386, %dma_wait3A_500, %dma_wait3A_501] : memref<2x32x521xf32, #tpu.memory_space<vmem>> -> memref<1x8x128xf32, #tpu.memory_space<vmem>>
        %dma_wait3A_503 = tpu.memref_squeeze %dma_wait3A_502 : memref<1x8x128xf32, #tpu.memory_space<vmem>> -> memref<8x128xf32, #tpu.memory_space<vmem>>
        %dma_wait3A_504 = arith.constant 0 : i32
        %dma_wait3A_505 = arith.constant 0 : i32
        %dma_wait3A_506 = tpu.memref_slice %arg4[%dma_wait3A_498, %dma_wait3A_499, %add3A_497, %dma_wait3A_504, %dma_wait3A_505] : memref<50x4x128x8x128xf32, #tpu.memory_space<hbm>> -> memref<1x1x1x8x128xf32, #tpu.memory_space<hbm>>
        %dma_wait3A_507 = tpu.memref_squeeze %dma_wait3A_506 : memref<1x1x1x8x128xf32, #tpu.memory_space<hbm>> -> memref<8x128xf32, #tpu.memory_space<hbm>>
        %dma_wait3A_508 = arith.constant 0 : i32
        %dma_wait3A_509 = arith.constant 0 : i32
        %dma_wait3A_510 = tpu.memref_slice %arg4[%dma_wait3A_498, %dma_wait3A_499, %add3A_497, %dma_wait3A_508, %dma_wait3A_509] : memref<50x4x128x8x128xf32, #tpu.memory_space<hbm>> -> memref<1x1x1x8x128xf32, #tpu.memory_space<hbm>>
        %dma_wait3A_511 = tpu.memref_squeeze %dma_wait3A_510 : memref<1x1x1x8x128xf32, #tpu.memory_space<hbm>> -> memref<8x128xf32, #tpu.memory_space<hbm>>
        %dma_wait3A_512 = arith.constant 8 : i32
        %dma_wait3A_513 = arith.constant 0 : i32
        %dma_wait3A_514 = tpu.memref_slice %arg7[%rem3A_386, %dma_wait3A_512, %dma_wait3A_513] : memref<2x32x521xf32, #tpu.memory_space<vmem>> -> memref<1x8x128xf32, #tpu.memory_space<vmem>>
        %dma_wait3A_515 = tpu.memref_squeeze %dma_wait3A_514 : memref<1x8x128xf32, #tpu.memory_space<vmem>> -> memref<8x128xf32, #tpu.memory_space<vmem>>
        tpu.wait_dma2 semaphore(%arg10 : memref<!tpu.dma_semaphore, #tpu.memory_space<semaphore_mem>>) src(%dma_wait3A_515 : memref<8x128xf32, #tpu.memory_space<vmem>>) dst(%dma_wait3A_511 : memref<8x128xf32, #tpu.memory_space<hbm>>)
        %mul3A_516 = arith.constant 4 : i32
        %mul3A_517 = arith.muli %add3A, %mul3A_516 : i32
        %add3A_518 = arith.constant 1 : i32
        %add3A_519 = arith.addi %mul3A_517, %add3A_518 : i32
        %dma_wait3A_520 = arith.constant 0 : i32
        %dma_wait3A_521 = arith.constant 1 : i32
        %dma_wait3A_522 = arith.constant 8 : i32
        %dma_wait3A_523 = arith.constant 128 : i32
        %dma_wait3A_524 = tpu.memref_slice %arg7[%rem3A_386, %dma_wait3A_522, %dma_wait3A_523] : memref<2x32x521xf32, #tpu.memory_space<vmem>> -> memref<1x8x128xf32, #tpu.memory_space<vmem>>
        %dma_wait3A_525 = tpu.memref_squeeze %dma_wait3A_524 : memref<1x8x128xf32, #tpu.memory_space<vmem>> -> memref<8x128xf32, #tpu.memory_space<vmem>>
        %dma_wait3A_526 = arith.constant 0 : i32
        %dma_wait3A_527 = arith.constant 0 : i32
        %dma_wait3A_528 = tpu.memref_slice %arg4[%dma_wait3A_520, %dma_wait3A_521, %add3A_519, %dma_wait3A_526, %dma_wait3A_527] : memref<50x4x128x8x128xf32, #tpu.memory_space<hbm>> -> memref<1x1x1x8x128xf32, #tpu.memory_space<hbm>>
        %dma_wait3A_529 = tpu.memref_squeeze %dma_wait3A_528 : memref<1x1x1x8x128xf32, #tpu.memory_space<hbm>> -> memref<8x128xf32, #tpu.memory_space<hbm>>
        %dma_wait3A_530 = arith.constant 0 : i32
        %dma_wait3A_531 = arith.constant 0 : i32
        %dma_wait3A_532 = tpu.memref_slice %arg4[%dma_wait3A_520, %dma_wait3A_521, %add3A_519, %dma_wait3A_530, %dma_wait3A_531] : memref<50x4x128x8x128xf32, #tpu.memory_space<hbm>> -> memref<1x1x1x8x128xf32, #tpu.memory_space<hbm>>
        %dma_wait3A_533 = tpu.memref_squeeze %dma_wait3A_532 : memref<1x1x1x8x128xf32, #tpu.memory_space<hbm>> -> memref<8x128xf32, #tpu.memory_space<hbm>>
        %dma_wait3A_534 = arith.constant 8 : i32
        %dma_wait3A_535 = arith.constant 128 : i32
        %dma_wait3A_536 = tpu.memref_slice %arg7[%rem3A_386, %dma_wait3A_534, %dma_wait3A_535] : memref<2x32x521xf32, #tpu.memory_space<vmem>> -> memref<1x8x128xf32, #tpu.memory_space<vmem>>
        %dma_wait3A_537 = tpu.memref_squeeze %dma_wait3A_536 : memref<1x8x128xf32, #tpu.memory_space<vmem>> -> memref<8x128xf32, #tpu.memory_space<vmem>>
        tpu.wait_dma2 semaphore(%arg10 : memref<!tpu.dma_semaphore, #tpu.memory_space<semaphore_mem>>) src(%dma_wait3A_537 : memref<8x128xf32, #tpu.memory_space<vmem>>) dst(%dma_wait3A_533 : memref<8x128xf32, #tpu.memory_space<hbm>>)
        %mul3A_538 = arith.constant 4 : i32
        %mul3A_539 = arith.muli %add3A, %mul3A_538 : i32
        %add3A_540 = arith.constant 2 : i32
        %add3A_541 = arith.addi %mul3A_539, %add3A_540 : i32
        %dma_wait3A_542 = arith.constant 0 : i32
        %dma_wait3A_543 = arith.constant 1 : i32
        %dma_wait3A_544 = arith.constant 8 : i32
        %dma_wait3A_545 = arith.constant 256 : i32
        %dma_wait3A_546 = tpu.memref_slice %arg7[%rem3A_386, %dma_wait3A_544, %dma_wait3A_545] : memref<2x32x521xf32, #tpu.memory_space<vmem>> -> memref<1x8x128xf32, #tpu.memory_space<vmem>>
        %dma_wait3A_547 = tpu.memref_squeeze %dma_wait3A_546 : memref<1x8x128xf32, #tpu.memory_space<vmem>> -> memref<8x128xf32, #tpu.memory_space<vmem>>
        %dma_wait3A_548 = arith.constant 0 : i32
        %dma_wait3A_549 = arith.constant 0 : i32
        %dma_wait3A_550 = tpu.memref_slice %arg4[%dma_wait3A_542, %dma_wait3A_543, %add3A_541, %dma_wait3A_548, %dma_wait3A_549] : memref<50x4x128x8x128xf32, #tpu.memory_space<hbm>> -> memref<1x1x1x8x128xf32, #tpu.memory_space<hbm>>
        %dma_wait3A_551 = tpu.memref_squeeze %dma_wait3A_550 : memref<1x1x1x8x128xf32, #tpu.memory_space<hbm>> -> memref<8x128xf32, #tpu.memory_space<hbm>>
        %dma_wait3A_552 = arith.constant 0 : i32
        %dma_wait3A_553 = arith.constant 0 : i32
        %dma_wait3A_554 = tpu.memref_slice %arg4[%dma_wait3A_542, %dma_wait3A_543, %add3A_541, %dma_wait3A_552, %dma_wait3A_553] : memref<50x4x128x8x128xf32, #tpu.memory_space<hbm>> -> memref<1x1x1x8x128xf32, #tpu.memory_space<hbm>>
        %dma_wait3A_555 = tpu.memref_squeeze %dma_wait3A_554 : memref<1x1x1x8x128xf32, #tpu.memory_space<hbm>> -> memref<8x128xf32, #tpu.memory_space<hbm>>
        %dma_wait3A_556 = arith.constant 8 : i32
        %dma_wait3A_557 = arith.constant 256 : i32
        %dma_wait3A_558 = tpu.memref_slice %arg7[%rem3A_386, %dma_wait3A_556, %dma_wait3A_557] : memref<2x32x521xf32, #tpu.memory_space<vmem>> -> memref<1x8x128xf32, #tpu.memory_space<vmem>>
        %dma_wait3A_559 = tpu.memref_squeeze %dma_wait3A_558 : memref<1x8x128xf32, #tpu.memory_space<vmem>> -> memref<8x128xf32, #tpu.memory_space<vmem>>
        tpu.wait_dma2 semaphore(%arg10 : memref<!tpu.dma_semaphore, #tpu.memory_space<semaphore_mem>>) src(%dma_wait3A_559 : memref<8x128xf32, #tpu.memory_space<vmem>>) dst(%dma_wait3A_555 : memref<8x128xf32, #tpu.memory_space<hbm>>)
        %mul3A_560 = arith.constant 4 : i32
        %mul3A_561 = arith.muli %add3A, %mul3A_560 : i32
        %add3A_562 = arith.constant 3 : i32
        %add3A_563 = arith.addi %mul3A_561, %add3A_562 : i32
        %dma_wait3A_564 = arith.constant 0 : i32
        %dma_wait3A_565 = arith.constant 1 : i32
        %dma_wait3A_566 = arith.constant 8 : i32
        %dma_wait3A_567 = arith.constant 384 : i32
        %dma_wait3A_568 = tpu.memref_slice %arg7[%rem3A_386, %dma_wait3A_566, %dma_wait3A_567] : memref<2x32x521xf32, #tpu.memory_space<vmem>> -> memref<1x8x128xf32, #tpu.memory_space<vmem>>
        %dma_wait3A_569 = tpu.memref_squeeze %dma_wait3A_568 : memref<1x8x128xf32, #tpu.memory_space<vmem>> -> memref<8x128xf32, #tpu.memory_space<vmem>>
        %dma_wait3A_570 = arith.constant 0 : i32
        %dma_wait3A_571 = arith.constant 0 : i32
        %dma_wait3A_572 = tpu.memref_slice %arg4[%dma_wait3A_564, %dma_wait3A_565, %add3A_563, %dma_wait3A_570, %dma_wait3A_571] : memref<50x4x128x8x128xf32, #tpu.memory_space<hbm>> -> memref<1x1x1x8x128xf32, #tpu.memory_space<hbm>>
        %dma_wait3A_573 = tpu.memref_squeeze %dma_wait3A_572 : memref<1x1x1x8x128xf32, #tpu.memory_space<hbm>> -> memref<8x128xf32, #tpu.memory_space<hbm>>
        %dma_wait3A_574 = arith.constant 0 : i32
        %dma_wait3A_575 = arith.constant 0 : i32
        %dma_wait3A_576 = tpu.memref_slice %arg4[%dma_wait3A_564, %dma_wait3A_565, %add3A_563, %dma_wait3A_574, %dma_wait3A_575] : memref<50x4x128x8x128xf32, #tpu.memory_space<hbm>> -> memref<1x1x1x8x128xf32, #tpu.memory_space<hbm>>
        %dma_wait3A_577 = tpu.memref_squeeze %dma_wait3A_576 : memref<1x1x1x8x128xf32, #tpu.memory_space<hbm>> -> memref<8x128xf32, #tpu.memory_space<hbm>>
        %dma_wait3A_578 = arith.constant 8 : i32
        %dma_wait3A_579 = arith.constant 384 : i32
        %dma_wait3A_580 = tpu.memref_slice %arg7[%rem3A_386, %dma_wait3A_578, %dma_wait3A_579] : memref<2x32x521xf32, #tpu.memory_space<vmem>> -> memref<1x8x128xf32, #tpu.memory_space<vmem>>
        %dma_wait3A_581 = tpu.memref_squeeze %dma_wait3A_580 : memref<1x8x128xf32, #tpu.memory_space<vmem>> -> memref<8x128xf32, #tpu.memory_space<vmem>>
        tpu.wait_dma2 semaphore(%arg10 : memref<!tpu.dma_semaphore, #tpu.memory_space<semaphore_mem>>) src(%dma_wait3A_581 : memref<8x128xf32, #tpu.memory_space<vmem>>) dst(%dma_wait3A_577 : memref<8x128xf32, #tpu.memory_space<hbm>>)
        %mul3A_582 = arith.constant 4 : i32
        %mul3A_583 = arith.muli %add3A, %mul3A_582 : i32
        %add3A_584 = arith.constant 0 : i32
        %add3A_585 = arith.addi %mul3A_583, %add3A_584 : i32
        %dma_wait3A_586 = arith.constant 0 : i32
        %dma_wait3A_587 = arith.constant 2 : i32
        %dma_wait3A_588 = arith.constant 16 : i32
        %dma_wait3A_589 = arith.constant 0 : i32
        %dma_wait3A_590 = tpu.memref_slice %arg7[%rem3A_386, %dma_wait3A_588, %dma_wait3A_589] : memref<2x32x521xf32, #tpu.memory_space<vmem>> -> memref<1x8x128xf32, #tpu.memory_space<vmem>>
        %dma_wait3A_591 = tpu.memref_squeeze %dma_wait3A_590 : memref<1x8x128xf32, #tpu.memory_space<vmem>> -> memref<8x128xf32, #tpu.memory_space<vmem>>
        %dma_wait3A_592 = arith.constant 0 : i32
        %dma_wait3A_593 = arith.constant 0 : i32
        %dma_wait3A_594 = tpu.memref_slice %arg4[%dma_wait3A_586, %dma_wait3A_587, %add3A_585, %dma_wait3A_592, %dma_wait3A_593] : memref<50x4x128x8x128xf32, #tpu.memory_space<hbm>> -> memref<1x1x1x8x128xf32, #tpu.memory_space<hbm>>
        %dma_wait3A_595 = tpu.memref_squeeze %dma_wait3A_594 : memref<1x1x1x8x128xf32, #tpu.memory_space<hbm>> -> memref<8x128xf32, #tpu.memory_space<hbm>>
        %dma_wait3A_596 = arith.constant 0 : i32
        %dma_wait3A_597 = arith.constant 0 : i32
        %dma_wait3A_598 = tpu.memref_slice %arg4[%dma_wait3A_586, %dma_wait3A_587, %add3A_585, %dma_wait3A_596, %dma_wait3A_597] : memref<50x4x128x8x128xf32, #tpu.memory_space<hbm>> -> memref<1x1x1x8x128xf32, #tpu.memory_space<hbm>>
        %dma_wait3A_599 = tpu.memref_squeeze %dma_wait3A_598 : memref<1x1x1x8x128xf32, #tpu.memory_space<hbm>> -> memref<8x128xf32, #tpu.memory_space<hbm>>
        %dma_wait3A_600 = arith.constant 16 : i32
        %dma_wait3A_601 = arith.constant 0 : i32
        %dma_wait3A_602 = tpu.memref_slice %arg7[%rem3A_386, %dma_wait3A_600, %dma_wait3A_601] : memref<2x32x521xf32, #tpu.memory_space<vmem>> -> memref<1x8x128xf32, #tpu.memory_space<vmem>>
        %dma_wait3A_603 = tpu.memref_squeeze %dma_wait3A_602 : memref<1x8x128xf32, #tpu.memory_space<vmem>> -> memref<8x128xf32, #tpu.memory_space<vmem>>
        tpu.wait_dma2 semaphore(%arg10 : memref<!tpu.dma_semaphore, #tpu.memory_space<semaphore_mem>>) src(%dma_wait3A_603 : memref<8x128xf32, #tpu.memory_space<vmem>>) dst(%dma_wait3A_599 : memref<8x128xf32, #tpu.memory_space<hbm>>)
        %mul3A_604 = arith.constant 4 : i32
        %mul3A_605 = arith.muli %add3A, %mul3A_604 : i32
        %add3A_606 = arith.constant 1 : i32
        %add3A_607 = arith.addi %mul3A_605, %add3A_606 : i32
        %dma_wait3A_608 = arith.constant 0 : i32
        %dma_wait3A_609 = arith.constant 2 : i32
        %dma_wait3A_610 = arith.constant 16 : i32
        %dma_wait3A_611 = arith.constant 128 : i32
        %dma_wait3A_612 = tpu.memref_slice %arg7[%rem3A_386, %dma_wait3A_610, %dma_wait3A_611] : memref<2x32x521xf32, #tpu.memory_space<vmem>> -> memref<1x8x128xf32, #tpu.memory_space<vmem>>
        %dma_wait3A_613 = tpu.memref_squeeze %dma_wait3A_612 : memref<1x8x128xf32, #tpu.memory_space<vmem>> -> memref<8x128xf32, #tpu.memory_space<vmem>>
        %dma_wait3A_614 = arith.constant 0 : i32
        %dma_wait3A_615 = arith.constant 0 : i32
        %dma_wait3A_616 = tpu.memref_slice %arg4[%dma_wait3A_608, %dma_wait3A_609, %add3A_607, %dma_wait3A_614, %dma_wait3A_615] : memref<50x4x128x8x128xf32, #tpu.memory_space<hbm>> -> memref<1x1x1x8x128xf32, #tpu.memory_space<hbm>>
        %dma_wait3A_617 = tpu.memref_squeeze %dma_wait3A_616 : memref<1x1x1x8x128xf32, #tpu.memory_space<hbm>> -> memref<8x128xf32, #tpu.memory_space<hbm>>
        %dma_wait3A_618 = arith.constant 0 : i32
        %dma_wait3A_619 = arith.constant 0 : i32
        %dma_wait3A_620 = tpu.memref_slice %arg4[%dma_wait3A_608, %dma_wait3A_609, %add3A_607, %dma_wait3A_618, %dma_wait3A_619] : memref<50x4x128x8x128xf32, #tpu.memory_space<hbm>> -> memref<1x1x1x8x128xf32, #tpu.memory_space<hbm>>
        %dma_wait3A_621 = tpu.memref_squeeze %dma_wait3A_620 : memref<1x1x1x8x128xf32, #tpu.memory_space<hbm>> -> memref<8x128xf32, #tpu.memory_space<hbm>>
        %dma_wait3A_622 = arith.constant 16 : i32
        %dma_wait3A_623 = arith.constant 128 : i32
        %dma_wait3A_624 = tpu.memref_slice %arg7[%rem3A_386, %dma_wait3A_622, %dma_wait3A_623] : memref<2x32x521xf32, #tpu.memory_space<vmem>> -> memref<1x8x128xf32, #tpu.memory_space<vmem>>
        %dma_wait3A_625 = tpu.memref_squeeze %dma_wait3A_624 : memref<1x8x128xf32, #tpu.memory_space<vmem>> -> memref<8x128xf32, #tpu.memory_space<vmem>>
        tpu.wait_dma2 semaphore(%arg10 : memref<!tpu.dma_semaphore, #tpu.memory_space<semaphore_mem>>) src(%dma_wait3A_625 : memref<8x128xf32, #tpu.memory_space<vmem>>) dst(%dma_wait3A_621 : memref<8x128xf32, #tpu.memory_space<hbm>>)
        %mul3A_626 = arith.constant 4 : i32
        %mul3A_627 = arith.muli %add3A, %mul3A_626 : i32
        %add3A_628 = arith.constant 2 : i32
        %add3A_629 = arith.addi %mul3A_627, %add3A_628 : i32
        %dma_wait3A_630 = arith.constant 0 : i32
        %dma_wait3A_631 = arith.constant 2 : i32
        %dma_wait3A_632 = arith.constant 16 : i32
        %dma_wait3A_633 = arith.constant 256 : i32
        %dma_wait3A_634 = tpu.memref_slice %arg7[%rem3A_386, %dma_wait3A_632, %dma_wait3A_633] : memref<2x32x521xf32, #tpu.memory_space<vmem>> -> memref<1x8x128xf32, #tpu.memory_space<vmem>>
        %dma_wait3A_635 = tpu.memref_squeeze %dma_wait3A_634 : memref<1x8x128xf32, #tpu.memory_space<vmem>> -> memref<8x128xf32, #tpu.memory_space<vmem>>
        %dma_wait3A_636 = arith.constant 0 : i32
        %dma_wait3A_637 = arith.constant 0 : i32
        %dma_wait3A_638 = tpu.memref_slice %arg4[%dma_wait3A_630, %dma_wait3A_631, %add3A_629, %dma_wait3A_636, %dma_wait3A_637] : memref<50x4x128x8x128xf32, #tpu.memory_space<hbm>> -> memref<1x1x1x8x128xf32, #tpu.memory_space<hbm>>
        %dma_wait3A_639 = tpu.memref_squeeze %dma_wait3A_638 : memref<1x1x1x8x128xf32, #tpu.memory_space<hbm>> -> memref<8x128xf32, #tpu.memory_space<hbm>>
        %dma_wait3A_640 = arith.constant 0 : i32
        %dma_wait3A_641 = arith.constant 0 : i32
        %dma_wait3A_642 = tpu.memref_slice %arg4[%dma_wait3A_630, %dma_wait3A_631, %add3A_629, %dma_wait3A_640, %dma_wait3A_641] : memref<50x4x128x8x128xf32, #tpu.memory_space<hbm>> -> memref<1x1x1x8x128xf32, #tpu.memory_space<hbm>>
        %dma_wait3A_643 = tpu.memref_squeeze %dma_wait3A_642 : memref<1x1x1x8x128xf32, #tpu.memory_space<hbm>> -> memref<8x128xf32, #tpu.memory_space<hbm>>
        %dma_wait3A_644 = arith.constant 16 : i32
        %dma_wait3A_645 = arith.constant 256 : i32
        %dma_wait3A_646 = tpu.memref_slice %arg7[%rem3A_386, %dma_wait3A_644, %dma_wait3A_645] : memref<2x32x521xf32, #tpu.memory_space<vmem>> -> memref<1x8x128xf32, #tpu.memory_space<vmem>>
        %dma_wait3A_647 = tpu.memref_squeeze %dma_wait3A_646 : memref<1x8x128xf32, #tpu.memory_space<vmem>> -> memref<8x128xf32, #tpu.memory_space<vmem>>
        tpu.wait_dma2 semaphore(%arg10 : memref<!tpu.dma_semaphore, #tpu.memory_space<semaphore_mem>>) src(%dma_wait3A_647 : memref<8x128xf32, #tpu.memory_space<vmem>>) dst(%dma_wait3A_643 : memref<8x128xf32, #tpu.memory_space<hbm>>)
        %mul3A_648 = arith.constant 4 : i32
        %mul3A_649 = arith.muli %add3A, %mul3A_648 : i32
        %add3A_650 = arith.constant 3 : i32
        %add3A_651 = arith.addi %mul3A_649, %add3A_650 : i32
        %dma_wait3A_652 = arith.constant 0 : i32
        %dma_wait3A_653 = arith.constant 2 : i32
        %dma_wait3A_654 = arith.constant 16 : i32
        %dma_wait3A_655 = arith.constant 384 : i32
        %dma_wait3A_656 = tpu.memref_slice %arg7[%rem3A_386, %dma_wait3A_654, %dma_wait3A_655] : memref<2x32x521xf32, #tpu.memory_space<vmem>> -> memref<1x8x128xf32, #tpu.memory_space<vmem>>
        %dma_wait3A_657 = tpu.memref_squeeze %dma_wait3A_656 : memref<1x8x128xf32, #tpu.memory_space<vmem>> -> memref<8x128xf32, #tpu.memory_space<vmem>>
        %dma_wait3A_658 = arith.constant 0 : i32
        %dma_wait3A_659 = arith.constant 0 : i32
        %dma_wait3A_660 = tpu.memref_slice %arg4[%dma_wait3A_652, %dma_wait3A_653, %add3A_651, %dma_wait3A_658, %dma_wait3A_659] : memref<50x4x128x8x128xf32, #tpu.memory_space<hbm>> -> memref<1x1x1x8x128xf32, #tpu.memory_space<hbm>>
        %dma_wait3A_661 = tpu.memref_squeeze %dma_wait3A_660 : memref<1x1x1x8x128xf32, #tpu.memory_space<hbm>> -> memref<8x128xf32, #tpu.memory_space<hbm>>
        %dma_wait3A_662 = arith.constant 0 : i32
        %dma_wait3A_663 = arith.constant 0 : i32
        %dma_wait3A_664 = tpu.memref_slice %arg4[%dma_wait3A_652, %dma_wait3A_653, %add3A_651, %dma_wait3A_662, %dma_wait3A_663] : memref<50x4x128x8x128xf32, #tpu.memory_space<hbm>> -> memref<1x1x1x8x128xf32, #tpu.memory_space<hbm>>
        %dma_wait3A_665 = tpu.memref_squeeze %dma_wait3A_664 : memref<1x1x1x8x128xf32, #tpu.memory_space<hbm>> -> memref<8x128xf32, #tpu.memory_space<hbm>>
        %dma_wait3A_666 = arith.constant 16 : i32
        %dma_wait3A_667 = arith.constant 384 : i32
        %dma_wait3A_668 = tpu.memref_slice %arg7[%rem3A_386, %dma_wait3A_666, %dma_wait3A_667] : memref<2x32x521xf32, #tpu.memory_space<vmem>> -> memref<1x8x128xf32, #tpu.memory_space<vmem>>
        %dma_wait3A_669 = tpu.memref_squeeze %dma_wait3A_668 : memref<1x8x128xf32, #tpu.memory_space<vmem>> -> memref<8x128xf32, #tpu.memory_space<vmem>>
        tpu.wait_dma2 semaphore(%arg10 : memref<!tpu.dma_semaphore, #tpu.memory_space<semaphore_mem>>) src(%dma_wait3A_669 : memref<8x128xf32, #tpu.memory_space<vmem>>) dst(%dma_wait3A_665 : memref<8x128xf32, #tpu.memory_space<hbm>>)
        %mul3A_670 = arith.constant 4 : i32
        %mul3A_671 = arith.muli %add3A, %mul3A_670 : i32
        %add3A_672 = arith.constant 0 : i32
        %add3A_673 = arith.addi %mul3A_671, %add3A_672 : i32
        %dma_wait3A_674 = arith.constant 0 : i32
        %dma_wait3A_675 = arith.constant 3 : i32
        %dma_wait3A_676 = arith.constant 24 : i32
        %dma_wait3A_677 = arith.constant 0 : i32
        %dma_wait3A_678 = tpu.memref_slice %arg7[%rem3A_386, %dma_wait3A_676, %dma_wait3A_677] : memref<2x32x521xf32, #tpu.memory_space<vmem>> -> memref<1x8x128xf32, #tpu.memory_space<vmem>>
        %dma_wait3A_679 = tpu.memref_squeeze %dma_wait3A_678 : memref<1x8x128xf32, #tpu.memory_space<vmem>> -> memref<8x128xf32, #tpu.memory_space<vmem>>
        %dma_wait3A_680 = arith.constant 0 : i32
        %dma_wait3A_681 = arith.constant 0 : i32
        %dma_wait3A_682 = tpu.memref_slice %arg4[%dma_wait3A_674, %dma_wait3A_675, %add3A_673, %dma_wait3A_680, %dma_wait3A_681] : memref<50x4x128x8x128xf32, #tpu.memory_space<hbm>> -> memref<1x1x1x8x128xf32, #tpu.memory_space<hbm>>
        %dma_wait3A_683 = tpu.memref_squeeze %dma_wait3A_682 : memref<1x1x1x8x128xf32, #tpu.memory_space<hbm>> -> memref<8x128xf32, #tpu.memory_space<hbm>>
        %dma_wait3A_684 = arith.constant 0 : i32
        %dma_wait3A_685 = arith.constant 0 : i32
        %dma_wait3A_686 = tpu.memref_slice %arg4[%dma_wait3A_674, %dma_wait3A_675, %add3A_673, %dma_wait3A_684, %dma_wait3A_685] : memref<50x4x128x8x128xf32, #tpu.memory_space<hbm>> -> memref<1x1x1x8x128xf32, #tpu.memory_space<hbm>>
        %dma_wait3A_687 = tpu.memref_squeeze %dma_wait3A_686 : memref<1x1x1x8x128xf32, #tpu.memory_space<hbm>> -> memref<8x128xf32, #tpu.memory_space<hbm>>
        %dma_wait3A_688 = arith.constant 24 : i32
        %dma_wait3A_689 = arith.constant 0 : i32
        %dma_wait3A_690 = tpu.memref_slice %arg7[%rem3A_386, %dma_wait3A_688, %dma_wait3A_689] : memref<2x32x521xf32, #tpu.memory_space<vmem>> -> memref<1x8x128xf32, #tpu.memory_space<vmem>>
        %dma_wait3A_691 = tpu.memref_squeeze %dma_wait3A_690 : memref<1x8x128xf32, #tpu.memory_space<vmem>> -> memref<8x128xf32, #tpu.memory_space<vmem>>
        tpu.wait_dma2 semaphore(%arg10 : memref<!tpu.dma_semaphore, #tpu.memory_space<semaphore_mem>>) src(%dma_wait3A_691 : memref<8x128xf32, #tpu.memory_space<vmem>>) dst(%dma_wait3A_687 : memref<8x128xf32, #tpu.memory_space<hbm>>)
        %mul3A_692 = arith.constant 4 : i32
        %mul3A_693 = arith.muli %add3A, %mul3A_692 : i32
        %add3A_694 = arith.constant 1 : i32
        %add3A_695 = arith.addi %mul3A_693, %add3A_694 : i32
        %dma_wait3A_696 = arith.constant 0 : i32
        %dma_wait3A_697 = arith.constant 3 : i32
        %dma_wait3A_698 = arith.constant 24 : i32
        %dma_wait3A_699 = arith.constant 128 : i32
        %dma_wait3A_700 = tpu.memref_slice %arg7[%rem3A_386, %dma_wait3A_698, %dma_wait3A_699] : memref<2x32x521xf32, #tpu.memory_space<vmem>> -> memref<1x8x128xf32, #tpu.memory_space<vmem>>
        %dma_wait3A_701 = tpu.memref_squeeze %dma_wait3A_700 : memref<1x8x128xf32, #tpu.memory_space<vmem>> -> memref<8x128xf32, #tpu.memory_space<vmem>>
        %dma_wait3A_702 = arith.constant 0 : i32
        %dma_wait3A_703 = arith.constant 0 : i32
        %dma_wait3A_704 = tpu.memref_slice %arg4[%dma_wait3A_696, %dma_wait3A_697, %add3A_695, %dma_wait3A_702, %dma_wait3A_703] : memref<50x4x128x8x128xf32, #tpu.memory_space<hbm>> -> memref<1x1x1x8x128xf32, #tpu.memory_space<hbm>>
        %dma_wait3A_705 = tpu.memref_squeeze %dma_wait3A_704 : memref<1x1x1x8x128xf32, #tpu.memory_space<hbm>> -> memref<8x128xf32, #tpu.memory_space<hbm>>
        %dma_wait3A_706 = arith.constant 0 : i32
        %dma_wait3A_707 = arith.constant 0 : i32
        %dma_wait3A_708 = tpu.memref_slice %arg4[%dma_wait3A_696, %dma_wait3A_697, %add3A_695, %dma_wait3A_706, %dma_wait3A_707] : memref<50x4x128x8x128xf32, #tpu.memory_space<hbm>> -> memref<1x1x1x8x128xf32, #tpu.memory_space<hbm>>
        %dma_wait3A_709 = tpu.memref_squeeze %dma_wait3A_708 : memref<1x1x1x8x128xf32, #tpu.memory_space<hbm>> -> memref<8x128xf32, #tpu.memory_space<hbm>>
        %dma_wait3A_710 = arith.constant 24 : i32
        %dma_wait3A_711 = arith.constant 128 : i32
        %dma_wait3A_712 = tpu.memref_slice %arg7[%rem3A_386, %dma_wait3A_710, %dma_wait3A_711] : memref<2x32x521xf32, #tpu.memory_space<vmem>> -> memref<1x8x128xf32, #tpu.memory_space<vmem>>
        %dma_wait3A_713 = tpu.memref_squeeze %dma_wait3A_712 : memref<1x8x128xf32, #tpu.memory_space<vmem>> -> memref<8x128xf32, #tpu.memory_space<vmem>>
        tpu.wait_dma2 semaphore(%arg10 : memref<!tpu.dma_semaphore, #tpu.memory_space<semaphore_mem>>) src(%dma_wait3A_713 : memref<8x128xf32, #tpu.memory_space<vmem>>) dst(%dma_wait3A_709 : memref<8x128xf32, #tpu.memory_space<hbm>>)
        %mul3A_714 = arith.constant 4 : i32
        %mul3A_715 = arith.muli %add3A, %mul3A_714 : i32
        %add3A_716 = arith.constant 2 : i32
        %add3A_717 = arith.addi %mul3A_715, %add3A_716 : i32
        %dma_wait3A_718 = arith.constant 0 : i32
        %dma_wait3A_719 = arith.constant 3 : i32
        %dma_wait3A_720 = arith.constant 24 : i32
        %dma_wait3A_721 = arith.constant 256 : i32
        %dma_wait3A_722 = tpu.memref_slice %arg7[%rem3A_386, %dma_wait3A_720, %dma_wait3A_721] : memref<2x32x521xf32, #tpu.memory_space<vmem>> -> memref<1x8x128xf32, #tpu.memory_space<vmem>>
        %dma_wait3A_723 = tpu.memref_squeeze %dma_wait3A_722 : memref<1x8x128xf32, #tpu.memory_space<vmem>> -> memref<8x128xf32, #tpu.memory_space<vmem>>
        %dma_wait3A_724 = arith.constant 0 : i32
        %dma_wait3A_725 = arith.constant 0 : i32
        %dma_wait3A_726 = tpu.memref_slice %arg4[%dma_wait3A_718, %dma_wait3A_719, %add3A_717, %dma_wait3A_724, %dma_wait3A_725] : memref<50x4x128x8x128xf32, #tpu.memory_space<hbm>> -> memref<1x1x1x8x128xf32, #tpu.memory_space<hbm>>
        %dma_wait3A_727 = tpu.memref_squeeze %dma_wait3A_726 : memref<1x1x1x8x128xf32, #tpu.memory_space<hbm>> -> memref<8x128xf32, #tpu.memory_space<hbm>>
        %dma_wait3A_728 = arith.constant 0 : i32
        %dma_wait3A_729 = arith.constant 0 : i32
        %dma_wait3A_730 = tpu.memref_slice %arg4[%dma_wait3A_718, %dma_wait3A_719, %add3A_717, %dma_wait3A_728, %dma_wait3A_729] : memref<50x4x128x8x128xf32, #tpu.memory_space<hbm>> -> memref<1x1x1x8x128xf32, #tpu.memory_space<hbm>>
        %dma_wait3A_731 = tpu.memref_squeeze %dma_wait3A_730 : memref<1x1x1x8x128xf32, #tpu.memory_space<hbm>> -> memref<8x128xf32, #tpu.memory_space<hbm>>
        %dma_wait3A_732 = arith.constant 24 : i32
        %dma_wait3A_733 = arith.constant 256 : i32
        %dma_wait3A_734 = tpu.memref_slice %arg7[%rem3A_386, %dma_wait3A_732, %dma_wait3A_733] : memref<2x32x521xf32, #tpu.memory_space<vmem>> -> memref<1x8x128xf32, #tpu.memory_space<vmem>>
        %dma_wait3A_735 = tpu.memref_squeeze %dma_wait3A_734 : memref<1x8x128xf32, #tpu.memory_space<vmem>> -> memref<8x128xf32, #tpu.memory_space<vmem>>
        tpu.wait_dma2 semaphore(%arg10 : memref<!tpu.dma_semaphore, #tpu.memory_space<semaphore_mem>>) src(%dma_wait3A_735 : memref<8x128xf32, #tpu.memory_space<vmem>>) dst(%dma_wait3A_731 : memref<8x128xf32, #tpu.memory_space<hbm>>)
        %mul3A_736 = arith.constant 4 : i32
        %mul3A_737 = arith.muli %add3A, %mul3A_736 : i32
        %add3A_738 = arith.constant 3 : i32
        %add3A_739 = arith.addi %mul3A_737, %add3A_738 : i32
        %dma_wait3A_740 = arith.constant 0 : i32
        %dma_wait3A_741 = arith.constant 3 : i32
        %dma_wait3A_742 = arith.constant 24 : i32
        %dma_wait3A_743 = arith.constant 384 : i32
        %dma_wait3A_744 = tpu.memref_slice %arg7[%rem3A_386, %dma_wait3A_742, %dma_wait3A_743] : memref<2x32x521xf32, #tpu.memory_space<vmem>> -> memref<1x8x128xf32, #tpu.memory_space<vmem>>
        %dma_wait3A_745 = tpu.memref_squeeze %dma_wait3A_744 : memref<1x8x128xf32, #tpu.memory_space<vmem>> -> memref<8x128xf32, #tpu.memory_space<vmem>>
        %dma_wait3A_746 = arith.constant 0 : i32
        %dma_wait3A_747 = arith.constant 0 : i32
        %dma_wait3A_748 = tpu.memref_slice %arg4[%dma_wait3A_740, %dma_wait3A_741, %add3A_739, %dma_wait3A_746, %dma_wait3A_747] : memref<50x4x128x8x128xf32, #tpu.memory_space<hbm>> -> memref<1x1x1x8x128xf32, #tpu.memory_space<hbm>>
        %dma_wait3A_749 = tpu.memref_squeeze %dma_wait3A_748 : memref<1x1x1x8x128xf32, #tpu.memory_space<hbm>> -> memref<8x128xf32, #tpu.memory_space<hbm>>
        %dma_wait3A_750 = arith.constant 0 : i32
        %dma_wait3A_751 = arith.constant 0 : i32
        %dma_wait3A_752 = tpu.memref_slice %arg4[%dma_wait3A_740, %dma_wait3A_741, %add3A_739, %dma_wait3A_750, %dma_wait3A_751] : memref<50x4x128x8x128xf32, #tpu.memory_space<hbm>> -> memref<1x1x1x8x128xf32, #tpu.memory_space<hbm>>
        %dma_wait3A_753 = tpu.memref_squeeze %dma_wait3A_752 : memref<1x1x1x8x128xf32, #tpu.memory_space<hbm>> -> memref<8x128xf32, #tpu.memory_space<hbm>>
        %dma_wait3A_754 = arith.constant 24 : i32
        %dma_wait3A_755 = arith.constant 384 : i32
        %dma_wait3A_756 = tpu.memref_slice %arg7[%rem3A_386, %dma_wait3A_754, %dma_wait3A_755] : memref<2x32x521xf32, #tpu.memory_space<vmem>> -> memref<1x8x128xf32, #tpu.memory_space<vmem>>
        %dma_wait3A_757 = tpu.memref_squeeze %dma_wait3A_756 : memref<1x8x128xf32, #tpu.memory_space<vmem>> -> memref<8x128xf32, #tpu.memory_space<vmem>>
        tpu.wait_dma2 semaphore(%arg10 : memref<!tpu.dma_semaphore, #tpu.memory_space<semaphore_mem>>) src(%dma_wait3A_757 : memref<8x128xf32, #tpu.memory_space<vmem>>) dst(%dma_wait3A_753 : memref<8x128xf32, #tpu.memory_space<hbm>>)
      } else {
      }
      %lt3A = arith.constant 50 : i32
      %lt3A_390 = arith.cmpi slt, %scan3A_385, %lt3A : i32
      %convert_element_type3A_391 = arith.extui %lt3A_390 : i1 to i32
      %cond3A_392 = arith.constant 0 : i32
      %cond3A_393 = arith.cmpi ne, %convert_element_type3A_391, %cond3A_392 : i32
      scf.if %cond3A_393 {
        %mul3A_406 = arith.constant 16384 : i32
        %mul3A_407 = arith.muli %scan3A_385, %mul3A_406 : i32
        %add3A_408 = arith.addi %mul3A_407, %mul3A_2 : i32
        %dma_wait3A_409 = arith.constant 0 : i32
        %dma_wait3A_410 = tpu.memref_slice %arg5[%rem3A_386, %dma_wait3A_409] : memref<2x512xi32, #tpu.memory_space<vmem>> -> memref<1x512xi32, #tpu.memory_space<vmem>>
        %dma_wait3A_411 = tpu.memref_squeeze %dma_wait3A_410 : memref<1x512xi32, #tpu.memory_space<vmem>> -> memref<512xi32, #tpu.memory_space<vmem>>
        %dma_wait3A_412 = tpu.memref_slice %arg2[%add3A_408] : memref<819200xi32, #tpu.memory_space<hbm>> -> memref<512xi32, #tpu.memory_space<hbm>>
        %dma_wait3A_413 = arith.constant 0 : i32
        %dma_wait3A_414 = tpu.memref_slice %arg5[%rem3A_386, %dma_wait3A_413] : memref<2x512xi32, #tpu.memory_space<vmem>> -> memref<1x512xi32, #tpu.memory_space<vmem>>
        %dma_wait3A_415 = tpu.memref_squeeze %dma_wait3A_414 : memref<1x512xi32, #tpu.memory_space<vmem>> -> memref<512xi32, #tpu.memory_space<vmem>>
        %dma_wait3A_416 = tpu.memref_slice %arg2[%add3A_408] : memref<819200xi32, #tpu.memory_space<hbm>> -> memref<512xi32, #tpu.memory_space<hbm>>
        tpu.wait_dma2 semaphore(%arg8 : memref<!tpu.dma_semaphore, #tpu.memory_space<semaphore_mem>>) src(%dma_wait3A_416 : memref<512xi32, #tpu.memory_space<hbm>>) dst(%dma_wait3A_415 : memref<512xi32, #tpu.memory_space<vmem>>)
        %dma_start3A_417 = arith.constant 0 : i32
        %dma_start3A_418 = arith.constant 0 : i32
        %dma_start3A_419 = tpu.memref_slice %arg6[%rem3A_386, %dma_start3A_417, %dma_start3A_418] : memref<2x512x32xf32, #tpu.memory_space<vmem>> -> memref<1x512x32xf32, #tpu.memory_space<vmem>>
        %dma_start3A_420 = tpu.memref_squeeze %dma_start3A_419 : memref<1x512x32xf32, #tpu.memory_space<vmem>> -> memref<512x32xf32, #tpu.memory_space<vmem>>
        %dma_start3A_421 = arith.constant 0 : i32
        %dma_start3A_422 = tpu.memref_slice %arg5[%rem3A_386, %dma_start3A_421] : memref<2x512xi32, #tpu.memory_space<vmem>> -> memref<1x512xi32, #tpu.memory_space<vmem>>
        %dma_start3A_423 = tpu.memref_squeeze %dma_start3A_422 : memref<1x512xi32, #tpu.memory_space<vmem>> -> memref<512xi32, #tpu.memory_space<vmem>>
        %dma_start3A_424 = arith.constant 0 : i32
        %dma_start3A_425 = arith.constant 0 : i32
        %dma_start3A_426 = tpu.memref_slice %arg3[%dma_start3A_424, %dma_start3A_425] : memref<1000000x32xf32, #tpu.memory_space<hbm>> -> memref<1000000x32xf32, #tpu.memory_space<hbm>>
        tpu.enqueue_indirect_dma source(%dma_start3A_426 : memref<1000000x32xf32, #tpu.memory_space<hbm>>) target(%dma_start3A_420 : memref<512x32xf32, #tpu.memory_space<vmem>>) offsets(%dma_start3A_423 : memref<512xi32, #tpu.memory_space<vmem>>) semaphore(%arg9 : memref<!tpu.dma_semaphore, #tpu.memory_space<semaphore_mem>>)
      } else {
      }
      %ge3A_394 = arith.constant 1 : i32
      %ge3A_395 = arith.cmpi sge, %scan3A_385, %ge3A_394 : i32
      %convert_element_type3A_396 = arith.extui %ge3A_395 : i1 to i32
      %cond3A_397 = arith.constant 0 : i32
      %cond3A_398 = arith.cmpi ne, %convert_element_type3A_396, %cond3A_397 : i32
      scf.if %cond3A_398 {
        %dma_wait3A_406 = arith.constant 0 : i32
        %dma_wait3A_407 = arith.constant 0 : i32
        %dma_wait3A_408 = tpu.memref_slice %arg6[%sub3A_387, %dma_wait3A_406, %dma_wait3A_407] : memref<2x512x32xf32, #tpu.memory_space<vmem>> -> memref<1x512x32xf32, #tpu.memory_space<vmem>>
        %dma_wait3A_409 = tpu.memref_squeeze %dma_wait3A_408 : memref<1x512x32xf32, #tpu.memory_space<vmem>> -> memref<512x32xf32, #tpu.memory_space<vmem>>
        %dma_wait3A_410 = arith.constant 0 : i32
        %dma_wait3A_411 = tpu.memref_slice %arg5[%sub3A_387, %dma_wait3A_410] : memref<2x512xi32, #tpu.memory_space<vmem>> -> memref<1x512xi32, #tpu.memory_space<vmem>>
        %dma_wait3A_412 = tpu.memref_squeeze %dma_wait3A_411 : memref<1x512xi32, #tpu.memory_space<vmem>> -> memref<512xi32, #tpu.memory_space<vmem>>
        %dma_wait3A_413 = arith.constant 0 : i32
        %dma_wait3A_414 = arith.constant 0 : i32
        %dma_wait3A_415 = tpu.memref_slice %arg3[%dma_wait3A_413, %dma_wait3A_414] : memref<1000000x32xf32, #tpu.memory_space<hbm>> -> memref<1000000x32xf32, #tpu.memory_space<hbm>>
        tpu.wait_indirect_dma semaphore(%arg9 : memref<!tpu.dma_semaphore, #tpu.memory_space<semaphore_mem>>) src(%dma_wait3A_415 : memref<1000000x32xf32, #tpu.memory_space<hbm>>) dst(%dma_wait3A_409 : memref<512x32xf32, #tpu.memory_space<vmem>>)
        %parallel_loop3A = arith.constant 0 : i32
        %parallel_loop3A_416 = arith.constant 512 : i32
        %parallel_loop3A_417 = arith.constant 1 : i32
        scf.for %parallel_loop3A_786 = %parallel_loop3A to %parallel_loop3A_416 step %parallel_loop3A_417  : i32 {
          %parallel_loop3A_787 = vector.broadcast %parallel_loop3A_786 : i32 to vector<16xi32>
          %parallel_loop3A_788 = arith.index_cast %sub3A_387 : i32 to index
          %parallel_loop3A_789 = arith.index_cast %parallel_loop3A_786 : i32 to index
          %parallel_loop3A_790 = arith.constant 0 : index
          %parallel_loop3A_791 = tpu.vector_load %arg6[%parallel_loop3A_788, %parallel_loop3A_789, %parallel_loop3A_790] {strides = array<i32>} : memref<2x512x32xf32, #tpu.memory_space<vmem>>, vector<16xf32>,
          %parallel_loop3A_792 = tpu.iota {dimensions = array<i32: 0>} : vector<16xi32>
          %parallel_loop3A_793 = arith.constant 0 : i32
          %parallel_loop3A_794 = vector.broadcast %parallel_loop3A_793 : i32 to vector<16xi32>
          %parallel_loop3A_795 = arith.addi %parallel_loop3A_792, %parallel_loop3A_794 : vector<16xi32>
          %parallel_loop3A_796 = arith.constant 0 : i32
          %parallel_loop3A_797 = arith.constant 0 : i32
          %parallel_loop3A_798 = tpu.memref_slice %arg7[%sub3A_387, %parallel_loop3A_796, %parallel_loop3A_797] : memref<2x32x521xf32, #tpu.memory_space<vmem>> -> memref<1x32x521xf32, #tpu.memory_space<vmem>>
          %parallel_loop3A_799 = tpu.memref_squeeze %parallel_loop3A_798 : memref<1x32x521xf32, #tpu.memory_space<vmem>> -> memref<32x521xf32, #tpu.memory_space<vmem>>
          tpu.vector_store_idx %parallel_loop3A_799[%parallel_loop3A_795, %parallel_loop3A_787], %parallel_loop3A_791 : memref<32x521xf32, #tpu.memory_space<vmem>>[vector<16xi32>, vector<16xi32>], vector<16xf32>,
          %parallel_loop3A_800 = arith.index_cast %sub3A_387 : i32 to index
          %parallel_loop3A_801 = arith.index_cast %parallel_loop3A_786 : i32 to index
          %parallel_loop3A_802 = arith.constant 16 : index
          %parallel_loop3A_803 = tpu.vector_load %arg6[%parallel_loop3A_800, %parallel_loop3A_801, %parallel_loop3A_802] {strides = array<i32>} : memref<2x512x32xf32, #tpu.memory_space<vmem>>, vector<16xf32>,
          %parallel_loop3A_804 = tpu.iota {dimensions = array<i32: 0>} : vector<16xi32>
          %parallel_loop3A_805 = arith.constant 16 : i32
          %parallel_loop3A_806 = vector.broadcast %parallel_loop3A_805 : i32 to vector<16xi32>
          %parallel_loop3A_807 = arith.addi %parallel_loop3A_804, %parallel_loop3A_806 : vector<16xi32>
          %parallel_loop3A_808 = arith.constant 0 : i32
          %parallel_loop3A_809 = arith.constant 0 : i32
          %parallel_loop3A_810 = tpu.memref_slice %arg7[%sub3A_387, %parallel_loop3A_808, %parallel_loop3A_809] : memref<2x32x521xf32, #tpu.memory_space<vmem>> -> memref<1x32x521xf32, #tpu.memory_space<vmem>>
          %parallel_loop3A_811 = tpu.memref_squeeze %parallel_loop3A_810 : memref<1x32x521xf32, #tpu.memory_space<vmem>> -> memref<32x521xf32, #tpu.memory_space<vmem>>
          tpu.vector_store_idx %parallel_loop3A_811[%parallel_loop3A_807, %parallel_loop3A_787], %parallel_loop3A_803 : memref<32x521xf32, #tpu.memory_space<vmem>>[vector<16xi32>, vector<16xi32>], vector<16xf32>,
        } {sc.loop_unroll_factor = 8 : i64, sc.parallel_access}
        %sub3A_418 = arith.constant 1 : i32
        %sub3A_419 = arith.subi %scan3A_385, %sub3A_418 : i32
        %mul3A_420 = arith.constant 4 : i32
        %mul3A_421 = arith.muli %add3A, %mul3A_420 : i32
        %add3A_422 = arith.constant 0 : i32
        %add3A_423 = arith.addi %mul3A_421, %add3A_422 : i32
        %dma_start3A_424 = arith.constant 0 : i32
        %dma_start3A_425 = arith.constant 0 : i32
        %dma_start3A_426 = arith.constant 0 : i32
        %dma_start3A_427 = tpu.memref_slice %arg7[%sub3A_387, %dma_start3A_425, %dma_start3A_426] : memref<2x32x521xf32, #tpu.memory_space<vmem>> -> memref<1x8x128xf32, #tpu.memory_space<vmem>>
        %dma_start3A_428 = tpu.memref_squeeze %dma_start3A_427 : memref<1x8x128xf32, #tpu.memory_space<vmem>> -> memref<8x128xf32, #tpu.memory_space<vmem>>
        %dma_start3A_429 = arith.constant 0 : i32
        %dma_start3A_430 = arith.constant 0 : i32
        %dma_start3A_431 = tpu.memref_slice %arg4[%sub3A_419, %dma_start3A_424, %add3A_423, %dma_start3A_429, %dma_start3A_430] : memref<50x4x128x8x128xf32, #tpu.memory_space<hbm>> -> memref<1x1x1x8x128xf32, #tpu.memory_space<hbm>>
        %dma_start3A_432 = tpu.memref_squeeze %dma_start3A_431 : memref<1x1x1x8x128xf32, #tpu.memory_space<hbm>> -> memref<8x128xf32, #tpu.memory_space<hbm>>
        %dma_start3A_433 = arith.constant 0 : i32
        %dma_start3A_434 = arith.constant 0 : i32
        %dma_start3A_435 = tpu.memref_slice %arg4[%sub3A_419, %dma_start3A_424, %add3A_423, %dma_start3A_433, %dma_start3A_434] : memref<50x4x128x8x128xf32, #tpu.memory_space<hbm>> -> memref<1x1x1x8x128xf32, #tpu.memory_space<hbm>>
        %dma_start3A_436 = tpu.memref_squeeze %dma_start3A_435 : memref<1x1x1x8x128xf32, #tpu.memory_space<hbm>> -> memref<8x128xf32, #tpu.memory_space<hbm>>
        %dma_start3A_437 = arith.constant 0 : i32
        %dma_start3A_438 = arith.constant 0 : i32
        %dma_start3A_439 = tpu.memref_slice %arg7[%sub3A_387, %dma_start3A_437, %dma_start3A_438] : memref<2x32x521xf32, #tpu.memory_space<vmem>> -> memref<1x8x128xf32, #tpu.memory_space<vmem>>
        %dma_start3A_440 = tpu.memref_squeeze %dma_start3A_439 : memref<1x8x128xf32, #tpu.memory_space<vmem>> -> memref<8x128xf32, #tpu.memory_space<vmem>>
        tpu.enqueue_dma source(%dma_start3A_440 : memref<8x128xf32, #tpu.memory_space<vmem>>) target(%dma_start3A_436 : memref<8x128xf32, #tpu.memory_space<hbm>>) target_semaphore(%arg10 : memref<!tpu.dma_semaphore, #tpu.memory_space<semaphore_mem>>)
        %sub3A_441 = arith.constant 1 : i32
        %sub3A_442 = arith.subi %scan3A_385, %sub3A_441 : i32
        %mul3A_443 = arith.constant 4 : i32
        %mul3A_444 = arith.muli %add3A, %mul3A_443 : i32
        %add3A_445 = arith.constant 1 : i32
        %add3A_446 = arith.addi %mul3A_444, %add3A_445 : i32
        %dma_start3A_447 = arith.constant 0 : i32
        %dma_start3A_448 = arith.constant 0 : i32
        %dma_start3A_449 = arith.constant 128 : i32
        %dma_start3A_450 = tpu.memref_slice %arg7[%sub3A_387, %dma_start3A_448, %dma_start3A_449] : memref<2x32x521xf32, #tpu.memory_space<vmem>> -> memref<1x8x128xf32, #tpu.memory_space<vmem>>
        %dma_start3A_451 = tpu.memref_squeeze %dma_start3A_450 : memref<1x8x128xf32, #tpu.memory_space<vmem>> -> memref<8x128xf32, #tpu.memory_space<vmem>>
        %dma_start3A_452 = arith.constant 0 : i32
        %dma_start3A_453 = arith.constant 0 : i32
        %dma_start3A_454 = tpu.memref_slice %arg4[%sub3A_442, %dma_start3A_447, %add3A_446, %dma_start3A_452, %dma_start3A_453] : memref<50x4x128x8x128xf32, #tpu.memory_space<hbm>> -> memref<1x1x1x8x128xf32, #tpu.memory_space<hbm>>
        %dma_start3A_455 = tpu.memref_squeeze %dma_start3A_454 : memref<1x1x1x8x128xf32, #tpu.memory_space<hbm>> -> memref<8x128xf32, #tpu.memory_space<hbm>>
        %dma_start3A_456 = arith.constant 0 : i32
        %dma_start3A_457 = arith.constant 0 : i32
        %dma_start3A_458 = tpu.memref_slice %arg4[%sub3A_442, %dma_start3A_447, %add3A_446, %dma_start3A_456, %dma_start3A_457] : memref<50x4x128x8x128xf32, #tpu.memory_space<hbm>> -> memref<1x1x1x8x128xf32, #tpu.memory_space<hbm>>
        %dma_start3A_459 = tpu.memref_squeeze %dma_start3A_458 : memref<1x1x1x8x128xf32, #tpu.memory_space<hbm>> -> memref<8x128xf32, #tpu.memory_space<hbm>>
        %dma_start3A_460 = arith.constant 0 : i32
        %dma_start3A_461 = arith.constant 128 : i32
        %dma_start3A_462 = tpu.memref_slice %arg7[%sub3A_387, %dma_start3A_460, %dma_start3A_461] : memref<2x32x521xf32, #tpu.memory_space<vmem>> -> memref<1x8x128xf32, #tpu.memory_space<vmem>>
        %dma_start3A_463 = tpu.memref_squeeze %dma_start3A_462 : memref<1x8x128xf32, #tpu.memory_space<vmem>> -> memref<8x128xf32, #tpu.memory_space<vmem>>
        tpu.enqueue_dma source(%dma_start3A_463 : memref<8x128xf32, #tpu.memory_space<vmem>>) target(%dma_start3A_459 : memref<8x128xf32, #tpu.memory_space<hbm>>) target_semaphore(%arg10 : memref<!tpu.dma_semaphore, #tpu.memory_space<semaphore_mem>>)
        %sub3A_464 = arith.constant 1 : i32
        %sub3A_465 = arith.subi %scan3A_385, %sub3A_464 : i32
        %mul3A_466 = arith.constant 4 : i32
        %mul3A_467 = arith.muli %add3A, %mul3A_466 : i32
        %add3A_468 = arith.constant 2 : i32
        %add3A_469 = arith.addi %mul3A_467, %add3A_468 : i32
        %dma_start3A_470 = arith.constant 0 : i32
        %dma_start3A_471 = arith.constant 0 : i32
        %dma_start3A_472 = arith.constant 256 : i32
        %dma_start3A_473 = tpu.memref_slice %arg7[%sub3A_387, %dma_start3A_471, %dma_start3A_472] : memref<2x32x521xf32, #tpu.memory_space<vmem>> -> memref<1x8x128xf32, #tpu.memory_space<vmem>>
        %dma_start3A_474 = tpu.memref_squeeze %dma_start3A_473 : memref<1x8x128xf32, #tpu.memory_space<vmem>> -> memref<8x128xf32, #tpu.memory_space<vmem>>
        %dma_start3A_475 = arith.constant 0 : i32
        %dma_start3A_476 = arith.constant 0 : i32
        %dma_start3A_477 = tpu.memref_slice %arg4[%sub3A_465, %dma_start3A_470, %add3A_469, %dma_start3A_475, %dma_start3A_476] : memref<50x4x128x8x128xf32, #tpu.memory_space<hbm>> -> memref<1x1x1x8x128xf32, #tpu.memory_space<hbm>>
        %dma_start3A_478 = tpu.memref_squeeze %dma_start3A_477 : memref<1x1x1x8x128xf32, #tpu.memory_space<hbm>> -> memref<8x128xf32, #tpu.memory_space<hbm>>
        %dma_start3A_479 = arith.constant 0 : i32
        %dma_start3A_480 = arith.constant 0 : i32
        %dma_start3A_481 = tpu.memref_slice %arg4[%sub3A_465, %dma_start3A_470, %add3A_469, %dma_start3A_479, %dma_start3A_480] : memref<50x4x128x8x128xf32, #tpu.memory_space<hbm>> -> memref<1x1x1x8x128xf32, #tpu.memory_space<hbm>>
        %dma_start3A_482 = tpu.memref_squeeze %dma_start3A_481 : memref<1x1x1x8x128xf32, #tpu.memory_space<hbm>> -> memref<8x128xf32, #tpu.memory_space<hbm>>
        %dma_start3A_483 = arith.constant 0 : i32
        %dma_start3A_484 = arith.constant 256 : i32
        %dma_start3A_485 = tpu.memref_slice %arg7[%sub3A_387, %dma_start3A_483, %dma_start3A_484] : memref<2x32x521xf32, #tpu.memory_space<vmem>> -> memref<1x8x128xf32, #tpu.memory_space<vmem>>
        %dma_start3A_486 = tpu.memref_squeeze %dma_start3A_485 : memref<1x8x128xf32, #tpu.memory_space<vmem>> -> memref<8x128xf32, #tpu.memory_space<vmem>>
        tpu.enqueue_dma source(%dma_start3A_486 : memref<8x128xf32, #tpu.memory_space<vmem>>) target(%dma_start3A_482 : memref<8x128xf32, #tpu.memory_space<hbm>>) target_semaphore(%arg10 : memref<!tpu.dma_semaphore, #tpu.memory_space<semaphore_mem>>)
        %sub3A_487 = arith.constant 1 : i32
        %sub3A_488 = arith.subi %scan3A_385, %sub3A_487 : i32
        %mul3A_489 = arith.constant 4 : i32
        %mul3A_490 = arith.muli %add3A, %mul3A_489 : i32
        %add3A_491 = arith.constant 3 : i32
        %add3A_492 = arith.addi %mul3A_490, %add3A_491 : i32
        %dma_start3A_493 = arith.constant 0 : i32
        %dma_start3A_494 = arith.constant 0 : i32
        %dma_start3A_495 = arith.constant 384 : i32
        %dma_start3A_496 = tpu.memref_slice %arg7[%sub3A_387, %dma_start3A_494, %dma_start3A_495] : memref<2x32x521xf32, #tpu.memory_space<vmem>> -> memref<1x8x128xf32, #tpu.memory_space<vmem>>
        %dma_start3A_497 = tpu.memref_squeeze %dma_start3A_496 : memref<1x8x128xf32, #tpu.memory_space<vmem>> -> memref<8x128xf32, #tpu.memory_space<vmem>>
        %dma_start3A_498 = arith.constant 0 : i32
        %dma_start3A_499 = arith.constant 0 : i32
        %dma_start3A_500 = tpu.memref_slice %arg4[%sub3A_488, %dma_start3A_493, %add3A_492, %dma_start3A_498, %dma_start3A_499] : memref<50x4x128x8x128xf32, #tpu.memory_space<hbm>> -> memref<1x1x1x8x128xf32, #tpu.memory_space<hbm>>
        %dma_start3A_501 = tpu.memref_squeeze %dma_start3A_500 : memref<1x1x1x8x128xf32, #tpu.memory_space<hbm>> -> memref<8x128xf32, #tpu.memory_space<hbm>>
        %dma_start3A_502 = arith.constant 0 : i32
        %dma_start3A_503 = arith.constant 0 : i32
        %dma_start3A_504 = tpu.memref_slice %arg4[%sub3A_488, %dma_start3A_493, %add3A_492, %dma_start3A_502, %dma_start3A_503] : memref<50x4x128x8x128xf32, #tpu.memory_space<hbm>> -> memref<1x1x1x8x128xf32, #tpu.memory_space<hbm>>
        %dma_start3A_505 = tpu.memref_squeeze %dma_start3A_504 : memref<1x1x1x8x128xf32, #tpu.memory_space<hbm>> -> memref<8x128xf32, #tpu.memory_space<hbm>>
        %dma_start3A_506 = arith.constant 0 : i32
        %dma_start3A_507 = arith.constant 384 : i32
        %dma_start3A_508 = tpu.memref_slice %arg7[%sub3A_387, %dma_start3A_506, %dma_start3A_507] : memref<2x32x521xf32, #tpu.memory_space<vmem>> -> memref<1x8x128xf32, #tpu.memory_space<vmem>>
        %dma_start3A_509 = tpu.memref_squeeze %dma_start3A_508 : memref<1x8x128xf32, #tpu.memory_space<vmem>> -> memref<8x128xf32, #tpu.memory_space<vmem>>
        tpu.enqueue_dma source(%dma_start3A_509 : memref<8x128xf32, #tpu.memory_space<vmem>>) target(%dma_start3A_505 : memref<8x128xf32, #tpu.memory_space<hbm>>) target_semaphore(%arg10 : memref<!tpu.dma_semaphore, #tpu.memory_space<semaphore_mem>>)
        %sub3A_510 = arith.constant 1 : i32
        %sub3A_511 = arith.subi %scan3A_385, %sub3A_510 : i32
        %mul3A_512 = arith.constant 4 : i32
        %mul3A_513 = arith.muli %add3A, %mul3A_512 : i32
        %add3A_514 = arith.constant 0 : i32
        %add3A_515 = arith.addi %mul3A_513, %add3A_514 : i32
        %dma_start3A_516 = arith.constant 1 : i32
        %dma_start3A_517 = arith.constant 8 : i32
        %dma_start3A_518 = arith.constant 0 : i32
        %dma_start3A_519 = tpu.memref_slice %arg7[%sub3A_387, %dma_start3A_517, %dma_start3A_518] : memref<2x32x521xf32, #tpu.memory_space<vmem>> -> memref<1x8x128xf32, #tpu.memory_space<vmem>>
        %dma_start3A_520 = tpu.memref_squeeze %dma_start3A_519 : memref<1x8x128xf32, #tpu.memory_space<vmem>> -> memref<8x128xf32, #tpu.memory_space<vmem>>
        %dma_start3A_521 = arith.constant 0 : i32
        %dma_start3A_522 = arith.constant 0 : i32
        %dma_start3A_523 = tpu.memref_slice %arg4[%sub3A_511, %dma_start3A_516, %add3A_515, %dma_start3A_521, %dma_start3A_522] : memref<50x4x128x8x128xf32, #tpu.memory_space<hbm>> -> memref<1x1x1x8x128xf32, #tpu.memory_space<hbm>>
        %dma_start3A_524 = tpu.memref_squeeze %dma_start3A_523 : memref<1x1x1x8x128xf32, #tpu.memory_space<hbm>> -> memref<8x128xf32, #tpu.memory_space<hbm>>
        %dma_start3A_525 = arith.constant 0 : i32
        %dma_start3A_526 = arith.constant 0 : i32
        %dma_start3A_527 = tpu.memref_slice %arg4[%sub3A_511, %dma_start3A_516, %add3A_515, %dma_start3A_525, %dma_start3A_526] : memref<50x4x128x8x128xf32, #tpu.memory_space<hbm>> -> memref<1x1x1x8x128xf32, #tpu.memory_space<hbm>>
        %dma_start3A_528 = tpu.memref_squeeze %dma_start3A_527 : memref<1x1x1x8x128xf32, #tpu.memory_space<hbm>> -> memref<8x128xf32, #tpu.memory_space<hbm>>
        %dma_start3A_529 = arith.constant 8 : i32
        %dma_start3A_530 = arith.constant 0 : i32
        %dma_start3A_531 = tpu.memref_slice %arg7[%sub3A_387, %dma_start3A_529, %dma_start3A_530] : memref<2x32x521xf32, #tpu.memory_space<vmem>> -> memref<1x8x128xf32, #tpu.memory_space<vmem>>
        %dma_start3A_532 = tpu.memref_squeeze %dma_start3A_531 : memref<1x8x128xf32, #tpu.memory_space<vmem>> -> memref<8x128xf32, #tpu.memory_space<vmem>>
        tpu.enqueue_dma source(%dma_start3A_532 : memref<8x128xf32, #tpu.memory_space<vmem>>) target(%dma_start3A_528 : memref<8x128xf32, #tpu.memory_space<hbm>>) target_semaphore(%arg10 : memref<!tpu.dma_semaphore, #tpu.memory_space<semaphore_mem>>)
        %sub3A_533 = arith.constant 1 : i32
        %sub3A_534 = arith.subi %scan3A_385, %sub3A_533 : i32
        %mul3A_535 = arith.constant 4 : i32
        %mul3A_536 = arith.muli %add3A, %mul3A_535 : i32
        %add3A_537 = arith.constant 1 : i32
        %add3A_538 = arith.addi %mul3A_536, %add3A_537 : i32
        %dma_start3A_539 = arith.constant 1 : i32
        %dma_start3A_540 = arith.constant 8 : i32
        %dma_start3A_541 = arith.constant 128 : i32
        %dma_start3A_542 = tpu.memref_slice %arg7[%sub3A_387, %dma_start3A_540, %dma_start3A_541] : memref<2x32x521xf32, #tpu.memory_space<vmem>> -> memref<1x8x128xf32, #tpu.memory_space<vmem>>
        %dma_start3A_543 = tpu.memref_squeeze %dma_start3A_542 : memref<1x8x128xf32, #tpu.memory_space<vmem>> -> memref<8x128xf32, #tpu.memory_space<vmem>>
        %dma_start3A_544 = arith.constant 0 : i32
        %dma_start3A_545 = arith.constant 0 : i32
        %dma_start3A_546 = tpu.memref_slice %arg4[%sub3A_534, %dma_start3A_539, %add3A_538, %dma_start3A_544, %dma_start3A_545] : memref<50x4x128x8x128xf32, #tpu.memory_space<hbm>> -> memref<1x1x1x8x128xf32, #tpu.memory_space<hbm>>
        %dma_start3A_547 = tpu.memref_squeeze %dma_start3A_546 : memref<1x1x1x8x128xf32, #tpu.memory_space<hbm>> -> memref<8x128xf32, #tpu.memory_space<hbm>>
        %dma_start3A_548 = arith.constant 0 : i32
        %dma_start3A_549 = arith.constant 0 : i32
        %dma_start3A_550 = tpu.memref_slice %arg4[%sub3A_534, %dma_start3A_539, %add3A_538, %dma_start3A_548, %dma_start3A_549] : memref<50x4x128x8x128xf32, #tpu.memory_space<hbm>> -> memref<1x1x1x8x128xf32, #tpu.memory_space<hbm>>
        %dma_start3A_551 = tpu.memref_squeeze %dma_start3A_550 : memref<1x1x1x8x128xf32, #tpu.memory_space<hbm>> -> memref<8x128xf32, #tpu.memory_space<hbm>>
        %dma_start3A_552 = arith.constant 8 : i32
        %dma_start3A_553 = arith.constant 128 : i32
        %dma_start3A_554 = tpu.memref_slice %arg7[%sub3A_387, %dma_start3A_552, %dma_start3A_553] : memref<2x32x521xf32, #tpu.memory_space<vmem>> -> memref<1x8x128xf32, #tpu.memory_space<vmem>>
        %dma_start3A_555 = tpu.memref_squeeze %dma_start3A_554 : memref<1x8x128xf32, #tpu.memory_space<vmem>> -> memref<8x128xf32, #tpu.memory_space<vmem>>
        tpu.enqueue_dma source(%dma_start3A_555 : memref<8x128xf32, #tpu.memory_space<vmem>>) target(%dma_start3A_551 : memref<8x128xf32, #tpu.memory_space<hbm>>) target_semaphore(%arg10 : memref<!tpu.dma_semaphore, #tpu.memory_space<semaphore_mem>>)
        %sub3A_556 = arith.constant 1 : i32
        %sub3A_557 = arith.subi %scan3A_385, %sub3A_556 : i32
        %mul3A_558 = arith.constant 4 : i32
        %mul3A_559 = arith.muli %add3A, %mul3A_558 : i32
        %add3A_560 = arith.constant 2 : i32
        %add3A_561 = arith.addi %mul3A_559, %add3A_560 : i32
        %dma_start3A_562 = arith.constant 1 : i32
        %dma_start3A_563 = arith.constant 8 : i32
        %dma_start3A_564 = arith.constant 256 : i32
        %dma_start3A_565 = tpu.memref_slice %arg7[%sub3A_387, %dma_start3A_563, %dma_start3A_564] : memref<2x32x521xf32, #tpu.memory_space<vmem>> -> memref<1x8x128xf32, #tpu.memory_space<vmem>>
        %dma_start3A_566 = tpu.memref_squeeze %dma_start3A_565 : memref<1x8x128xf32, #tpu.memory_space<vmem>> -> memref<8x128xf32, #tpu.memory_space<vmem>>
        %dma_start3A_567 = arith.constant 0 : i32
        %dma_start3A_568 = arith.constant 0 : i32
        %dma_start3A_569 = tpu.memref_slice %arg4[%sub3A_557, %dma_start3A_562, %add3A_561, %dma_start3A_567, %dma_start3A_568] : memref<50x4x128x8x128xf32, #tpu.memory_space<hbm>> -> memref<1x1x1x8x128xf32, #tpu.memory_space<hbm>>
        %dma_start3A_570 = tpu.memref_squeeze %dma_start3A_569 : memref<1x1x1x8x128xf32, #tpu.memory_space<hbm>> -> memref<8x128xf32, #tpu.memory_space<hbm>>
        %dma_start3A_571 = arith.constant 0 : i32
        %dma_start3A_572 = arith.constant 0 : i32
        %dma_start3A_573 = tpu.memref_slice %arg4[%sub3A_557, %dma_start3A_562, %add3A_561, %dma_start3A_571, %dma_start3A_572] : memref<50x4x128x8x128xf32, #tpu.memory_space<hbm>> -> memref<1x1x1x8x128xf32, #tpu.memory_space<hbm>>
        %dma_start3A_574 = tpu.memref_squeeze %dma_start3A_573 : memref<1x1x1x8x128xf32, #tpu.memory_space<hbm>> -> memref<8x128xf32, #tpu.memory_space<hbm>>
        %dma_start3A_575 = arith.constant 8 : i32
        %dma_start3A_576 = arith.constant 256 : i32
        %dma_start3A_577 = tpu.memref_slice %arg7[%sub3A_387, %dma_start3A_575, %dma_start3A_576] : memref<2x32x521xf32, #tpu.memory_space<vmem>> -> memref<1x8x128xf32, #tpu.memory_space<vmem>>
        %dma_start3A_578 = tpu.memref_squeeze %dma_start3A_577 : memref<1x8x128xf32, #tpu.memory_space<vmem>> -> memref<8x128xf32, #tpu.memory_space<vmem>>
        tpu.enqueue_dma source(%dma_start3A_578 : memref<8x128xf32, #tpu.memory_space<vmem>>) target(%dma_start3A_574 : memref<8x128xf32, #tpu.memory_space<hbm>>) target_semaphore(%arg10 : memref<!tpu.dma_semaphore, #tpu.memory_space<semaphore_mem>>)
        %sub3A_579 = arith.constant 1 : i32
        %sub3A_580 = arith.subi %scan3A_385, %sub3A_579 : i32
        %mul3A_581 = arith.constant 4 : i32
        %mul3A_582 = arith.muli %add3A, %mul3A_581 : i32
        %add3A_583 = arith.constant 3 : i32
        %add3A_584 = arith.addi %mul3A_582, %add3A_583 : i32
        %dma_start3A_585 = arith.constant 1 : i32
        %dma_start3A_586 = arith.constant 8 : i32
        %dma_start3A_587 = arith.constant 384 : i32
        %dma_start3A_588 = tpu.memref_slice %arg7[%sub3A_387, %dma_start3A_586, %dma_start3A_587] : memref<2x32x521xf32, #tpu.memory_space<vmem>> -> memref<1x8x128xf32, #tpu.memory_space<vmem>>
        %dma_start3A_589 = tpu.memref_squeeze %dma_start3A_588 : memref<1x8x128xf32, #tpu.memory_space<vmem>> -> memref<8x128xf32, #tpu.memory_space<vmem>>
        %dma_start3A_590 = arith.constant 0 : i32
        %dma_start3A_591 = arith.constant 0 : i32
        %dma_start3A_592 = tpu.memref_slice %arg4[%sub3A_580, %dma_start3A_585, %add3A_584, %dma_start3A_590, %dma_start3A_591] : memref<50x4x128x8x128xf32, #tpu.memory_space<hbm>> -> memref<1x1x1x8x128xf32, #tpu.memory_space<hbm>>
        %dma_start3A_593 = tpu.memref_squeeze %dma_start3A_592 : memref<1x1x1x8x128xf32, #tpu.memory_space<hbm>> -> memref<8x128xf32, #tpu.memory_space<hbm>>
        %dma_start3A_594 = arith.constant 0 : i32
        %dma_start3A_595 = arith.constant 0 : i32
        %dma_start3A_596 = tpu.memref_slice %arg4[%sub3A_580, %dma_start3A_585, %add3A_584, %dma_start3A_594, %dma_start3A_595] : memref<50x4x128x8x128xf32, #tpu.memory_space<hbm>> -> memref<1x1x1x8x128xf32, #tpu.memory_space<hbm>>
        %dma_start3A_597 = tpu.memref_squeeze %dma_start3A_596 : memref<1x1x1x8x128xf32, #tpu.memory_space<hbm>> -> memref<8x128xf32, #tpu.memory_space<hbm>>
        %dma_start3A_598 = arith.constant 8 : i32
        %dma_start3A_599 = arith.constant 384 : i32
        %dma_start3A_600 = tpu.memref_slice %arg7[%sub3A_387, %dma_start3A_598, %dma_start3A_599] : memref<2x32x521xf32, #tpu.memory_space<vmem>> -> memref<1x8x128xf32, #tpu.memory_space<vmem>>
        %dma_start3A_601 = tpu.memref_squeeze %dma_start3A_600 : memref<1x8x128xf32, #tpu.memory_space<vmem>> -> memref<8x128xf32, #tpu.memory_space<vmem>>
        tpu.enqueue_dma source(%dma_start3A_601 : memref<8x128xf32, #tpu.memory_space<vmem>>) target(%dma_start3A_597 : memref<8x128xf32, #tpu.memory_space<hbm>>) target_semaphore(%arg10 : memref<!tpu.dma_semaphore, #tpu.memory_space<semaphore_mem>>)
        %sub3A_602 = arith.constant 1 : i32
        %sub3A_603 = arith.subi %scan3A_385, %sub3A_602 : i32
        %mul3A_604 = arith.constant 4 : i32
        %mul3A_605 = arith.muli %add3A, %mul3A_604 : i32
        %add3A_606 = arith.constant 0 : i32
        %add3A_607 = arith.addi %mul3A_605, %add3A_606 : i32
        %dma_start3A_608 = arith.constant 2 : i32
        %dma_start3A_609 = arith.constant 16 : i32
        %dma_start3A_610 = arith.constant 0 : i32
        %dma_start3A_611 = tpu.memref_slice %arg7[%sub3A_387, %dma_start3A_609, %dma_start3A_610] : memref<2x32x521xf32, #tpu.memory_space<vmem>> -> memref<1x8x128xf32, #tpu.memory_space<vmem>>
        %dma_start3A_612 = tpu.memref_squeeze %dma_start3A_611 : memref<1x8x128xf32, #tpu.memory_space<vmem>> -> memref<8x128xf32, #tpu.memory_space<vmem>>
        %dma_start3A_613 = arith.constant 0 : i32
        %dma_start3A_614 = arith.constant 0 : i32
        %dma_start3A_615 = tpu.memref_slice %arg4[%sub3A_603, %dma_start3A_608, %add3A_607, %dma_start3A_613, %dma_start3A_614] : memref<50x4x128x8x128xf32, #tpu.memory_space<hbm>> -> memref<1x1x1x8x128xf32, #tpu.memory_space<hbm>>
        %dma_start3A_616 = tpu.memref_squeeze %dma_start3A_615 : memref<1x1x1x8x128xf32, #tpu.memory_space<hbm>> -> memref<8x128xf32, #tpu.memory_space<hbm>>
        %dma_start3A_617 = arith.constant 0 : i32
        %dma_start3A_618 = arith.constant 0 : i32
        %dma_start3A_619 = tpu.memref_slice %arg4[%sub3A_603, %dma_start3A_608, %add3A_607, %dma_start3A_617, %dma_start3A_618] : memref<50x4x128x8x128xf32, #tpu.memory_space<hbm>> -> memref<1x1x1x8x128xf32, #tpu.memory_space<hbm>>
        %dma_start3A_620 = tpu.memref_squeeze %dma_start3A_619 : memref<1x1x1x8x128xf32, #tpu.memory_space<hbm>> -> memref<8x128xf32, #tpu.memory_space<hbm>>
        %dma_start3A_621 = arith.constant 16 : i32
        %dma_start3A_622 = arith.constant 0 : i32
        %dma_start3A_623 = tpu.memref_slice %arg7[%sub3A_387, %dma_start3A_621, %dma_start3A_622] : memref<2x32x521xf32, #tpu.memory_space<vmem>> -> memref<1x8x128xf32, #tpu.memory_space<vmem>>
        %dma_start3A_624 = tpu.memref_squeeze %dma_start3A_623 : memref<1x8x128xf32, #tpu.memory_space<vmem>> -> memref<8x128xf32, #tpu.memory_space<vmem>>
        tpu.enqueue_dma source(%dma_start3A_624 : memref<8x128xf32, #tpu.memory_space<vmem>>) target(%dma_start3A_620 : memref<8x128xf32, #tpu.memory_space<hbm>>) target_semaphore(%arg10 : memref<!tpu.dma_semaphore, #tpu.memory_space<semaphore_mem>>)
        %sub3A_625 = arith.constant 1 : i32
        %sub3A_626 = arith.subi %scan3A_385, %sub3A_625 : i32
        %mul3A_627 = arith.constant 4 : i32
        %mul3A_628 = arith.muli %add3A, %mul3A_627 : i32
        %add3A_629 = arith.constant 1 : i32
        %add3A_630 = arith.addi %mul3A_628, %add3A_629 : i32
        %dma_start3A_631 = arith.constant 2 : i32
        %dma_start3A_632 = arith.constant 16 : i32
        %dma_start3A_633 = arith.constant 128 : i32
        %dma_start3A_634 = tpu.memref_slice %arg7[%sub3A_387, %dma_start3A_632, %dma_start3A_633] : memref<2x32x521xf32, #tpu.memory_space<vmem>> -> memref<1x8x128xf32, #tpu.memory_space<vmem>>
        %dma_start3A_635 = tpu.memref_squeeze %dma_start3A_634 : memref<1x8x128xf32, #tpu.memory_space<vmem>> -> memref<8x128xf32, #tpu.memory_space<vmem>>
        %dma_start3A_636 = arith.constant 0 : i32
        %dma_start3A_637 = arith.constant 0 : i32
        %dma_start3A_638 = tpu.memref_slice %arg4[%sub3A_626, %dma_start3A_631, %add3A_630, %dma_start3A_636, %dma_start3A_637] : memref<50x4x128x8x128xf32, #tpu.memory_space<hbm>> -> memref<1x1x1x8x128xf32, #tpu.memory_space<hbm>>
        %dma_start3A_639 = tpu.memref_squeeze %dma_start3A_638 : memref<1x1x1x8x128xf32, #tpu.memory_space<hbm>> -> memref<8x128xf32, #tpu.memory_space<hbm>>
        %dma_start3A_640 = arith.constant 0 : i32
        %dma_start3A_641 = arith.constant 0 : i32
        %dma_start3A_642 = tpu.memref_slice %arg4[%sub3A_626, %dma_start3A_631, %add3A_630, %dma_start3A_640, %dma_start3A_641] : memref<50x4x128x8x128xf32, #tpu.memory_space<hbm>> -> memref<1x1x1x8x128xf32, #tpu.memory_space<hbm>>
        %dma_start3A_643 = tpu.memref_squeeze %dma_start3A_642 : memref<1x1x1x8x128xf32, #tpu.memory_space<hbm>> -> memref<8x128xf32, #tpu.memory_space<hbm>>
        %dma_start3A_644 = arith.constant 16 : i32
        %dma_start3A_645 = arith.constant 128 : i32
        %dma_start3A_646 = tpu.memref_slice %arg7[%sub3A_387, %dma_start3A_644, %dma_start3A_645] : memref<2x32x521xf32, #tpu.memory_space<vmem>> -> memref<1x8x128xf32, #tpu.memory_space<vmem>>
        %dma_start3A_647 = tpu.memref_squeeze %dma_start3A_646 : memref<1x8x128xf32, #tpu.memory_space<vmem>> -> memref<8x128xf32, #tpu.memory_space<vmem>>
        tpu.enqueue_dma source(%dma_start3A_647 : memref<8x128xf32, #tpu.memory_space<vmem>>) target(%dma_start3A_643 : memref<8x128xf32, #tpu.memory_space<hbm>>) target_semaphore(%arg10 : memref<!tpu.dma_semaphore, #tpu.memory_space<semaphore_mem>>)
        %sub3A_648 = arith.constant 1 : i32
        %sub3A_649 = arith.subi %scan3A_385, %sub3A_648 : i32
        %mul3A_650 = arith.constant 4 : i32
        %mul3A_651 = arith.muli %add3A, %mul3A_650 : i32
        %add3A_652 = arith.constant 2 : i32
        %add3A_653 = arith.addi %mul3A_651, %add3A_652 : i32
        %dma_start3A_654 = arith.constant 2 : i32
        %dma_start3A_655 = arith.constant 16 : i32
        %dma_start3A_656 = arith.constant 256 : i32
        %dma_start3A_657 = tpu.memref_slice %arg7[%sub3A_387, %dma_start3A_655, %dma_start3A_656] : memref<2x32x521xf32, #tpu.memory_space<vmem>> -> memref<1x8x128xf32, #tpu.memory_space<vmem>>
        %dma_start3A_658 = tpu.memref_squeeze %dma_start3A_657 : memref<1x8x128xf32, #tpu.memory_space<vmem>> -> memref<8x128xf32, #tpu.memory_space<vmem>>
        %dma_start3A_659 = arith.constant 0 : i32
        %dma_start3A_660 = arith.constant 0 : i32
        %dma_start3A_661 = tpu.memref_slice %arg4[%sub3A_649, %dma_start3A_654, %add3A_653, %dma_start3A_659, %dma_start3A_660] : memref<50x4x128x8x128xf32, #tpu.memory_space<hbm>> -> memref<1x1x1x8x128xf32, #tpu.memory_space<hbm>>
        %dma_start3A_662 = tpu.memref_squeeze %dma_start3A_661 : memref<1x1x1x8x128xf32, #tpu.memory_space<hbm>> -> memref<8x128xf32, #tpu.memory_space<hbm>>
        %dma_start3A_663 = arith.constant 0 : i32
        %dma_start3A_664 = arith.constant 0 : i32
        %dma_start3A_665 = tpu.memref_slice %arg4[%sub3A_649, %dma_start3A_654, %add3A_653, %dma_start3A_663, %dma_start3A_664] : memref<50x4x128x8x128xf32, #tpu.memory_space<hbm>> -> memref<1x1x1x8x128xf32, #tpu.memory_space<hbm>>
        %dma_start3A_666 = tpu.memref_squeeze %dma_start3A_665 : memref<1x1x1x8x128xf32, #tpu.memory_space<hbm>> -> memref<8x128xf32, #tpu.memory_space<hbm>>
        %dma_start3A_667 = arith.constant 16 : i32
        %dma_start3A_668 = arith.constant 256 : i32
        %dma_start3A_669 = tpu.memref_slice %arg7[%sub3A_387, %dma_start3A_667, %dma_start3A_668] : memref<2x32x521xf32, #tpu.memory_space<vmem>> -> memref<1x8x128xf32, #tpu.memory_space<vmem>>
        %dma_start3A_670 = tpu.memref_squeeze %dma_start3A_669 : memref<1x8x128xf32, #tpu.memory_space<vmem>> -> memref<8x128xf32, #tpu.memory_space<vmem>>
        tpu.enqueue_dma source(%dma_start3A_670 : memref<8x128xf32, #tpu.memory_space<vmem>>) target(%dma_start3A_666 : memref<8x128xf32, #tpu.memory_space<hbm>>) target_semaphore(%arg10 : memref<!tpu.dma_semaphore, #tpu.memory_space<semaphore_mem>>)
        %sub3A_671 = arith.constant 1 : i32
        %sub3A_672 = arith.subi %scan3A_385, %sub3A_671 : i32
        %mul3A_673 = arith.constant 4 : i32
        %mul3A_674 = arith.muli %add3A, %mul3A_673 : i32
        %add3A_675 = arith.constant 3 : i32
        %add3A_676 = arith.addi %mul3A_674, %add3A_675 : i32
        %dma_start3A_677 = arith.constant 2 : i32
        %dma_start3A_678 = arith.constant 16 : i32
        %dma_start3A_679 = arith.constant 384 : i32
        %dma_start3A_680 = tpu.memref_slice %arg7[%sub3A_387, %dma_start3A_678, %dma_start3A_679] : memref<2x32x521xf32, #tpu.memory_space<vmem>> -> memref<1x8x128xf32, #tpu.memory_space<vmem>>
        %dma_start3A_681 = tpu.memref_squeeze %dma_start3A_680 : memref<1x8x128xf32, #tpu.memory_space<vmem>> -> memref<8x128xf32, #tpu.memory_space<vmem>>
        %dma_start3A_682 = arith.constant 0 : i32
        %dma_start3A_683 = arith.constant 0 : i32
        %dma_start3A_684 = tpu.memref_slice %arg4[%sub3A_672, %dma_start3A_677, %add3A_676, %dma_start3A_682, %dma_start3A_683] : memref<50x4x128x8x128xf32, #tpu.memory_space<hbm>> -> memref<1x1x1x8x128xf32, #tpu.memory_space<hbm>>
        %dma_start3A_685 = tpu.memref_squeeze %dma_start3A_684 : memref<1x1x1x8x128xf32, #tpu.memory_space<hbm>> -> memref<8x128xf32, #tpu.memory_space<hbm>>
        %dma_start3A_686 = arith.constant 0 : i32
        %dma_start3A_687 = arith.constant 0 : i32
        %dma_start3A_688 = tpu.memref_slice %arg4[%sub3A_672, %dma_start3A_677, %add3A_676, %dma_start3A_686, %dma_start3A_687] : memref<50x4x128x8x128xf32, #tpu.memory_space<hbm>> -> memref<1x1x1x8x128xf32, #tpu.memory_space<hbm>>
        %dma_start3A_689 = tpu.memref_squeeze %dma_start3A_688 : memref<1x1x1x8x128xf32, #tpu.memory_space<hbm>> -> memref<8x128xf32, #tpu.memory_space<hbm>>
        %dma_start3A_690 = arith.constant 16 : i32
        %dma_start3A_691 = arith.constant 384 : i32
        %dma_start3A_692 = tpu.memref_slice %arg7[%sub3A_387, %dma_start3A_690, %dma_start3A_691] : memref<2x32x521xf32, #tpu.memory_space<vmem>> -> memref<1x8x128xf32, #tpu.memory_space<vmem>>
        %dma_start3A_693 = tpu.memref_squeeze %dma_start3A_692 : memref<1x8x128xf32, #tpu.memory_space<vmem>> -> memref<8x128xf32, #tpu.memory_space<vmem>>
        tpu.enqueue_dma source(%dma_start3A_693 : memref<8x128xf32, #tpu.memory_space<vmem>>) target(%dma_start3A_689 : memref<8x128xf32, #tpu.memory_space<hbm>>) target_semaphore(%arg10 : memref<!tpu.dma_semaphore, #tpu.memory_space<semaphore_mem>>)
        %sub3A_694 = arith.constant 1 : i32
        %sub3A_695 = arith.subi %scan3A_385, %sub3A_694 : i32
        %mul3A_696 = arith.constant 4 : i32
        %mul3A_697 = arith.muli %add3A, %mul3A_696 : i32
        %add3A_698 = arith.constant 0 : i32
        %add3A_699 = arith.addi %mul3A_697, %add3A_698 : i32
        %dma_start3A_700 = arith.constant 3 : i32
        %dma_start3A_701 = arith.constant 24 : i32
        %dma_start3A_702 = arith.constant 0 : i32
        %dma_start3A_703 = tpu.memref_slice %arg7[%sub3A_387, %dma_start3A_701, %dma_start3A_702] : memref<2x32x521xf32, #tpu.memory_space<vmem>> -> memref<1x8x128xf32, #tpu.memory_space<vmem>>
        %dma_start3A_704 = tpu.memref_squeeze %dma_start3A_703 : memref<1x8x128xf32, #tpu.memory_space<vmem>> -> memref<8x128xf32, #tpu.memory_space<vmem>>
        %dma_start3A_705 = arith.constant 0 : i32
        %dma_start3A_706 = arith.constant 0 : i32
        %dma_start3A_707 = tpu.memref_slice %arg4[%sub3A_695, %dma_start3A_700, %add3A_699, %dma_start3A_705, %dma_start3A_706] : memref<50x4x128x8x128xf32, #tpu.memory_space<hbm>> -> memref<1x1x1x8x128xf32, #tpu.memory_space<hbm>>
        %dma_start3A_708 = tpu.memref_squeeze %dma_start3A_707 : memref<1x1x1x8x128xf32, #tpu.memory_space<hbm>> -> memref<8x128xf32, #tpu.memory_space<hbm>>
        %dma_start3A_709 = arith.constant 0 : i32
        %dma_start3A_710 = arith.constant 0 : i32
        %dma_start3A_711 = tpu.memref_slice %arg4[%sub3A_695, %dma_start3A_700, %add3A_699, %dma_start3A_709, %dma_start3A_710] : memref<50x4x128x8x128xf32, #tpu.memory_space<hbm>> -> memref<1x1x1x8x128xf32, #tpu.memory_space<hbm>>
        %dma_start3A_712 = tpu.memref_squeeze %dma_start3A_711 : memref<1x1x1x8x128xf32, #tpu.memory_space<hbm>> -> memref<8x128xf32, #tpu.memory_space<hbm>>
        %dma_start3A_713 = arith.constant 24 : i32
        %dma_start3A_714 = arith.constant 0 : i32
        %dma_start3A_715 = tpu.memref_slice %arg7[%sub3A_387, %dma_start3A_713, %dma_start3A_714] : memref<2x32x521xf32, #tpu.memory_space<vmem>> -> memref<1x8x128xf32, #tpu.memory_space<vmem>>
        %dma_start3A_716 = tpu.memref_squeeze %dma_start3A_715 : memref<1x8x128xf32, #tpu.memory_space<vmem>> -> memref<8x128xf32, #tpu.memory_space<vmem>>
        tpu.enqueue_dma source(%dma_start3A_716 : memref<8x128xf32, #tpu.memory_space<vmem>>) target(%dma_start3A_712 : memref<8x128xf32, #tpu.memory_space<hbm>>) target_semaphore(%arg10 : memref<!tpu.dma_semaphore, #tpu.memory_space<semaphore_mem>>)
        %sub3A_717 = arith.constant 1 : i32
        %sub3A_718 = arith.subi %scan3A_385, %sub3A_717 : i32
        %mul3A_719 = arith.constant 4 : i32
        %mul3A_720 = arith.muli %add3A, %mul3A_719 : i32
        %add3A_721 = arith.constant 1 : i32
        %add3A_722 = arith.addi %mul3A_720, %add3A_721 : i32
        %dma_start3A_723 = arith.constant 3 : i32
        %dma_start3A_724 = arith.constant 24 : i32
        %dma_start3A_725 = arith.constant 128 : i32
        %dma_start3A_726 = tpu.memref_slice %arg7[%sub3A_387, %dma_start3A_724, %dma_start3A_725] : memref<2x32x521xf32, #tpu.memory_space<vmem>> -> memref<1x8x128xf32, #tpu.memory_space<vmem>>
        %dma_start3A_727 = tpu.memref_squeeze %dma_start3A_726 : memref<1x8x128xf32, #tpu.memory_space<vmem>> -> memref<8x128xf32, #tpu.memory_space<vmem>>
        %dma_start3A_728 = arith.constant 0 : i32
        %dma_start3A_729 = arith.constant 0 : i32
        %dma_start3A_730 = tpu.memref_slice %arg4[%sub3A_718, %dma_start3A_723, %add3A_722, %dma_start3A_728, %dma_start3A_729] : memref<50x4x128x8x128xf32, #tpu.memory_space<hbm>> -> memref<1x1x1x8x128xf32, #tpu.memory_space<hbm>>
        %dma_start3A_731 = tpu.memref_squeeze %dma_start3A_730 : memref<1x1x1x8x128xf32, #tpu.memory_space<hbm>> -> memref<8x128xf32, #tpu.memory_space<hbm>>
        %dma_start3A_732 = arith.constant 0 : i32
        %dma_start3A_733 = arith.constant 0 : i32
        %dma_start3A_734 = tpu.memref_slice %arg4[%sub3A_718, %dma_start3A_723, %add3A_722, %dma_start3A_732, %dma_start3A_733] : memref<50x4x128x8x128xf32, #tpu.memory_space<hbm>> -> memref<1x1x1x8x128xf32, #tpu.memory_space<hbm>>
        %dma_start3A_735 = tpu.memref_squeeze %dma_start3A_734 : memref<1x1x1x8x128xf32, #tpu.memory_space<hbm>> -> memref<8x128xf32, #tpu.memory_space<hbm>>
        %dma_start3A_736 = arith.constant 24 : i32
        %dma_start3A_737 = arith.constant 128 : i32
        %dma_start3A_738 = tpu.memref_slice %arg7[%sub3A_387, %dma_start3A_736, %dma_start3A_737] : memref<2x32x521xf32, #tpu.memory_space<vmem>> -> memref<1x8x128xf32, #tpu.memory_space<vmem>>
        %dma_start3A_739 = tpu.memref_squeeze %dma_start3A_738 : memref<1x8x128xf32, #tpu.memory_space<vmem>> -> memref<8x128xf32, #tpu.memory_space<vmem>>
        tpu.enqueue_dma source(%dma_start3A_739 : memref<8x128xf32, #tpu.memory_space<vmem>>) target(%dma_start3A_735 : memref<8x128xf32, #tpu.memory_space<hbm>>) target_semaphore(%arg10 : memref<!tpu.dma_semaphore, #tpu.memory_space<semaphore_mem>>)
        %sub3A_740 = arith.constant 1 : i32
        %sub3A_741 = arith.subi %scan3A_385, %sub3A_740 : i32
        %mul3A_742 = arith.constant 4 : i32
        %mul3A_743 = arith.muli %add3A, %mul3A_742 : i32
        %add3A_744 = arith.constant 2 : i32
        %add3A_745 = arith.addi %mul3A_743, %add3A_744 : i32
        %dma_start3A_746 = arith.constant 3 : i32
        %dma_start3A_747 = arith.constant 24 : i32
        %dma_start3A_748 = arith.constant 256 : i32
        %dma_start3A_749 = tpu.memref_slice %arg7[%sub3A_387, %dma_start3A_747, %dma_start3A_748] : memref<2x32x521xf32, #tpu.memory_space<vmem>> -> memref<1x8x128xf32, #tpu.memory_space<vmem>>
        %dma_start3A_750 = tpu.memref_squeeze %dma_start3A_749 : memref<1x8x128xf32, #tpu.memory_space<vmem>> -> memref<8x128xf32, #tpu.memory_space<vmem>>
        %dma_start3A_751 = arith.constant 0 : i32
        %dma_start3A_752 = arith.constant 0 : i32
        %dma_start3A_753 = tpu.memref_slice %arg4[%sub3A_741, %dma_start3A_746, %add3A_745, %dma_start3A_751, %dma_start3A_752] : memref<50x4x128x8x128xf32, #tpu.memory_space<hbm>> -> memref<1x1x1x8x128xf32, #tpu.memory_space<hbm>>
        %dma_start3A_754 = tpu.memref_squeeze %dma_start3A_753 : memref<1x1x1x8x128xf32, #tpu.memory_space<hbm>> -> memref<8x128xf32, #tpu.memory_space<hbm>>
        %dma_start3A_755 = arith.constant 0 : i32
        %dma_start3A_756 = arith.constant 0 : i32
        %dma_start3A_757 = tpu.memref_slice %arg4[%sub3A_741, %dma_start3A_746, %add3A_745, %dma_start3A_755, %dma_start3A_756] : memref<50x4x128x8x128xf32, #tpu.memory_space<hbm>> -> memref<1x1x1x8x128xf32, #tpu.memory_space<hbm>>
        %dma_start3A_758 = tpu.memref_squeeze %dma_start3A_757 : memref<1x1x1x8x128xf32, #tpu.memory_space<hbm>> -> memref<8x128xf32, #tpu.memory_space<hbm>>
        %dma_start3A_759 = arith.constant 24 : i32
        %dma_start3A_760 = arith.constant 256 : i32
        %dma_start3A_761 = tpu.memref_slice %arg7[%sub3A_387, %dma_start3A_759, %dma_start3A_760] : memref<2x32x521xf32, #tpu.memory_space<vmem>> -> memref<1x8x128xf32, #tpu.memory_space<vmem>>
        %dma_start3A_762 = tpu.memref_squeeze %dma_start3A_761 : memref<1x8x128xf32, #tpu.memory_space<vmem>> -> memref<8x128xf32, #tpu.memory_space<vmem>>
        tpu.enqueue_dma source(%dma_start3A_762 : memref<8x128xf32, #tpu.memory_space<vmem>>) target(%dma_start3A_758 : memref<8x128xf32, #tpu.memory_space<hbm>>) target_semaphore(%arg10 : memref<!tpu.dma_semaphore, #tpu.memory_space<semaphore_mem>>)
        %sub3A_763 = arith.constant 1 : i32
        %sub3A_764 = arith.subi %scan3A_385, %sub3A_763 : i32
        %mul3A_765 = arith.constant 4 : i32
        %mul3A_766 = arith.muli %add3A, %mul3A_765 : i32
        %add3A_767 = arith.constant 3 : i32
        %add3A_768 = arith.addi %mul3A_766, %add3A_767 : i32
        %dma_start3A_769 = arith.constant 3 : i32
        %dma_start3A_770 = arith.constant 24 : i32
        %dma_start3A_771 = arith.constant 384 : i32
        %dma_start3A_772 = tpu.memref_slice %arg7[%sub3A_387, %dma_start3A_770, %dma_start3A_771] : memref<2x32x521xf32, #tpu.memory_space<vmem>> -> memref<1x8x128xf32, #tpu.memory_space<vmem>>
        %dma_start3A_773 = tpu.memref_squeeze %dma_start3A_772 : memref<1x8x128xf32, #tpu.memory_space<vmem>> -> memref<8x128xf32, #tpu.memory_space<vmem>>
        %dma_start3A_774 = arith.constant 0 : i32
        %dma_start3A_775 = arith.constant 0 : i32
        %dma_start3A_776 = tpu.memref_slice %arg4[%sub3A_764, %dma_start3A_769, %add3A_768, %dma_start3A_774, %dma_start3A_775] : memref<50x4x128x8x128xf32, #tpu.memory_space<hbm>> -> memref<1x1x1x8x128xf32, #tpu.memory_space<hbm>>
        %dma_start3A_777 = tpu.memref_squeeze %dma_start3A_776 : memref<1x1x1x8x128xf32, #tpu.memory_space<hbm>> -> memref<8x128xf32, #tpu.memory_space<hbm>>
        %dma_start3A_778 = arith.constant 0 : i32
        %dma_start3A_779 = arith.constant 0 : i32
        %dma_start3A_780 = tpu.memref_slice %arg4[%sub3A_764, %dma_start3A_769, %add3A_768, %dma_start3A_778, %dma_start3A_779] : memref<50x4x128x8x128xf32, #tpu.memory_space<hbm>> -> memref<1x1x1x8x128xf32, #tpu.memory_space<hbm>>
        %dma_start3A_781 = tpu.memref_squeeze %dma_start3A_780 : memref<1x1x1x8x128xf32, #tpu.memory_space<hbm>> -> memref<8x128xf32, #tpu.memory_space<hbm>>
        %dma_start3A_782 = arith.constant 24 : i32
        %dma_start3A_783 = arith.constant 384 : i32
        %dma_start3A_784 = tpu.memref_slice %arg7[%sub3A_387, %dma_start3A_782, %dma_start3A_783] : memref<2x32x521xf32, #tpu.memory_space<vmem>> -> memref<1x8x128xf32, #tpu.memory_space<vmem>>
        %dma_start3A_785 = tpu.memref_squeeze %dma_start3A_784 : memref<1x8x128xf32, #tpu.memory_space<vmem>> -> memref<8x128xf32, #tpu.memory_space<vmem>>
        tpu.enqueue_dma source(%dma_start3A_785 : memref<8x128xf32, #tpu.memory_space<vmem>>) target(%dma_start3A_781 : memref<8x128xf32, #tpu.memory_space<hbm>>) target_semaphore(%arg10 : memref<!tpu.dma_semaphore, #tpu.memory_space<semaphore_mem>>)
      } else {
      }
      %add3A_399 = arith.constant 1 : i32
      %add3A_400 = arith.addi %scan3A_385, %add3A_399 : i32
      %lt3A_401 = arith.constant 50 : i32
      %lt3A_402 = arith.cmpi slt, %add3A_400, %lt3A_401 : i32
      %convert_element_type3A_403 = arith.extui %lt3A_402 : i1 to i32
      %cond3A_404 = arith.constant 0 : i32
      %cond3A_405 = arith.cmpi ne, %convert_element_type3A_403, %cond3A_404 : i32
      scf.if %cond3A_405 {
        %add3A_406 = arith.constant 1 : i32
        %add3A_407 = arith.addi %scan3A_385, %add3A_406 : i32
        %mul3A_408 = arith.constant 16384 : i32
        %mul3A_409 = arith.muli %add3A_407, %mul3A_408 : i32
        %add3A_410 = arith.addi %mul3A_409, %mul3A_2 : i32
        %dma_start3A_411 = arith.constant 0 : i32
        %dma_start3A_412 = tpu.memref_slice %arg5[%sub3A_387, %dma_start3A_411] : memref<2x512xi32, #tpu.memory_space<vmem>> -> memref<1x512xi32, #tpu.memory_space<vmem>>
        %dma_start3A_413 = tpu.memref_squeeze %dma_start3A_412 : memref<1x512xi32, #tpu.memory_space<vmem>> -> memref<512xi32, #tpu.memory_space<vmem>>
        %dma_start3A_414 = tpu.memref_slice %arg2[%add3A_410] : memref<819200xi32, #tpu.memory_space<hbm>> -> memref<512xi32, #tpu.memory_space<hbm>>
        %dma_start3A_415 = arith.constant 0 : i32
        %dma_start3A_416 = tpu.memref_slice %arg5[%sub3A_387, %dma_start3A_415] : memref<2x512xi32, #tpu.memory_space<vmem>> -> memref<1x512xi32, #tpu.memory_space<vmem>>
        %dma_start3A_417 = tpu.memref_squeeze %dma_start3A_416 : memref<1x512xi32, #tpu.memory_space<vmem>> -> memref<512xi32, #tpu.memory_space<vmem>>
        %dma_start3A_418 = tpu.memref_slice %arg2[%add3A_410] : memref<819200xi32, #tpu.memory_space<hbm>> -> memref<512xi32, #tpu.memory_space<hbm>>
        tpu.enqueue_dma source(%dma_start3A_418 : memref<512xi32, #tpu.memory_space<hbm>>) target(%dma_start3A_417 : memref<512xi32, #tpu.memory_space<vmem>>) target_semaphore(%arg8 : memref<!tpu.dma_semaphore, #tpu.memory_space<semaphore_mem>>)
      } else {
      }
    }
    %scan3A_17 = arith.constant 51 : i32
    %mul3A_18 = arith.constant 4 : i32
    %mul3A_19 = arith.muli %add3A, %mul3A_18 : i32
    %add3A_20 = arith.constant 0 : i32
    %add3A_21 = arith.addi %mul3A_19, %add3A_20 : i32
    %dma_wait3A = arith.constant 0 : i32
    %dma_wait3A_22 = arith.constant 0 : i32
    %dma_wait3A_23 = arith.constant 0 : i32
    %dma_wait3A_24 = arith.constant 0 : i32
    %dma_wait3A_25 = arith.constant 0 : i32
    %dma_wait3A_26 = tpu.memref_slice %arg7[%dma_wait3A, %dma_wait3A_24, %dma_wait3A_25] : memref<2x32x521xf32, #tpu.memory_space<vmem>> -> memref<1x8x128xf32, #tpu.memory_space<vmem>>
    %dma_wait3A_27 = tpu.memref_squeeze %dma_wait3A_26 : memref<1x8x128xf32, #tpu.memory_space<vmem>> -> memref<8x128xf32, #tpu.memory_space<vmem>>
    %dma_wait3A_28 = arith.constant 0 : i32
    %dma_wait3A_29 = arith.constant 0 : i32
    %dma_wait3A_30 = tpu.memref_slice %arg4[%dma_wait3A_22, %dma_wait3A_23, %add3A_21, %dma_wait3A_28, %dma_wait3A_29] : memref<50x4x128x8x128xf32, #tpu.memory_space<hbm>> -> memref<1x1x1x8x128xf32, #tpu.memory_space<hbm>>
    %dma_wait3A_31 = tpu.memref_squeeze %dma_wait3A_30 : memref<1x1x1x8x128xf32, #tpu.memory_space<hbm>> -> memref<8x128xf32, #tpu.memory_space<hbm>>
    %dma_wait3A_32 = arith.constant 0 : i32
    %dma_wait3A_33 = arith.constant 0 : i32
    %dma_wait3A_34 = tpu.memref_slice %arg4[%dma_wait3A_22, %dma_wait3A_23, %add3A_21, %dma_wait3A_32, %dma_wait3A_33] : memref<50x4x128x8x128xf32, #tpu.memory_space<hbm>> -> memref<1x1x1x8x128xf32, #tpu.memory_space<hbm>>
    %dma_wait3A_35 = tpu.memref_squeeze %dma_wait3A_34 : memref<1x1x1x8x128xf32, #tpu.memory_space<hbm>> -> memref<8x128xf32, #tpu.memory_space<hbm>>
    %dma_wait3A_36 = arith.constant 0 : i32
    %dma_wait3A_37 = arith.constant 0 : i32
    %dma_wait3A_38 = tpu.memref_slice %arg7[%dma_wait3A, %dma_wait3A_36, %dma_wait3A_37] : memref<2x32x521xf32, #tpu.memory_space<vmem>> -> memref<1x8x128xf32, #tpu.memory_space<vmem>>
    %dma_wait3A_39 = tpu.memref_squeeze %dma_wait3A_38 : memref<1x8x128xf32, #tpu.memory_space<vmem>> -> memref<8x128xf32, #tpu.memory_space<vmem>>
    tpu.wait_dma2 semaphore(%arg10 : memref<!tpu.dma_semaphore, #tpu.memory_space<semaphore_mem>>) src(%dma_wait3A_39 : memref<8x128xf32, #tpu.memory_space<vmem>>) dst(%dma_wait3A_35 : memref<8x128xf32, #tpu.memory_space<hbm>>)
    %mul3A_40 = arith.constant 4 : i32
    %mul3A_41 = arith.muli %add3A, %mul3A_40 : i32
    %add3A_42 = arith.constant 1 : i32
    %add3A_43 = arith.addi %mul3A_41, %add3A_42 : i32
    %dma_wait3A_44 = arith.constant 0 : i32
    %dma_wait3A_45 = arith.constant 0 : i32
    %dma_wait3A_46 = arith.constant 0 : i32
    %dma_wait3A_47 = arith.constant 0 : i32
    %dma_wait3A_48 = arith.constant 128 : i32
    %dma_wait3A_49 = tpu.memref_slice %arg7[%dma_wait3A_44, %dma_wait3A_47, %dma_wait3A_48] : memref<2x32x521xf32, #tpu.memory_space<vmem>> -> memref<1x8x128xf32, #tpu.memory_space<vmem>>
    %dma_wait3A_50 = tpu.memref_squeeze %dma_wait3A_49 : memref<1x8x128xf32, #tpu.memory_space<vmem>> -> memref<8x128xf32, #tpu.memory_space<vmem>>
    %dma_wait3A_51 = arith.constant 0 : i32
    %dma_wait3A_52 = arith.constant 0 : i32
    %dma_wait3A_53 = tpu.memref_slice %arg4[%dma_wait3A_45, %dma_wait3A_46, %add3A_43, %dma_wait3A_51, %dma_wait3A_52] : memref<50x4x128x8x128xf32, #tpu.memory_space<hbm>> -> memref<1x1x1x8x128xf32, #tpu.memory_space<hbm>>
    %dma_wait3A_54 = tpu.memref_squeeze %dma_wait3A_53 : memref<1x1x1x8x128xf32, #tpu.memory_space<hbm>> -> memref<8x128xf32, #tpu.memory_space<hbm>>
    %dma_wait3A_55 = arith.constant 0 : i32
    %dma_wait3A_56 = arith.constant 0 : i32
    %dma_wait3A_57 = tpu.memref_slice %arg4[%dma_wait3A_45, %dma_wait3A_46, %add3A_43, %dma_wait3A_55, %dma_wait3A_56] : memref<50x4x128x8x128xf32, #tpu.memory_space<hbm>> -> memref<1x1x1x8x128xf32, #tpu.memory_space<hbm>>
    %dma_wait3A_58 = tpu.memref_squeeze %dma_wait3A_57 : memref<1x1x1x8x128xf32, #tpu.memory_space<hbm>> -> memref<8x128xf32, #tpu.memory_space<hbm>>
    %dma_wait3A_59 = arith.constant 0 : i32
    %dma_wait3A_60 = arith.constant 128 : i32
    %dma_wait3A_61 = tpu.memref_slice %arg7[%dma_wait3A_44, %dma_wait3A_59, %dma_wait3A_60] : memref<2x32x521xf32, #tpu.memory_space<vmem>> -> memref<1x8x128xf32, #tpu.memory_space<vmem>>
    %dma_wait3A_62 = tpu.memref_squeeze %dma_wait3A_61 : memref<1x8x128xf32, #tpu.memory_space<vmem>> -> memref<8x128xf32, #tpu.memory_space<vmem>>
    tpu.wait_dma2 semaphore(%arg10 : memref<!tpu.dma_semaphore, #tpu.memory_space<semaphore_mem>>) src(%dma_wait3A_62 : memref<8x128xf32, #tpu.memory_space<vmem>>) dst(%dma_wait3A_58 : memref<8x128xf32, #tpu.memory_space<hbm>>)
    %mul3A_63 = arith.constant 4 : i32
    %mul3A_64 = arith.muli %add3A, %mul3A_63 : i32
    %add3A_65 = arith.constant 2 : i32
    %add3A_66 = arith.addi %mul3A_64, %add3A_65 : i32
    %dma_wait3A_67 = arith.constant 0 : i32
    %dma_wait3A_68 = arith.constant 0 : i32
    %dma_wait3A_69 = arith.constant 0 : i32
    %dma_wait3A_70 = arith.constant 0 : i32
    %dma_wait3A_71 = arith.constant 256 : i32
    %dma_wait3A_72 = tpu.memref_slice %arg7[%dma_wait3A_67, %dma_wait3A_70, %dma_wait3A_71] : memref<2x32x521xf32, #tpu.memory_space<vmem>> -> memref<1x8x128xf32, #tpu.memory_space<vmem>>
    %dma_wait3A_73 = tpu.memref_squeeze %dma_wait3A_72 : memref<1x8x128xf32, #tpu.memory_space<vmem>> -> memref<8x128xf32, #tpu.memory_space<vmem>>
    %dma_wait3A_74 = arith.constant 0 : i32
    %dma_wait3A_75 = arith.constant 0 : i32
    %dma_wait3A_76 = tpu.memref_slice %arg4[%dma_wait3A_68, %dma_wait3A_69, %add3A_66, %dma_wait3A_74, %dma_wait3A_75] : memref<50x4x128x8x128xf32, #tpu.memory_space<hbm>> -> memref<1x1x1x8x128xf32, #tpu.memory_space<hbm>>
    %dma_wait3A_77 = tpu.memref_squeeze %dma_wait3A_76 : memref<1x1x1x8x128xf32, #tpu.memory_space<hbm>> -> memref<8x128xf32, #tpu.memory_space<hbm>>
    %dma_wait3A_78 = arith.constant 0 : i32
    %dma_wait3A_79 = arith.constant 0 : i32
    %dma_wait3A_80 = tpu.memref_slice %arg4[%dma_wait3A_68, %dma_wait3A_69, %add3A_66, %dma_wait3A_78, %dma_wait3A_79] : memref<50x4x128x8x128xf32, #tpu.memory_space<hbm>> -> memref<1x1x1x8x128xf32, #tpu.memory_space<hbm>>
    %dma_wait3A_81 = tpu.memref_squeeze %dma_wait3A_80 : memref<1x1x1x8x128xf32, #tpu.memory_space<hbm>> -> memref<8x128xf32, #tpu.memory_space<hbm>>
    %dma_wait3A_82 = arith.constant 0 : i32
    %dma_wait3A_83 = arith.constant 256 : i32
    %dma_wait3A_84 = tpu.memref_slice %arg7[%dma_wait3A_67, %dma_wait3A_82, %dma_wait3A_83] : memref<2x32x521xf32, #tpu.memory_space<vmem>> -> memref<1x8x128xf32, #tpu.memory_space<vmem>>
    %dma_wait3A_85 = tpu.memref_squeeze %dma_wait3A_84 : memref<1x8x128xf32, #tpu.memory_space<vmem>> -> memref<8x128xf32, #tpu.memory_space<vmem>>
    tpu.wait_dma2 semaphore(%arg10 : memref<!tpu.dma_semaphore, #tpu.memory_space<semaphore_mem>>) src(%dma_wait3A_85 : memref<8x128xf32, #tpu.memory_space<vmem>>) dst(%dma_wait3A_81 : memref<8x128xf32, #tpu.memory_space<hbm>>)
    %mul3A_86 = arith.constant 4 : i32
    %mul3A_87 = arith.muli %add3A, %mul3A_86 : i32
    %add3A_88 = arith.constant 3 : i32
    %add3A_89 = arith.addi %mul3A_87, %add3A_88 : i32
    %dma_wait3A_90 = arith.constant 0 : i32
    %dma_wait3A_91 = arith.constant 0 : i32
    %dma_wait3A_92 = arith.constant 0 : i32
    %dma_wait3A_93 = arith.constant 0 : i32
    %dma_wait3A_94 = arith.constant 384 : i32
    %dma_wait3A_95 = tpu.memref_slice %arg7[%dma_wait3A_90, %dma_wait3A_93, %dma_wait3A_94] : memref<2x32x521xf32, #tpu.memory_space<vmem>> -> memref<1x8x128xf32, #tpu.memory_space<vmem>>
    %dma_wait3A_96 = tpu.memref_squeeze %dma_wait3A_95 : memref<1x8x128xf32, #tpu.memory_space<vmem>> -> memref<8x128xf32, #tpu.memory_space<vmem>>
    %dma_wait3A_97 = arith.constant 0 : i32
    %dma_wait3A_98 = arith.constant 0 : i32
    %dma_wait3A_99 = tpu.memref_slice %arg4[%dma_wait3A_91, %dma_wait3A_92, %add3A_89, %dma_wait3A_97, %dma_wait3A_98] : memref<50x4x128x8x128xf32, #tpu.memory_space<hbm>> -> memref<1x1x1x8x128xf32, #tpu.memory_space<hbm>>
    %dma_wait3A_100 = tpu.memref_squeeze %dma_wait3A_99 : memref<1x1x1x8x128xf32, #tpu.memory_space<hbm>> -> memref<8x128xf32, #tpu.memory_space<hbm>>
    %dma_wait3A_101 = arith.constant 0 : i32
    %dma_wait3A_102 = arith.constant 0 : i32
    %dma_wait3A_103 = tpu.memref_slice %arg4[%dma_wait3A_91, %dma_wait3A_92, %add3A_89, %dma_wait3A_101, %dma_wait3A_102] : memref<50x4x128x8x128xf32, #tpu.memory_space<hbm>> -> memref<1x1x1x8x128xf32, #tpu.memory_space<hbm>>
    %dma_wait3A_104 = tpu.memref_squeeze %dma_wait3A_103 : memref<1x1x1x8x128xf32, #tpu.memory_space<hbm>> -> memref<8x128xf32, #tpu.memory_space<hbm>>
    %dma_wait3A_105 = arith.constant 0 : i32
    %dma_wait3A_106 = arith.constant 384 : i32
    %dma_wait3A_107 = tpu.memref_slice %arg7[%dma_wait3A_90, %dma_wait3A_105, %dma_wait3A_106] : memref<2x32x521xf32, #tpu.memory_space<vmem>> -> memref<1x8x128xf32, #tpu.memory_space<vmem>>
    %dma_wait3A_108 = tpu.memref_squeeze %dma_wait3A_107 : memref<1x8x128xf32, #tpu.memory_space<vmem>> -> memref<8x128xf32, #tpu.memory_space<vmem>>
    tpu.wait_dma2 semaphore(%arg10 : memref<!tpu.dma_semaphore, #tpu.memory_space<semaphore_mem>>) src(%dma_wait3A_108 : memref<8x128xf32, #tpu.memory_space<vmem>>) dst(%dma_wait3A_104 : memref<8x128xf32, #tpu.memory_space<hbm>>)
    %mul3A_109 = arith.constant 4 : i32
    %mul3A_110 = arith.muli %add3A, %mul3A_109 : i32
    %add3A_111 = arith.constant 0 : i32
    %add3A_112 = arith.addi %mul3A_110, %add3A_111 : i32
    %dma_wait3A_113 = arith.constant 0 : i32
    %dma_wait3A_114 = arith.constant 0 : i32
    %dma_wait3A_115 = arith.constant 1 : i32
    %dma_wait3A_116 = arith.constant 8 : i32
    %dma_wait3A_117 = arith.constant 0 : i32
    %dma_wait3A_118 = tpu.memref_slice %arg7[%dma_wait3A_113, %dma_wait3A_116, %dma_wait3A_117] : memref<2x32x521xf32, #tpu.memory_space<vmem>> -> memref<1x8x128xf32, #tpu.memory_space<vmem>>
    %dma_wait3A_119 = tpu.memref_squeeze %dma_wait3A_118 : memref<1x8x128xf32, #tpu.memory_space<vmem>> -> memref<8x128xf32, #tpu.memory_space<vmem>>
    %dma_wait3A_120 = arith.constant 0 : i32
    %dma_wait3A_121 = arith.constant 0 : i32
    %dma_wait3A_122 = tpu.memref_slice %arg4[%dma_wait3A_114, %dma_wait3A_115, %add3A_112, %dma_wait3A_120, %dma_wait3A_121] : memref<50x4x128x8x128xf32, #tpu.memory_space<hbm>> -> memref<1x1x1x8x128xf32, #tpu.memory_space<hbm>>
    %dma_wait3A_123 = tpu.memref_squeeze %dma_wait3A_122 : memref<1x1x1x8x128xf32, #tpu.memory_space<hbm>> -> memref<8x128xf32, #tpu.memory_space<hbm>>
    %dma_wait3A_124 = arith.constant 0 : i32
    %dma_wait3A_125 = arith.constant 0 : i32
    %dma_wait3A_126 = tpu.memref_slice %arg4[%dma_wait3A_114, %dma_wait3A_115, %add3A_112, %dma_wait3A_124, %dma_wait3A_125] : memref<50x4x128x8x128xf32, #tpu.memory_space<hbm>> -> memref<1x1x1x8x128xf32, #tpu.memory_space<hbm>>
    %dma_wait3A_127 = tpu.memref_squeeze %dma_wait3A_126 : memref<1x1x1x8x128xf32, #tpu.memory_space<hbm>> -> memref<8x128xf32, #tpu.memory_space<hbm>>
    %dma_wait3A_128 = arith.constant 8 : i32
    %dma_wait3A_129 = arith.constant 0 : i32
    %dma_wait3A_130 = tpu.memref_slice %arg7[%dma_wait3A_113, %dma_wait3A_128, %dma_wait3A_129] : memref<2x32x521xf32, #tpu.memory_space<vmem>> -> memref<1x8x128xf32, #tpu.memory_space<vmem>>
    %dma_wait3A_131 = tpu.memref_squeeze %dma_wait3A_130 : memref<1x8x128xf32, #tpu.memory_space<vmem>> -> memref<8x128xf32, #tpu.memory_space<vmem>>
    tpu.wait_dma2 semaphore(%arg10 : memref<!tpu.dma_semaphore, #tpu.memory_space<semaphore_mem>>) src(%dma_wait3A_131 : memref<8x128xf32, #tpu.memory_space<vmem>>) dst(%dma_wait3A_127 : memref<8x128xf32, #tpu.memory_space<hbm>>)
    %mul3A_132 = arith.constant 4 : i32
    %mul3A_133 = arith.muli %add3A, %mul3A_132 : i32
    %add3A_134 = arith.constant 1 : i32
    %add3A_135 = arith.addi %mul3A_133, %add3A_134 : i32
    %dma_wait3A_136 = arith.constant 0 : i32
    %dma_wait3A_137 = arith.constant 0 : i32
    %dma_wait3A_138 = arith.constant 1 : i32
    %dma_wait3A_139 = arith.constant 8 : i32
    %dma_wait3A_140 = arith.constant 128 : i32
    %dma_wait3A_141 = tpu.memref_slice %arg7[%dma_wait3A_136, %dma_wait3A_139, %dma_wait3A_140] : memref<2x32x521xf32, #tpu.memory_space<vmem>> -> memref<1x8x128xf32, #tpu.memory_space<vmem>>
    %dma_wait3A_142 = tpu.memref_squeeze %dma_wait3A_141 : memref<1x8x128xf32, #tpu.memory_space<vmem>> -> memref<8x128xf32, #tpu.memory_space<vmem>>
    %dma_wait3A_143 = arith.constant 0 : i32
    %dma_wait3A_144 = arith.constant 0 : i32
    %dma_wait3A_145 = tpu.memref_slice %arg4[%dma_wait3A_137, %dma_wait3A_138, %add3A_135, %dma_wait3A_143, %dma_wait3A_144] : memref<50x4x128x8x128xf32, #tpu.memory_space<hbm>> -> memref<1x1x1x8x128xf32, #tpu.memory_space<hbm>>
    %dma_wait3A_146 = tpu.memref_squeeze %dma_wait3A_145 : memref<1x1x1x8x128xf32, #tpu.memory_space<hbm>> -> memref<8x128xf32, #tpu.memory_space<hbm>>
    %dma_wait3A_147 = arith.constant 0 : i32
    %dma_wait3A_148 = arith.constant 0 : i32
    %dma_wait3A_149 = tpu.memref_slice %arg4[%dma_wait3A_137, %dma_wait3A_138, %add3A_135, %dma_wait3A_147, %dma_wait3A_148] : memref<50x4x128x8x128xf32, #tpu.memory_space<hbm>> -> memref<1x1x1x8x128xf32, #tpu.memory_space<hbm>>
    %dma_wait3A_150 = tpu.memref_squeeze %dma_wait3A_149 : memref<1x1x1x8x128xf32, #tpu.memory_space<hbm>> -> memref<8x128xf32, #tpu.memory_space<hbm>>
    %dma_wait3A_151 = arith.constant 8 : i32
    %dma_wait3A_152 = arith.constant 128 : i32
    %dma_wait3A_153 = tpu.memref_slice %arg7[%dma_wait3A_136, %dma_wait3A_151, %dma_wait3A_152] : memref<2x32x521xf32, #tpu.memory_space<vmem>> -> memref<1x8x128xf32, #tpu.memory_space<vmem>>
    %dma_wait3A_154 = tpu.memref_squeeze %dma_wait3A_153 : memref<1x8x128xf32, #tpu.memory_space<vmem>> -> memref<8x128xf32, #tpu.memory_space<vmem>>
    tpu.wait_dma2 semaphore(%arg10 : memref<!tpu.dma_semaphore, #tpu.memory_space<semaphore_mem>>) src(%dma_wait3A_154 : memref<8x128xf32, #tpu.memory_space<vmem>>) dst(%dma_wait3A_150 : memref<8x128xf32, #tpu.memory_space<hbm>>)
    %mul3A_155 = arith.constant 4 : i32
    %mul3A_156 = arith.muli %add3A, %mul3A_155 : i32
    %add3A_157 = arith.constant 2 : i32
    %add3A_158 = arith.addi %mul3A_156, %add3A_157 : i32
    %dma_wait3A_159 = arith.constant 0 : i32
    %dma_wait3A_160 = arith.constant 0 : i32
    %dma_wait3A_161 = arith.constant 1 : i32
    %dma_wait3A_162 = arith.constant 8 : i32
    %dma_wait3A_163 = arith.constant 256 : i32
    %dma_wait3A_164 = tpu.memref_slice %arg7[%dma_wait3A_159, %dma_wait3A_162, %dma_wait3A_163] : memref<2x32x521xf32, #tpu.memory_space<vmem>> -> memref<1x8x128xf32, #tpu.memory_space<vmem>>
    %dma_wait3A_165 = tpu.memref_squeeze %dma_wait3A_164 : memref<1x8x128xf32, #tpu.memory_space<vmem>> -> memref<8x128xf32, #tpu.memory_space<vmem>>
    %dma_wait3A_166 = arith.constant 0 : i32
    %dma_wait3A_167 = arith.constant 0 : i32
    %dma_wait3A_168 = tpu.memref_slice %arg4[%dma_wait3A_160, %dma_wait3A_161, %add3A_158, %dma_wait3A_166, %dma_wait3A_167] : memref<50x4x128x8x128xf32, #tpu.memory_space<hbm>> -> memref<1x1x1x8x128xf32, #tpu.memory_space<hbm>>
    %dma_wait3A_169 = tpu.memref_squeeze %dma_wait3A_168 : memref<1x1x1x8x128xf32, #tpu.memory_space<hbm>> -> memref<8x128xf32, #tpu.memory_space<hbm>>
    %dma_wait3A_170 = arith.constant 0 : i32
    %dma_wait3A_171 = arith.constant 0 : i32
    %dma_wait3A_172 = tpu.memref_slice %arg4[%dma_wait3A_160, %dma_wait3A_161, %add3A_158, %dma_wait3A_170, %dma_wait3A_171] : memref<50x4x128x8x128xf32, #tpu.memory_space<hbm>> -> memref<1x1x1x8x128xf32, #tpu.memory_space<hbm>>
    %dma_wait3A_173 = tpu.memref_squeeze %dma_wait3A_172 : memref<1x1x1x8x128xf32, #tpu.memory_space<hbm>> -> memref<8x128xf32, #tpu.memory_space<hbm>>
    %dma_wait3A_174 = arith.constant 8 : i32
    %dma_wait3A_175 = arith.constant 256 : i32
    %dma_wait3A_176 = tpu.memref_slice %arg7[%dma_wait3A_159, %dma_wait3A_174, %dma_wait3A_175] : memref<2x32x521xf32, #tpu.memory_space<vmem>> -> memref<1x8x128xf32, #tpu.memory_space<vmem>>
    %dma_wait3A_177 = tpu.memref_squeeze %dma_wait3A_176 : memref<1x8x128xf32, #tpu.memory_space<vmem>> -> memref<8x128xf32, #tpu.memory_space<vmem>>
    tpu.wait_dma2 semaphore(%arg10 : memref<!tpu.dma_semaphore, #tpu.memory_space<semaphore_mem>>) src(%dma_wait3A_177 : memref<8x128xf32, #tpu.memory_space<vmem>>) dst(%dma_wait3A_173 : memref<8x128xf32, #tpu.memory_space<hbm>>)
    %mul3A_178 = arith.constant 4 : i32
    %mul3A_179 = arith.muli %add3A, %mul3A_178 : i32
    %add3A_180 = arith.constant 3 : i32
    %add3A_181 = arith.addi %mul3A_179, %add3A_180 : i32
    %dma_wait3A_182 = arith.constant 0 : i32
    %dma_wait3A_183 = arith.constant 0 : i32
    %dma_wait3A_184 = arith.constant 1 : i32
    %dma_wait3A_185 = arith.constant 8 : i32
    %dma_wait3A_186 = arith.constant 384 : i32
    %dma_wait3A_187 = tpu.memref_slice %arg7[%dma_wait3A_182, %dma_wait3A_185, %dma_wait3A_186] : memref<2x32x521xf32, #tpu.memory_space<vmem>> -> memref<1x8x128xf32, #tpu.memory_space<vmem>>
    %dma_wait3A_188 = tpu.memref_squeeze %dma_wait3A_187 : memref<1x8x128xf32, #tpu.memory_space<vmem>> -> memref<8x128xf32, #tpu.memory_space<vmem>>
    %dma_wait3A_189 = arith.constant 0 : i32
    %dma_wait3A_190 = arith.constant 0 : i32
    %dma_wait3A_191 = tpu.memref_slice %arg4[%dma_wait3A_183, %dma_wait3A_184, %add3A_181, %dma_wait3A_189, %dma_wait3A_190] : memref<50x4x128x8x128xf32, #tpu.memory_space<hbm>> -> memref<1x1x1x8x128xf32, #tpu.memory_space<hbm>>
    %dma_wait3A_192 = tpu.memref_squeeze %dma_wait3A_191 : memref<1x1x1x8x128xf32, #tpu.memory_space<hbm>> -> memref<8x128xf32, #tpu.memory_space<hbm>>
    %dma_wait3A_193 = arith.constant 0 : i32
    %dma_wait3A_194 = arith.constant 0 : i32
    %dma_wait3A_195 = tpu.memref_slice %arg4[%dma_wait3A_183, %dma_wait3A_184, %add3A_181, %dma_wait3A_193, %dma_wait3A_194] : memref<50x4x128x8x128xf32, #tpu.memory_space<hbm>> -> memref<1x1x1x8x128xf32, #tpu.memory_space<hbm>>
    %dma_wait3A_196 = tpu.memref_squeeze %dma_wait3A_195 : memref<1x1x1x8x128xf32, #tpu.memory_space<hbm>> -> memref<8x128xf32, #tpu.memory_space<hbm>>
    %dma_wait3A_197 = arith.constant 8 : i32
    %dma_wait3A_198 = arith.constant 384 : i32
    %dma_wait3A_199 = tpu.memref_slice %arg7[%dma_wait3A_182, %dma_wait3A_197, %dma_wait3A_198] : memref<2x32x521xf32, #tpu.memory_space<vmem>> -> memref<1x8x128xf32, #tpu.memory_space<vmem>>
    %dma_wait3A_200 = tpu.memref_squeeze %dma_wait3A_199 : memref<1x8x128xf32, #tpu.memory_space<vmem>> -> memref<8x128xf32, #tpu.memory_space<vmem>>
    tpu.wait_dma2 semaphore(%arg10 : memref<!tpu.dma_semaphore, #tpu.memory_space<semaphore_mem>>) src(%dma_wait3A_200 : memref<8x128xf32, #tpu.memory_space<vmem>>) dst(%dma_wait3A_196 : memref<8x128xf32, #tpu.memory_space<hbm>>)
    %mul3A_201 = arith.constant 4 : i32
    %mul3A_202 = arith.muli %add3A, %mul3A_201 : i32
    %add3A_203 = arith.constant 0 : i32
    %add3A_204 = arith.addi %mul3A_202, %add3A_203 : i32
    %dma_wait3A_205 = arith.constant 0 : i32
    %dma_wait3A_206 = arith.constant 0 : i32
    %dma_wait3A_207 = arith.constant 2 : i32
    %dma_wait3A_208 = arith.constant 16 : i32
    %dma_wait3A_209 = arith.constant 0 : i32
    %dma_wait3A_210 = tpu.memref_slice %arg7[%dma_wait3A_205, %dma_wait3A_208, %dma_wait3A_209] : memref<2x32x521xf32, #tpu.memory_space<vmem>> -> memref<1x8x128xf32, #tpu.memory_space<vmem>>
    %dma_wait3A_211 = tpu.memref_squeeze %dma_wait3A_210 : memref<1x8x128xf32, #tpu.memory_space<vmem>> -> memref<8x128xf32, #tpu.memory_space<vmem>>
    %dma_wait3A_212 = arith.constant 0 : i32
    %dma_wait3A_213 = arith.constant 0 : i32
    %dma_wait3A_214 = tpu.memref_slice %arg4[%dma_wait3A_206, %dma_wait3A_207, %add3A_204, %dma_wait3A_212, %dma_wait3A_213] : memref<50x4x128x8x128xf32, #tpu.memory_space<hbm>> -> memref<1x1x1x8x128xf32, #tpu.memory_space<hbm>>
    %dma_wait3A_215 = tpu.memref_squeeze %dma_wait3A_214 : memref<1x1x1x8x128xf32, #tpu.memory_space<hbm>> -> memref<8x128xf32, #tpu.memory_space<hbm>>
    %dma_wait3A_216 = arith.constant 0 : i32
    %dma_wait3A_217 = arith.constant 0 : i32
    %dma_wait3A_218 = tpu.memref_slice %arg4[%dma_wait3A_206, %dma_wait3A_207, %add3A_204, %dma_wait3A_216, %dma_wait3A_217] : memref<50x4x128x8x128xf32, #tpu.memory_space<hbm>> -> memref<1x1x1x8x128xf32, #tpu.memory_space<hbm>>
    %dma_wait3A_219 = tpu.memref_squeeze %dma_wait3A_218 : memref<1x1x1x8x128xf32, #tpu.memory_space<hbm>> -> memref<8x128xf32, #tpu.memory_space<hbm>>
    %dma_wait3A_220 = arith.constant 16 : i32
    %dma_wait3A_221 = arith.constant 0 : i32
    %dma_wait3A_222 = tpu.memref_slice %arg7[%dma_wait3A_205, %dma_wait3A_220, %dma_wait3A_221] : memref<2x32x521xf32, #tpu.memory_space<vmem>> -> memref<1x8x128xf32, #tpu.memory_space<vmem>>
    %dma_wait3A_223 = tpu.memref_squeeze %dma_wait3A_222 : memref<1x8x128xf32, #tpu.memory_space<vmem>> -> memref<8x128xf32, #tpu.memory_space<vmem>>
    tpu.wait_dma2 semaphore(%arg10 : memref<!tpu.dma_semaphore, #tpu.memory_space<semaphore_mem>>) src(%dma_wait3A_223 : memref<8x128xf32, #tpu.memory_space<vmem>>) dst(%dma_wait3A_219 : memref<8x128xf32, #tpu.memory_space<hbm>>)
    %mul3A_224 = arith.constant 4 : i32
    %mul3A_225 = arith.muli %add3A, %mul3A_224 : i32
    %add3A_226 = arith.constant 1 : i32
    %add3A_227 = arith.addi %mul3A_225, %add3A_226 : i32
    %dma_wait3A_228 = arith.constant 0 : i32
    %dma_wait3A_229 = arith.constant 0 : i32
    %dma_wait3A_230 = arith.constant 2 : i32
    %dma_wait3A_231 = arith.constant 16 : i32
    %dma_wait3A_232 = arith.constant 128 : i32
    %dma_wait3A_233 = tpu.memref_slice %arg7[%dma_wait3A_228, %dma_wait3A_231, %dma_wait3A_232] : memref<2x32x521xf32, #tpu.memory_space<vmem>> -> memref<1x8x128xf32, #tpu.memory_space<vmem>>
    %dma_wait3A_234 = tpu.memref_squeeze %dma_wait3A_233 : memref<1x8x128xf32, #tpu.memory_space<vmem>> -> memref<8x128xf32, #tpu.memory_space<vmem>>
    %dma_wait3A_235 = arith.constant 0 : i32
    %dma_wait3A_236 = arith.constant 0 : i32
    %dma_wait3A_237 = tpu.memref_slice %arg4[%dma_wait3A_229, %dma_wait3A_230, %add3A_227, %dma_wait3A_235, %dma_wait3A_236] : memref<50x4x128x8x128xf32, #tpu.memory_space<hbm>> -> memref<1x1x1x8x128xf32, #tpu.memory_space<hbm>>
    %dma_wait3A_238 = tpu.memref_squeeze %dma_wait3A_237 : memref<1x1x1x8x128xf32, #tpu.memory_space<hbm>> -> memref<8x128xf32, #tpu.memory_space<hbm>>
    %dma_wait3A_239 = arith.constant 0 : i32
    %dma_wait3A_240 = arith.constant 0 : i32
    %dma_wait3A_241 = tpu.memref_slice %arg4[%dma_wait3A_229, %dma_wait3A_230, %add3A_227, %dma_wait3A_239, %dma_wait3A_240] : memref<50x4x128x8x128xf32, #tpu.memory_space<hbm>> -> memref<1x1x1x8x128xf32, #tpu.memory_space<hbm>>
    %dma_wait3A_242 = tpu.memref_squeeze %dma_wait3A_241 : memref<1x1x1x8x128xf32, #tpu.memory_space<hbm>> -> memref<8x128xf32, #tpu.memory_space<hbm>>
    %dma_wait3A_243 = arith.constant 16 : i32
    %dma_wait3A_244 = arith.constant 128 : i32
    %dma_wait3A_245 = tpu.memref_slice %arg7[%dma_wait3A_228, %dma_wait3A_243, %dma_wait3A_244] : memref<2x32x521xf32, #tpu.memory_space<vmem>> -> memref<1x8x128xf32, #tpu.memory_space<vmem>>
    %dma_wait3A_246 = tpu.memref_squeeze %dma_wait3A_245 : memref<1x8x128xf32, #tpu.memory_space<vmem>> -> memref<8x128xf32, #tpu.memory_space<vmem>>
    tpu.wait_dma2 semaphore(%arg10 : memref<!tpu.dma_semaphore, #tpu.memory_space<semaphore_mem>>) src(%dma_wait3A_246 : memref<8x128xf32, #tpu.memory_space<vmem>>) dst(%dma_wait3A_242 : memref<8x128xf32, #tpu.memory_space<hbm>>)
    %mul3A_247 = arith.constant 4 : i32
    %mul3A_248 = arith.muli %add3A, %mul3A_247 : i32
    %add3A_249 = arith.constant 2 : i32
    %add3A_250 = arith.addi %mul3A_248, %add3A_249 : i32
    %dma_wait3A_251 = arith.constant 0 : i32
    %dma_wait3A_252 = arith.constant 0 : i32
    %dma_wait3A_253 = arith.constant 2 : i32
    %dma_wait3A_254 = arith.constant 16 : i32
    %dma_wait3A_255 = arith.constant 256 : i32
    %dma_wait3A_256 = tpu.memref_slice %arg7[%dma_wait3A_251, %dma_wait3A_254, %dma_wait3A_255] : memref<2x32x521xf32, #tpu.memory_space<vmem>> -> memref<1x8x128xf32, #tpu.memory_space<vmem>>
    %dma_wait3A_257 = tpu.memref_squeeze %dma_wait3A_256 : memref<1x8x128xf32, #tpu.memory_space<vmem>> -> memref<8x128xf32, #tpu.memory_space<vmem>>
    %dma_wait3A_258 = arith.constant 0 : i32
    %dma_wait3A_259 = arith.constant 0 : i32
    %dma_wait3A_260 = tpu.memref_slice %arg4[%dma_wait3A_252, %dma_wait3A_253, %add3A_250, %dma_wait3A_258, %dma_wait3A_259] : memref<50x4x128x8x128xf32, #tpu.memory_space<hbm>> -> memref<1x1x1x8x128xf32, #tpu.memory_space<hbm>>
    %dma_wait3A_261 = tpu.memref_squeeze %dma_wait3A_260 : memref<1x1x1x8x128xf32, #tpu.memory_space<hbm>> -> memref<8x128xf32, #tpu.memory_space<hbm>>
    %dma_wait3A_262 = arith.constant 0 : i32
    %dma_wait3A_263 = arith.constant 0 : i32
    %dma_wait3A_264 = tpu.memref_slice %arg4[%dma_wait3A_252, %dma_wait3A_253, %add3A_250, %dma_wait3A_262, %dma_wait3A_263] : memref<50x4x128x8x128xf32, #tpu.memory_space<hbm>> -> memref<1x1x1x8x128xf32, #tpu.memory_space<hbm>>
    %dma_wait3A_265 = tpu.memref_squeeze %dma_wait3A_264 : memref<1x1x1x8x128xf32, #tpu.memory_space<hbm>> -> memref<8x128xf32, #tpu.memory_space<hbm>>
    %dma_wait3A_266 = arith.constant 16 : i32
    %dma_wait3A_267 = arith.constant 256 : i32
    %dma_wait3A_268 = tpu.memref_slice %arg7[%dma_wait3A_251, %dma_wait3A_266, %dma_wait3A_267] : memref<2x32x521xf32, #tpu.memory_space<vmem>> -> memref<1x8x128xf32, #tpu.memory_space<vmem>>
    %dma_wait3A_269 = tpu.memref_squeeze %dma_wait3A_268 : memref<1x8x128xf32, #tpu.memory_space<vmem>> -> memref<8x128xf32, #tpu.memory_space<vmem>>
    tpu.wait_dma2 semaphore(%arg10 : memref<!tpu.dma_semaphore, #tpu.memory_space<semaphore_mem>>) src(%dma_wait3A_269 : memref<8x128xf32, #tpu.memory_space<vmem>>) dst(%dma_wait3A_265 : memref<8x128xf32, #tpu.memory_space<hbm>>)
    %mul3A_270 = arith.constant 4 : i32
    %mul3A_271 = arith.muli %add3A, %mul3A_270 : i32
    %add3A_272 = arith.constant 3 : i32
    %add3A_273 = arith.addi %mul3A_271, %add3A_272 : i32
    %dma_wait3A_274 = arith.constant 0 : i32
    %dma_wait3A_275 = arith.constant 0 : i32
    %dma_wait3A_276 = arith.constant 2 : i32
    %dma_wait3A_277 = arith.constant 16 : i32
    %dma_wait3A_278 = arith.constant 384 : i32
    %dma_wait3A_279 = tpu.memref_slice %arg7[%dma_wait3A_274, %dma_wait3A_277, %dma_wait3A_278] : memref<2x32x521xf32, #tpu.memory_space<vmem>> -> memref<1x8x128xf32, #tpu.memory_space<vmem>>
    %dma_wait3A_280 = tpu.memref_squeeze %dma_wait3A_279 : memref<1x8x128xf32, #tpu.memory_space<vmem>> -> memref<8x128xf32, #tpu.memory_space<vmem>>
    %dma_wait3A_281 = arith.constant 0 : i32
    %dma_wait3A_282 = arith.constant 0 : i32
    %dma_wait3A_283 = tpu.memref_slice %arg4[%dma_wait3A_275, %dma_wait3A_276, %add3A_273, %dma_wait3A_281, %dma_wait3A_282] : memref<50x4x128x8x128xf32, #tpu.memory_space<hbm>> -> memref<1x1x1x8x128xf32, #tpu.memory_space<hbm>>
    %dma_wait3A_284 = tpu.memref_squeeze %dma_wait3A_283 : memref<1x1x1x8x128xf32, #tpu.memory_space<hbm>> -> memref<8x128xf32, #tpu.memory_space<hbm>>
    %dma_wait3A_285 = arith.constant 0 : i32
    %dma_wait3A_286 = arith.constant 0 : i32
    %dma_wait3A_287 = tpu.memref_slice %arg4[%dma_wait3A_275, %dma_wait3A_276, %add3A_273, %dma_wait3A_285, %dma_wait3A_286] : memref<50x4x128x8x128xf32, #tpu.memory_space<hbm>> -> memref<1x1x1x8x128xf32, #tpu.memory_space<hbm>>
    %dma_wait3A_288 = tpu.memref_squeeze %dma_wait3A_287 : memref<1x1x1x8x128xf32, #tpu.memory_space<hbm>> -> memref<8x128xf32, #tpu.memory_space<hbm>>
    %dma_wait3A_289 = arith.constant 16 : i32
    %dma_wait3A_290 = arith.constant 384 : i32
    %dma_wait3A_291 = tpu.memref_slice %arg7[%dma_wait3A_274, %dma_wait3A_289, %dma_wait3A_290] : memref<2x32x521xf32, #tpu.memory_space<vmem>> -> memref<1x8x128xf32, #tpu.memory_space<vmem>>
    %dma_wait3A_292 = tpu.memref_squeeze %dma_wait3A_291 : memref<1x8x128xf32, #tpu.memory_space<vmem>> -> memref<8x128xf32, #tpu.memory_space<vmem>>
    tpu.wait_dma2 semaphore(%arg10 : memref<!tpu.dma_semaphore, #tpu.memory_space<semaphore_mem>>) src(%dma_wait3A_292 : memref<8x128xf32, #tpu.memory_space<vmem>>) dst(%dma_wait3A_288 : memref<8x128xf32, #tpu.memory_space<hbm>>)
    %mul3A_293 = arith.constant 4 : i32
    %mul3A_294 = arith.muli %add3A, %mul3A_293 : i32
    %add3A_295 = arith.constant 0 : i32
    %add3A_296 = arith.addi %mul3A_294, %add3A_295 : i32
    %dma_wait3A_297 = arith.constant 0 : i32
    %dma_wait3A_298 = arith.constant 0 : i32
    %dma_wait3A_299 = arith.constant 3 : i32
    %dma_wait3A_300 = arith.constant 24 : i32
    %dma_wait3A_301 = arith.constant 0 : i32
    %dma_wait3A_302 = tpu.memref_slice %arg7[%dma_wait3A_297, %dma_wait3A_300, %dma_wait3A_301] : memref<2x32x521xf32, #tpu.memory_space<vmem>> -> memref<1x8x128xf32, #tpu.memory_space<vmem>>
    %dma_wait3A_303 = tpu.memref_squeeze %dma_wait3A_302 : memref<1x8x128xf32, #tpu.memory_space<vmem>> -> memref<8x128xf32, #tpu.memory_space<vmem>>
    %dma_wait3A_304 = arith.constant 0 : i32
    %dma_wait3A_305 = arith.constant 0 : i32
    %dma_wait3A_306 = tpu.memref_slice %arg4[%dma_wait3A_298, %dma_wait3A_299, %add3A_296, %dma_wait3A_304, %dma_wait3A_305] : memref<50x4x128x8x128xf32, #tpu.memory_space<hbm>> -> memref<1x1x1x8x128xf32, #tpu.memory_space<hbm>>
    %dma_wait3A_307 = tpu.memref_squeeze %dma_wait3A_306 : memref<1x1x1x8x128xf32, #tpu.memory_space<hbm>> -> memref<8x128xf32, #tpu.memory_space<hbm>>
    %dma_wait3A_308 = arith.constant 0 : i32
    %dma_wait3A_309 = arith.constant 0 : i32
    %dma_wait3A_310 = tpu.memref_slice %arg4[%dma_wait3A_298, %dma_wait3A_299, %add3A_296, %dma_wait3A_308, %dma_wait3A_309] : memref<50x4x128x8x128xf32, #tpu.memory_space<hbm>> -> memref<1x1x1x8x128xf32, #tpu.memory_space<hbm>>
    %dma_wait3A_311 = tpu.memref_squeeze %dma_wait3A_310 : memref<1x1x1x8x128xf32, #tpu.memory_space<hbm>> -> memref<8x128xf32, #tpu.memory_space<hbm>>
    %dma_wait3A_312 = arith.constant 24 : i32
    %dma_wait3A_313 = arith.constant 0 : i32
    %dma_wait3A_314 = tpu.memref_slice %arg7[%dma_wait3A_297, %dma_wait3A_312, %dma_wait3A_313] : memref<2x32x521xf32, #tpu.memory_space<vmem>> -> memref<1x8x128xf32, #tpu.memory_space<vmem>>
    %dma_wait3A_315 = tpu.memref_squeeze %dma_wait3A_314 : memref<1x8x128xf32, #tpu.memory_space<vmem>> -> memref<8x128xf32, #tpu.memory_space<vmem>>
    tpu.wait_dma2 semaphore(%arg10 : memref<!tpu.dma_semaphore, #tpu.memory_space<semaphore_mem>>) src(%dma_wait3A_315 : memref<8x128xf32, #tpu.memory_space<vmem>>) dst(%dma_wait3A_311 : memref<8x128xf32, #tpu.memory_space<hbm>>)
    %mul3A_316 = arith.constant 4 : i32
    %mul3A_317 = arith.muli %add3A, %mul3A_316 : i32
    %add3A_318 = arith.constant 1 : i32
    %add3A_319 = arith.addi %mul3A_317, %add3A_318 : i32
    %dma_wait3A_320 = arith.constant 0 : i32
    %dma_wait3A_321 = arith.constant 0 : i32
    %dma_wait3A_322 = arith.constant 3 : i32
    %dma_wait3A_323 = arith.constant 24 : i32
    %dma_wait3A_324 = arith.constant 128 : i32
    %dma_wait3A_325 = tpu.memref_slice %arg7[%dma_wait3A_320, %dma_wait3A_323, %dma_wait3A_324] : memref<2x32x521xf32, #tpu.memory_space<vmem>> -> memref<1x8x128xf32, #tpu.memory_space<vmem>>
    %dma_wait3A_326 = tpu.memref_squeeze %dma_wait3A_325 : memref<1x8x128xf32, #tpu.memory_space<vmem>> -> memref<8x128xf32, #tpu.memory_space<vmem>>
    %dma_wait3A_327 = arith.constant 0 : i32
    %dma_wait3A_328 = arith.constant 0 : i32
    %dma_wait3A_329 = tpu.memref_slice %arg4[%dma_wait3A_321, %dma_wait3A_322, %add3A_319, %dma_wait3A_327, %dma_wait3A_328] : memref<50x4x128x8x128xf32, #tpu.memory_space<hbm>> -> memref<1x1x1x8x128xf32, #tpu.memory_space<hbm>>
    %dma_wait3A_330 = tpu.memref_squeeze %dma_wait3A_329 : memref<1x1x1x8x128xf32, #tpu.memory_space<hbm>> -> memref<8x128xf32, #tpu.memory_space<hbm>>
    %dma_wait3A_331 = arith.constant 0 : i32
    %dma_wait3A_332 = arith.constant 0 : i32
    %dma_wait3A_333 = tpu.memref_slice %arg4[%dma_wait3A_321, %dma_wait3A_322, %add3A_319, %dma_wait3A_331, %dma_wait3A_332] : memref<50x4x128x8x128xf32, #tpu.memory_space<hbm>> -> memref<1x1x1x8x128xf32, #tpu.memory_space<hbm>>
    %dma_wait3A_334 = tpu.memref_squeeze %dma_wait3A_333 : memref<1x1x1x8x128xf32, #tpu.memory_space<hbm>> -> memref<8x128xf32, #tpu.memory_space<hbm>>
    %dma_wait3A_335 = arith.constant 24 : i32
    %dma_wait3A_336 = arith.constant 128 : i32
    %dma_wait3A_337 = tpu.memref_slice %arg7[%dma_wait3A_320, %dma_wait3A_335, %dma_wait3A_336] : memref<2x32x521xf32, #tpu.memory_space<vmem>> -> memref<1x8x128xf32, #tpu.memory_space<vmem>>
    %dma_wait3A_338 = tpu.memref_squeeze %dma_wait3A_337 : memref<1x8x128xf32, #tpu.memory_space<vmem>> -> memref<8x128xf32, #tpu.memory_space<vmem>>
    tpu.wait_dma2 semaphore(%arg10 : memref<!tpu.dma_semaphore, #tpu.memory_space<semaphore_mem>>) src(%dma_wait3A_338 : memref<8x128xf32, #tpu.memory_space<vmem>>) dst(%dma_wait3A_334 : memref<8x128xf32, #tpu.memory_space<hbm>>)
    %mul3A_339 = arith.constant 4 : i32
    %mul3A_340 = arith.muli %add3A, %mul3A_339 : i32
    %add3A_341 = arith.constant 2 : i32
    %add3A_342 = arith.addi %mul3A_340, %add3A_341 : i32
    %dma_wait3A_343 = arith.constant 0 : i32
    %dma_wait3A_344 = arith.constant 0 : i32
    %dma_wait3A_345 = arith.constant 3 : i32
    %dma_wait3A_346 = arith.constant 24 : i32
    %dma_wait3A_347 = arith.constant 256 : i32
    %dma_wait3A_348 = tpu.memref_slice %arg7[%dma_wait3A_343, %dma_wait3A_346, %dma_wait3A_347] : memref<2x32x521xf32, #tpu.memory_space<vmem>> -> memref<1x8x128xf32, #tpu.memory_space<vmem>>
    %dma_wait3A_349 = tpu.memref_squeeze %dma_wait3A_348 : memref<1x8x128xf32, #tpu.memory_space<vmem>> -> memref<8x128xf32, #tpu.memory_space<vmem>>
    %dma_wait3A_350 = arith.constant 0 : i32
    %dma_wait3A_351 = arith.constant 0 : i32
    %dma_wait3A_352 = tpu.memref_slice %arg4[%dma_wait3A_344, %dma_wait3A_345, %add3A_342, %dma_wait3A_350, %dma_wait3A_351] : memref<50x4x128x8x128xf32, #tpu.memory_space<hbm>> -> memref<1x1x1x8x128xf32, #tpu.memory_space<hbm>>
    %dma_wait3A_353 = tpu.memref_squeeze %dma_wait3A_352 : memref<1x1x1x8x128xf32, #tpu.memory_space<hbm>> -> memref<8x128xf32, #tpu.memory_space<hbm>>
    %dma_wait3A_354 = arith.constant 0 : i32
    %dma_wait3A_355 = arith.constant 0 : i32
    %dma_wait3A_356 = tpu.memref_slice %arg4[%dma_wait3A_344, %dma_wait3A_345, %add3A_342, %dma_wait3A_354, %dma_wait3A_355] : memref<50x4x128x8x128xf32, #tpu.memory_space<hbm>> -> memref<1x1x1x8x128xf32, #tpu.memory_space<hbm>>
    %dma_wait3A_357 = tpu.memref_squeeze %dma_wait3A_356 : memref<1x1x1x8x128xf32, #tpu.memory_space<hbm>> -> memref<8x128xf32, #tpu.memory_space<hbm>>
    %dma_wait3A_358 = arith.constant 24 : i32
    %dma_wait3A_359 = arith.constant 256 : i32
    %dma_wait3A_360 = tpu.memref_slice %arg7[%dma_wait3A_343, %dma_wait3A_358, %dma_wait3A_359] : memref<2x32x521xf32, #tpu.memory_space<vmem>> -> memref<1x8x128xf32, #tpu.memory_space<vmem>>
    %dma_wait3A_361 = tpu.memref_squeeze %dma_wait3A_360 : memref<1x8x128xf32, #tpu.memory_space<vmem>> -> memref<8x128xf32, #tpu.memory_space<vmem>>
    tpu.wait_dma2 semaphore(%arg10 : memref<!tpu.dma_semaphore, #tpu.memory_space<semaphore_mem>>) src(%dma_wait3A_361 : memref<8x128xf32, #tpu.memory_space<vmem>>) dst(%dma_wait3A_357 : memref<8x128xf32, #tpu.memory_space<hbm>>)
    %mul3A_362 = arith.constant 4 : i32
    %mul3A_363 = arith.muli %add3A, %mul3A_362 : i32
    %add3A_364 = arith.constant 3 : i32
    %add3A_365 = arith.addi %mul3A_363, %add3A_364 : i32
    %dma_wait3A_366 = arith.constant 0 : i32
    %dma_wait3A_367 = arith.constant 0 : i32
    %dma_wait3A_368 = arith.constant 3 : i32
    %dma_wait3A_369 = arith.constant 24 : i32
    %dma_wait3A_370 = arith.constant 384 : i32
    %dma_wait3A_371 = tpu.memref_slice %arg7[%dma_wait3A_366, %dma_wait3A_369, %dma_wait3A_370] : memref<2x32x521xf32, #tpu.memory_space<vmem>> -> memref<1x8x128xf32, #tpu.memory_space<vmem>>
    %dma_wait3A_372 = tpu.memref_squeeze %dma_wait3A_371 : memref<1x8x128xf32, #tpu.memory_space<vmem>> -> memref<8x128xf32, #tpu.memory_space<vmem>>
    %dma_wait3A_373 = arith.constant 0 : i32
    %dma_wait3A_374 = arith.constant 0 : i32
    %dma_wait3A_375 = tpu.memref_slice %arg4[%dma_wait3A_367, %dma_wait3A_368, %add3A_365, %dma_wait3A_373, %dma_wait3A_374] : memref<50x4x128x8x128xf32, #tpu.memory_space<hbm>> -> memref<1x1x1x8x128xf32, #tpu.memory_space<hbm>>
    %dma_wait3A_376 = tpu.memref_squeeze %dma_wait3A_375 : memref<1x1x1x8x128xf32, #tpu.memory_space<hbm>> -> memref<8x128xf32, #tpu.memory_space<hbm>>
    %dma_wait3A_377 = arith.constant 0 : i32
    %dma_wait3A_378 = arith.constant 0 : i32
    %dma_wait3A_379 = tpu.memref_slice %arg4[%dma_wait3A_367, %dma_wait3A_368, %add3A_365, %dma_wait3A_377, %dma_wait3A_378] : memref<50x4x128x8x128xf32, #tpu.memory_space<hbm>> -> memref<1x1x1x8x128xf32, #tpu.memory_space<hbm>>
    %dma_wait3A_380 = tpu.memref_squeeze %dma_wait3A_379 : memref<1x1x1x8x128xf32, #tpu.memory_space<hbm>> -> memref<8x128xf32, #tpu.memory_space<hbm>>
    %dma_wait3A_381 = arith.constant 24 : i32
    %dma_wait3A_382 = arith.constant 384 : i32
    %dma_wait3A_383 = tpu.memref_slice %arg7[%dma_wait3A_366, %dma_wait3A_381, %dma_wait3A_382] : memref<2x32x521xf32, #tpu.memory_space<vmem>> -> memref<1x8x128xf32, #tpu.memory_space<vmem>>
    %dma_wait3A_384 = tpu.memref_squeeze %dma_wait3A_383 : memref<1x8x128xf32, #tpu.memory_space<vmem>> -> memref<8x128xf32, #tpu.memory_space<vmem>>
    tpu.wait_dma2 semaphore(%arg10 : memref<!tpu.dma_semaphore, #tpu.memory_space<semaphore_mem>>) src(%dma_wait3A_384 : memref<8x128xf32, #tpu.memory_space<vmem>>) dst(%dma_wait3A_380 : memref<8x128xf32, #tpu.memory_space<hbm>>)
    return
  }
}

</mosaic_0001>

<sc_bundles>
// kernel: kernel.4.cloned.1.call-start
scs
__scs_entry_jumppad:
0x0: {  	(pc) =	sbr.rel $0x88, $3  }
0x1: {  	(tag) =	ssettag $0x0;
	lr =	simm.s32 $0x1  }
0x2: {  	[smem:$0x3F9F] =	sst lr;
	_ =	strace $0xD0000000  }
0x3: {  	_ = 	snop  }
0x4: {  	_ = 	snop  }
0x5: {  	_ = 	snop  }
0x6: {  	_ = 	snop  }
0x7: {  	_ = 	snop  }
__scs_overlays_trampoline_lowered:
0x8: {  	[smem:$0x3FAE] =	sst s0  }
0x9: {  	[smem:$0x3FAF] =	sst s1  }
0xa: {  	[smem:$0x3FB0] =	sst s2  }
0xb: {  	[smem:$0x3FB1] =	sst s3  }
0xc: {  	[smem:$0x3FB2] =	sst s4  }
0xd: {  	[smem:$0x3FB3] =	sst s5  }
0xe: {  	[smem:$0x3FB4] =	sst s6  }
0xf: {  	[smem:$0x3FB5] =	sst s7  }
0x10: {  	[smem:$0x3FB6] =	sst s8  }
0x11: {  	[smem:$0x3FB7] =	sst s9;
	s0 =	simm.s32 @!p0 $0x0  }
0x12: {  	s1 =	sld [smem:$0x3F9D];
	s0 =	simm.s32 @p0 $0x1  }
0x13: {  	[smem:$0x3FB8] =	sst s0;
	s0 =	simm.s32 @!p1 $0x0  }
0x14: {  	s2 =	sld [smem:$0x3F9C];
	s0 =	simm.s32 @p1 $0x1  }
0x15: {  	[smem:$0x3FB9] =	sst s0;
	s0 =	simm.s32 @!p2 $0x0  }
0x16: {  	s3 =	sld [smem:$0x3FDB];
	s0 =	simm.s32 @p2 $0x1  }
0x17: {  	s4 =	simm.s32 $0x1BF5;
	[smem:$0x3FBB] =	sst s0  }
0x18: {  	s0 =	sld [smem:$0x3F9E];
	_ =	swait.ge [sflag:s4], $0x0  }
0x19: {  	s7 =	sld [smem:$0x3F9F]  }
0x1a: {  	s8 =	sadd.s32 $0xFFFFE003, lr  }
0x1b: {  	s9 =	sadd.s32 $0xFFFFFEF7, lr;
	s5 =	simm.s32 $0xFFFFFFFF;
	p2 =	slt.u32 s8, $0xFFFFF086  }
0x1c: {  	p1 =	slt.u32 s9, $0xF7A;
	s5 =	simm.s32 @!p2 $0x0  }
0x1d: {  	s5 =	simm.s32 @p1 $0x1;
	p0 =	seq.s32 s7, s2  }
0x1e: {  	s7 =	smul.u32 @!p0 $0xF7A, s2;
	p2 =	seq.s32 @!p0 s5, $0x0  }
0x1f: {  	s9 =	smul.u32 $0xF7A, s1;
	s8 =	simm.s32 @!p0 $0x1BF5;
	p2 =	por !p2, p0  }
0x20: {  	[sflag:s8] =	ssyncset.s32 @!p0 $0xFFFFF086;
	s6 =	sadd.s32 @!p0 s3, s7;
	s7 =	simm.s32 @!p0 $0x108  }
0x21: {  	s3 =	sadd.s32 s3, s9;
	s6 =	sadd.s32 @!p0 $0x88, s6;
	s7 =	simm.s32 @p2 $0x1082  }
0x22: {  	[simem:s7], [sflag:s8] =	dma.local @!p0 [hbm:s6], $0xF7A  }
0x23: {  	s9 =	sor.u32 $0xD0000000, s2;
	s6 =	simm.s32 $0x108;
	_ =	swait.ge @!p0 [sflag:s8], $0x0  }
0x24: {  	s3 =	sadd.s32 $0x88, s3;
	s6 =	simm.s32 @!p1 $0x1082;
	[sflag:s4] =	ssyncset.s32 $0xFFFFF086  }
0x25: {  	[simem:s6], [sflag:s4] =	dma.local [hbm:s3], $0xF7A  }
0x26: {  	[smem:$0x3F9F] =	sst s1;
	(tag) =	ssettag s2;
	_ =	strace s9  }
0x27: {  	s1 =	sld [smem:$0x3FAF]  }
0x28: {  	s2 =	sld [smem:$0x3FB0]  }
0x29: {  	s4 =	sld [smem:$0x3FB2]  }
0x2a: {  	p0 =	seq.s32 s5, $0x0;
	s5 =	sld [smem:$0x3FB3]  }
0x2b: {  	s6 =	sld [smem:$0x3FB4]  }
0x2c: {  	s7 =	sld [smem:$0x3FB5]  }
0x2d: {  	s3 =	simm.s32 $0x108;
	s8 =	sld [smem:$0x3FB6]  }
0x2e: {  	s3 =	simm.s32 @!p0 $0x1082;
	s9 =	sld [smem:$0x3FB7]  }
0x2f: {  	lr =	sadd.s32 s0, s3;
	s0 =	sld [smem:$0x3FAE]  }
0x30: {  	s3 =	sld [smem:$0x3FB1]  }
0x31: {  	[smem:$0x3FBA] =	sst s10  }
0x32: {  	s10 =	sld [smem:$0x3FB8];
	_ =	sdelay $0x3  }
0x33: {  	p0 =	seq.s32 s10, $0x1;
	s10 =	sld [smem:$0x3FBA];
	_ =	sdelay $0x3  }
0x34: {  	[smem:$0x3FBA] =	sst s10  }
0x35: {  	s10 =	sld [smem:$0x3FB9];
	_ =	sdelay $0x3  }
0x36: {  	p1 =	seq.s32 s10, $0x1;
	s10 =	sld [smem:$0x3FBA];
	_ =	sdelay $0x3  }
0x37: {  	[smem:$0x3FBA] =	sst s10  }
0x38: {  	s10 =	sld [smem:$0x3FBB]  }
0x39: {  	_ = 	snop;
	(pc) =	sbr.ind lr, $3  }
0x3a: {  	_ = 	snop  }
0x3b: {  	_ = 	snop  }
0x3c: {  	p2 =	seq.s32 s10, $0x1;
	s10 =	sld [smem:$0x3FBA]  }
0x3d: {  	_ =	shalt  }
0x3e: {  	_ =	shalt  }
0x3f: {  	_ =	shalt  }
0x40: {  	_ =	shalt  }
0x41: {  	_ =	shalt  }
0x42: {  	_ =	shalt  }
0x43: {  	_ =	shalt  }
0x44: {  	_ =	shalt  }
0x45: {  	_ =	shalt  }
0x46: {  	_ =	shalt  }
0x47: {  	_ =	shalt  }
0x48: {  	_ =	shalt  }
0x49: {  	_ =	shalt  }
0x4a: {  	_ =	shalt  }
0x4b: {  	_ =	shalt  }
0x4c: {  	_ =	shalt  }
0x4d: {  	_ =	shalt  }
0x4e: {  	_ =	shalt  }
0x4f: {  	_ =	shalt  }
0x50: {  	_ =	shalt  }
0x51: {  	_ =	shalt  }
0x52: {  	_ =	shalt  }
0x53: {  	_ =	shalt  }
0x54: {  	_ =	shalt  }
0x55: {  	_ =	shalt  }
0x56: {  	_ =	shalt  }
0x57: {  	_ =	shalt  }
0x58: {  	_ =	shalt  }
0x59: {  	_ =	shalt  }
0x5a: {  	_ =	shalt  }
0x5b: {  	_ =	shalt  }
0x5c: {  	_ =	shalt  }
0x5d: {  	_ =	shalt  }
0x5e: {  	_ =	shalt  }
0x5f: {  	_ =	shalt  }
0x60: {  	_ =	shalt  }
0x61: {  	_ =	shalt  }
0x62: {  	_ =	shalt  }
0x63: {  	_ =	shalt  }
0x64: {  	_ =	shalt  }
0x65: {  	_ =	shalt  }
0x66: {  	_ =	shalt  }
0x67: {  	_ =	shalt  }
0x68: {  	_ =	shalt  }
0x69: {  	_ =	shalt  }
0x6a: {  	_ =	shalt  }
0x6b: {  	_ =	shalt  }
0x6c: {  	_ =	shalt  }
0x6d: {  	_ =	shalt  }
0x6e: {  	_ =	shalt  }
0x6f: {  	_ =	shalt  }
0x70: {  	_ =	shalt  }
0x71: {  	_ =	shalt  }
0x72: {  	_ =	shalt  }
0x73: {  	_ =	shalt  }
0x74: {  	_ =	shalt  }
0x75: {  	_ =	shalt  }
0x76: {  	_ =	shalt  }
0x77: {  	_ =	shalt  }
0x78: {  	_ =	shalt  }
0x79: {  	_ =	shalt  }
0x7a: {  	_ =	shalt  }
0x7b: {  	_ =	shalt  }
0x7c: {  	_ =	shalt  }
0x7d: {  	_ =	shalt  }
0x7e: {  	_ =	shalt  }
0x7f: {  	_ =	shalt  }
0x80: {  	_ =	shalt  }
0x81: {  	_ =	shalt  }
0x82: {  	_ =	shalt  }
0x83: {  	_ =	shalt  }
0x84: {  	_ =	shalt  }
0x85: {  	_ =	shalt  }
0x86: {  	_ =	shalt  }
0x87: {  	_ =	shalt  }
.Lfunc_end0:
.L_simem_size_0:
called_computation_lowered:
.L_overlay_start_0:
0x88: {  	s2 =	sld [smem:$0x3FD9]  }
0x89: {  	s3 =	sld [smem:$0x3FFE];
	_ =	sdelay $0x1  }
0x8a: {  	s1 =	srdreg.scid  }
0x8b: {  	s0 =	sand.u32 $0x1, s1  }
0x8c: {  	s17 =	sshll.u32 s0, $0xA;
	s2 =	sadd.s32 s3, s2  }
0x8d: {  	s2 =	sadd.s32 s2, s17  }
0x8e: {  	[smem:$0x3FC6] =	sst s2  }
0x8f: {  	_ = 	snop  }
0x90: {  	s2 =	sld [smem:$0x3FC8]  }
0x91: {  	s18 =	sld [smem:$0x3FD0];
	(tm) =	ssettm $0x1  }
0x92: {  	s4 =	sld [smem:$0x3FFB];
	_ =	sdelay $0x3  }
0x93: {  	_ =	strace s4  }
0x94: {  	s4 =	sld [smem:$0x3FFC];
	_ =	sdelay $0x3  }
0x95: {  	_ =	strace s4  }
0x96: {  	s4 =	sld [smem:$0x3FFD];
	_ =	sdelay $0x3  }
0x97: {  	_ =	strace s4  }
0x98: {  	_ =	strace $0x8FFFFFFF  }
0x99: {  	s19 =	sld [smem:$0x3FDB];
	_ =	sdelay $0x1  }
0x9a: {  	s5 =	simm.s32 $_scs_section_size  }
0x9b: {  	s6 =	simm.s32 $_size__tile_overlayer_lowered;
	s7 =	simm.s32 $_tile_overlayer_lowered  }
0x9c: {  	s22 =	simm.s32 $0x1BFF;
	s21 =	sshll.u32 s7, $0x1;
	s4 =	sadd.s32 s5, s19  }
0x9d: {  	s8 =	simm.s32 $0x0;
	s20 =	sshll.u32 s6, $0x1;
	s6 =	sadd.s32 s21, s4  }
0x9e: {  	[timem:s8], [sflag:s22] =	dma.local [hbm:s6], s20  }
0x9f: {  	_ =	swait.ge [sflag:s22], s20  }
0xa0: {  	s5 =	ssub.s32 $0x0, s20;
	[sflag:s22] =	ssyncset.done $0x0  }
0xa1: {  	[sflag:s22] =	ssyncadd.s32 s5;
	_ =	sdelay $0x1  }
0xa2: {  	s23 =	simm.s32 $0x1B8B  }
0xa3: {  	_ =	swait.ge [sflag:s23], $0x1  }
0xa4: {  	[sflag:s23] =	ssyncset.done $0x0  }
0xa5: {  	s25 =	simm.s32 $0x1B8E;
	s24 =	sld [smem:$0x3FFE];
	[sflag:s23] =	ssyncadd.s32 $0xFFFFFFFF  }
0xa6: {  	s26 =	simm.s32 $execute0_lowered;
	[smem:$0x3FD2] =	sst s25  }
0xa7: {  	s6 =	sshll.u32 s26, $0x1;
	_ =	strace $0x80000046;
	[dreg:$0x1] =	wrdreg $0xFFFFFFFF  }
0xa8: {  	s28 =	simm.s32 $_size_execute0_lowered;
	s4 =	sadd.s32 s4, s6;
	[dreg:$0x0] =	wrdreg $0x0  }
0xa9: {  	s6 =	sshll.u32 s28, $0x1;
	[dreg:$0x2] =	wrdreg s4  }
0xaa: {  	[dreg:$0x3] =	wrdreg s6  }
0xab: {  	[dreg:$0x4] =	wrdreg $0xC0  }
0xac: {  	_ =	task [dreg:s8], $0x5FFFF  }
0xad: {  	[dreg:$0x1] =	wrdreg $0xFFFFFFFF  }
0xae: {  	[dreg:$0x0] =	wrdreg $0x60  }
0xaf: {  	[dreg:$0x2] =	wrdreg s2  }
0xb0: {  	[dreg:$0x3] =	wrdreg s18  }
0xb1: {  	[dreg:$0x4] =	wrdreg s24  }
0xb2: {  	[dreg:$0x5] =	wrdreg $0x9  }
0xb3: {  	_ =	task.clear_ibuf [dreg:s8], $0x6FFFF;
	_ =	strace $0x90000046  }
0xb4: {  	s29 =	simm.s32 $0x9;
	_ =	strace $0x80000048  }
0xb5: {  	_ =	swait.ge [sflag:s29], $0x1  }
0xb6: {  	[sflag:s29] =	ssyncadd.s32 $0xFFFFFFFF  }
0xb7: {  	_ =	strace $0x90000048  }
0xb8: {  	_ =	sfence  }
0xb9: {  	s30 =	sld [smem:$0x0];
	_ =	sdelay $0x2  }
0xba: {  	s31 =	sshll.u32 s1, $0xD;
	s1 =	sshrl.u32 s1, $0x2  }
0xbb: {  	s3 =	sand.u32 $0x4000, s31;
	s1 =	sadd.s32 s1, s30  }
0xbc: {  	s0 =	sor.u32 s3, s0;
	s1 =	sshll.u32 s1, $0x11  }
0xbd: {  	s0 =	sor.u32 s1, s0  }
0xbe: {  	s0 =	sadd.s32 $0x8F2B, s0  }
0xbf: {  	[sflag:s0] =	ssyncadd.remote.s32 $0x1  }
0xc0: {  	_ =	sfence.sel $0xFFFF  }
0xc1: {  	[dreg:$0x0] =	wrdreg $0xFFFFFFFF;
	(pc) =	sbr.abs _section_cstart, $3  }
0xc2: {  	[dreg:$0x1] =	wrdreg $0xFFFFFFFF  }
0xc3: {  	_ =	task.clear_ibuf [dreg:s8], $0x2FFFF;
	_ =	strace $0x9FFFFFFF  }
0xc4: {  	(tm) =	ssettm $0x7FFFFFFF  }
0xc5: {  	_ =	shalt  }
tec
execute0_lowered:
.L_overlay_start_1:
0x0: {  	(tag) =	ssettag $0x1  }
0x1: {  	v0 =	vimm.s32 $0xB80  }
0x2: {  	vm0 =	vcmask $0x300;
	v1 =	vimm.s32 $0x1B80;
	vm1 =	vcmask $0x704  }
0x3: {  	vm15 =	vcmask $0xB08;
	v0 =	vsel vm0, $0x0, v0;
	v1 =	vsel vm0, $0x1000, v1  }
0x4: {  	s1 =	rddreg [dreg:$0x0];
	vm4 =	vcmask $0xF0C;
	v0 =	vsel vm1, $0x80, v0;
	v1 =	vsel vm1, $0x1080, v1  }
0x5: {  	s0 =	srdreg.scid;
	s3 =	stileid.u32;
	vm5 =	vcmask $0x1310;
	v0 =	vsel vm15, $0x100, v0;
	v1 =	vsel vm15, $0x1100, v1  }
0x6: {  	s2 =	rddreg [dreg:$0x2];
	s4 =	simm.s32 $0x0;
	vm6 =	vcmask $0x1714;
	s21 =	simm.s32 $0x0;
	v0 =	vsel vm4, $0x180, v0;
	v1 =	vsel vm4, $0x1180, v1  }
0x7: {  	vm7 =	vcmask $0x1B18;
	s0 =	sand.u32 $0x1, s0;
	s3 =	sshll.u32 s3, $0x1;
	[smem:$0x7FF] =	sst s4;
	v0 =	vsel vm5, $0x200, v0;
	v1 =	vsel vm5, $0x1200, v1  }
0x8: {  	vm8 =	vcmask $0x1F1C;
	s6 =	sadd.s32 $0x3D1200, s2;
	s8 =	sadd.s32 $0xA00, s2;
	s3 =	sor.u32 s0, s3;
	v0 =	vsel vm6, $0x280, v0;
	v1 =	vsel vm6, $0x1280, v1  }
0x9: {  	vm9 =	vcmask $0x2320;
	s2 =	simm.s32 $0x2;
	s0 =	ssub.s32 $0x2, s0;
	s5 =	smul.u32 $0x7A80, s3;
	v0 =	vsel vm7, $0x300, v0;
	v1 =	vsel vm7, $0x1300, v1  }
0xa: {  	vm10 =	vcmask $0x2724;
	_ =	strace $0x80000047;
	[dreg:$0x4] =	wrdreg s6;
	s28 =	sshrl.u32 s0, $0x1;
	v0 =	vsel vm8, $0x380, v0;
	v1 =	vsel vm8, $0x1380, v1  }
0xb: {  	vm11 =	vcmask $0x2B28;
	s10 =	smul.u32 $0xF5, s3;
	s0 =	ssub.s32 s0, s28;
	s5 =	sadd.s32 s1, s5;
	v0 =	vsel vm9, $0x800, v0;
	v1 =	vsel vm9, $0x1800, v1  }
0xc: {  	vm12 =	vcmask $0x2F2C;
	p0 =	sne.s32 s3, $0x1F;
	s18 =	smax.u32 s0, $0x1;
	s26 =	sadd.s32 $0x1E8500, s5;
	v0 =	vsel vm10, $0x880, v0;
	v1 =	vsel vm10, $0x1880, v1  }
0xd: {  	s0 =	simm.s32 $0x1;
	s29 =	sadd.s32 $0x2DC780, s5;
	s30 =	sadd.s32 $0x1E8580, s5;
	v0 =	vsel vm11, $0x900, v0;
	v1 =	vsel vm11, $0x1900, v1  }
0xe: {  	vm13 =	vcmask $0x3330;
	s31 =	sadd.s32 $0x80, s5;
	s13 =	sadd.s32 $0xF4280, s5;
	[dreg:$0x5] =	wrdreg s26;
	v0 =	vsel vm12, $0x980, v0;
	v1 =	vsel vm12, $0x1980, v1  }
0xf: {  	vm14 =	vcmask $0x3734;
	s14 =	sadd.s32 $0x2DC800, s5;
	s15 =	sadd.s32 $0x100, s5;
	[dreg:$0x6] =	wrdreg s29;
	v0 =	vsel vm13, $0xA00, v0;
	v1 =	vsel vm13, $0x1A00, v1  }
0x10: {  	vm15 =	vcmask $0x3B38;
	s16 =	sadd.s32 $0xF4300, s5;
	s17 =	sadd.s32 $0x1E8600, s5;
	[dreg:$0x7] =	wrdreg s30;
	v0 =	vsel vm14, $0xA80, v0;
	v1 =	vsel vm14, $0x1A80, v1  }
0x11: {  	s19 =	sadd.s32 $0xF4380, s5;
	s20 =	sadd.s32 $0x2DC880, s5;
	[dreg:$0x8] =	wrdreg s31;
	v0 =	vsel vm15, $0xB00, v0;
	v1 =	vsel vm15, $0x1B00, v1  }
.LBB2_1:
0x12: {  	[tilespmem:s4], [sflag:$0x1] =	stream.linear.gather [hbm4b:s5+s4], $0x400, $0x38;
	[tilespmem:$0xC800] =	vst v63  }
0x13: {  	s3 =	simm.s32 $0x800  }
0x14: {  	[tilespmem:s3], [sflag:$0x1] =	stream.linear.gather [hbm4b:s13+s4], $0x400, $0x38;
	[tilespmem:$0xC800] =	vst v63  }
0x15: {  	s7 =	rddreg [dreg:$0x5];
	s6 =	simm.s32 $0x1000  }
0x16: {  	[tilespmem:s6], [sflag:$0x1] =	stream.linear.gather [hbm4b:s7+s4], $0x400, $0x38;
	[tilespmem:$0xC800] =	vst v63  }
0x17: {  	s9 =	rddreg [dreg:$0x6];
	s11 =	simm.s32 $0x1800  }
0x18: {  	[tilespmem:s11], [sflag:$0x1] =	stream.linear.gather [hbm4b:s9+s4], $0x400, $0x38;
	[tilespmem:$0xC800] =	vst v63  }
0x19: {  	s12 =	rddreg [dreg:$0x8];
	s22 =	simm.s32 $0x2000  }
0x1a: {  	[tilespmem:s22], [sflag:$0x1] =	stream.linear.gather [hbm4b:s12+s4], $0x400, $0x38;
	[tilespmem:$0xC800] =	vst v63  }
0x1b: {  	s23 =	simm.s32 $0x2800  }
0x1c: {  	[tilespmem:s23], [sflag:$0x1] =	stream.linear.gather [hbm4b:s16+s4], $0x400, $0x38;
	[tilespmem:$0xC800] =	vst v63  }
0x1d: {  	s24 =	rddreg [dreg:$0x7];
	s25 =	simm.s32 $0x3000  }
0x1e: {  	[tilespmem:s25], [sflag:$0x1] =	stream.linear.gather [hbm4b:s24+s4], $0x400, $0x38;
	[tilespmem:$0xC800] =	vst v63  }
0x1f: {  	s26 =	simm.s32 $0x3800  }
0x20: {  	[tilespmem:s26], [sflag:$0x1] =	stream.linear.gather [hbm4b:s14+s4], $0x400, $0x38;
	[tilespmem:$0xC800] =	vst v63  }
0x21: {  	s28 =	simm.s32 $0x4000  }
0x22: {  	[tilespmem:s28], [sflag:$0x1] =	stream.linear.gather [hbm4b:s15+s4], $0x400, $0x38;
	[tilespmem:$0xC800] =	vst v63  }
0x23: {  	s29 =	simm.s32 $0x4800  }
0x24: {  	[tilespmem:s29], [sflag:$0x1] =	stream.linear.gather [hbm4b:s19+s4], $0x400, $0x38;
	[tilespmem:$0xC800] =	vst v63  }
0x25: {  	s30 =	simm.s32 $0x5000  }
0x26: {  	[tilespmem:s30], [sflag:$0x1] =	stream.linear.gather [hbm4b:s17+s4], $0x400, $0x38;
	[tilespmem:$0xC800] =	vst v63  }
0x27: {  	s31 =	simm.s32 $0x5800;
	s3 =	rddreg [dreg:$0x1]  }
0x28: {  	[tilespmem:s31], [sflag:$0x1] =	stream.linear.gather [hbm4b:s20+s4], $0x400, $0x38;
	[tilespmem:$0xC800] =	vst v63  }
0x29: {  	s22 =	simm.s32 @!p0 $0x0;
	s23 =	simm.s32 @!p0 $0xC000;
	s24 =	simm.s32 @!p0 $0x3  }
0x2a: {  	[tilespmem:s23], [sflag:$0x3] =	stream.linear.gather @!p0 [hbm4b:s3+s22], $0x800, $0x38;
	[tilespmem:$0xC800] =	vst v63  }
0x2b: {  	_ =	swait.ge @!p0 [sflag:s24], $0x800  }
0x2c: {  	[sflag:s24] =	ssyncset.done @!p0 $0x0  }
0x2d: {  	s3 =	rddreg [dreg:$0x4];
	[sflag:s24] =	ssyncadd.s32 @!p0 $0xFFFFF800  }
0x2e: {  	[hbm4b:s3+s22] =	stream.linear.scatter @!p0 [tilespmem:s23], [sflag:$0x3], $0x800, $0x38;
	[tilespmem:$0xC800] =	vst v63  }
0x2f: {  	_ =	swait.ge @!p0 [sflag:s24], $0x800  }
0x30: {  	[sflag:s24] =	ssyncset.done @!p0 $0x0  }
0x31: {  	s22 =	simm.s32 $0x0;
	s23 =	simm.s32 $0x0;
	[sflag:s24] =	ssyncadd.s32 @!p0 $0xFFFFF800  }
.LBB2_2:
0x32: {  	p2 =	slt.u32 s23, $0x3  }
0x33: {  	p1 =	sgt.u32 s23, $0xF1;
	s24 =	simm.s32 @!p2 $0x2  }
0x34: {  	s25 =	sadd.s32 @!p1 $0x3, s23;
	_ =	swait.ge @!p2 [sflag:s24], $0x1000  }
0x35: {  	s26 =	sadd.s32 @!p1 s10, s25;
	[sflag:s24] =	ssyncset.done @!p2 $0x0  }
0x36: {  	[sflag:s24] =	ssyncadd.s32 @!p2 $0xFFFFF000;
	p2 =	slt.s32 @!p1 s26, $0x1E83  }
0x37: {  	p2 =	por !p2, p1  }
0x38: {  	s24 =	sshll.u32 @!p1 s25, $0xD;
	_ =	swait.ge [sflag:s0], $0x1000;
	s26 =	simm.s32 @p2 $0x1E83  }
0x39: {  	s24 =	sand.u32 @!p1 $0x6000, s24;
	[sflag:s0] =	ssyncset.done $0x0;
	s25 =	sshll.u32 @!p1 s26, $0x7  }
0x3a: {  	[sflag:s0] =	ssyncadd.s32 $0xFFFFF000;
	s26 =	simm.s32 @!p1 $0x0;
	s25 =	sadd.s32 @!p1 s1, s25  }
0x3b: {  	[tilespmem:s24], [sflag:$0x1] =	stream.linear.gather @!p1 [hbm4b:s25+s26], $0x400, $0x38;
	[tilespmem:$0xC800] =	vst v63  }
0x3c: {  	s3 =	simm.s32 $0x0;
	s29 =	sor.u32 @!p1 $0x800, s24;
	s28 =	sadd.s32 @!p1 $0xF4280, s25  }
0x3d: {  	[tilespmem:s29], [sflag:$0x1] =	stream.linear.gather @!p1 [hbm4b:s28+s26], $0x400, $0x38;
	[tilespmem:$0xC800] =	vst v63  }
0x3e: {  	s9 =	simm.s32 $0x1;
	s28 =	sadd.s32 @!p1 $0x1E8500, s25;
	s29 =	sor.u32 @!p1 $0x1000, s24  }
0x3f: {  	[tilespmem:s29], [sflag:$0x1] =	stream.linear.gather @!p1 [hbm4b:s28+s26], $0x400, $0x38;
	[tilespmem:$0xC800] =	vst v63  }
0x40: {  	s30 =	simm.s32 $0x3;
	v2 =	vor.u32 s3, v0;
	s25 =	sadd.s32 @!p1 $0x2DC780, s25;
	s24 =	sor.u32 @!p1 $0x1800, s24  }
0x41: {  	v4 =	vor.u32 s9, v0;
	[tilespmem:s24], [sflag:$0x1] =	stream.linear.gather @!p1 [hbm4b:s25+s26], $0x400, $0x38;
	[tilespmem:$0xC800] =	vst v63  }
0x42: {  	v6 =	vor.u32 s30, v0;
	s26 =	simm.s32 $0x7  }
0x43: {  	s11 =	sshll.u32 s23, $0xD;
	s31 =	simm.s32 $0x4;
	v3 =	vor.u32 s26, v0  }
0x44: {  	v7 =	vor.u32 s31, v0;
	s28 =	simm.s32 $0x2;
	s24 =	sand.u32 $0x6000, s11  }
0x45: {  	s6 =	simm.s32 $0x5;
	v5 =	vor.u32 s28, v0;
	v2 =	vld.idx.msk [tilespmem:v2+s24+$0x0], $0xffff  }
0x46: {  	s7 =	simm.s32 $0x6;
	v8 =	vor.u32 s6, v0;
	v4 =	vld.idx.msk [tilespmem:v4+s24+$0x0], $0xffff  }
0x47: {  	v10 =	vor.u32 s7, v0;
	v6 =	vld.idx.msk [tilespmem:v6+s24+$0x0], $0xffff  }
0x48: {  	v13 =	vor.u32 s9, v1;
	v3 =	vld.idx.msk [tilespmem:v3+s24+$0x0], $0xffff  }
0x49: {  	s12 =	sshll.u32 s22, $0x7;
	v11 =	vor.u32 s26, v1;
	v15 =	vld.idx.msk [tilespmem:v7+s24+$0x0], $0xffff  }
0x4a: {  	v16 =	vor.u32 s30, v1;
	s25 =	sand.u32 $0x180, s12;
	v5 =	vld.idx.msk [tilespmem:v5+s24+$0x0], $0xffff  }
0x4b: {  	v14 =	vor.u32 s28, v1;
	s29 =	sor.u32 $0x8200, s25;
	v9 =	vld.idx.msk [tilespmem:v8+s24+$0x0], $0xffff  }
0x4c: {  	v12 =	vor.u32 s31, v1;
	v8 =	vld.idx.msk [tilespmem:v10+s24+$0x0], $0xffff;
	[tilespmem:s29+$0xFFFFFE20] =	vst v4  }
0x4d: {  	v4 =	vld.idx.msk [tilespmem:v13+s24+$0x0], $0xffff;
	v13 =	vor.u32 s6, v1;
	[tilespmem:s29+$0x60] =	vst v3  }
0x4e: {  	s28 =	simm.s32 $0x8;
	s26 =	sadd.s32 s10, s23;
	[tilespmem:s29+$0xFFFFFE60] =	vst v6;
	v7 =	vld.idx.msk [tilespmem:v11+s24+$0x0], $0xffff;
	v11 =	vor.u32 s7, v1  }
0x4f: {  	s31 =	simm.s32 $0xF;
	p1 =	slt.s32 s26, $0x1E83;
	v6 =	vld.idx.msk [tilespmem:v16+s24+$0x0], $0xffff;
	[tilespmem:s29+$0xFFFFFE40] =	vst v5;
	v3 =	vor.u32 s28, v0  }
0x50: {  	s30 =	simm.s32 $0x10;
	s25 =	sor.u32 $0x8000, s25;
	v10 =	vor.u32 s3, v1;
	s26 =	simm.s32 @!p1 $0x1E83;
	[tilespmem:s29+$0x0] =	vst v15;
	v5 =	vld.idx.msk [tilespmem:v14+s24+$0x0], $0xffff  }
.LBB2_3:
0x51: {  	p1 =	slt.u32 s30, $0x78;
	s3 =	sadd.s32 $0x1, s28;
	v14 =	vor.u32 s31, v0;
	v12 =	vld.idx.msk [tilespmem:v12+s24+$0x0], $0xffff;
	[tilespmem:s29+$0x20] =	vst v9  }
0x52: {  	s6 =	sadd.s32 $0x2, s28;
	v9 =	vor.u32 s3, v0;
	v13 =	vld.idx.msk [tilespmem:v13+s24+$0x0], $0xffff;
	[tilespmem:s29+$0x40] =	vst v8  }
0x53: {  	s7 =	sadd.s32 $0x3, s28;
	v8 =	vor.u32 s6, v0;
	v11 =	vld.idx.msk [tilespmem:v11+s24+$0x0], $0xffff;
	[tilespmem:s29+$0x70] =	vst v7  }
0x54: {  	s9 =	sadd.s32 $0x4, s28;
	v7 =	vor.u32 s7, v0;
	[tilespmem:s29+$0xFFFFFE00] =	vst v2;
	v2 =	vld.idx.msk [tilespmem:v3+s24+$0x0], $0xffff  }
0x55: {  	s11 =	sadd.s32 $0x5, s28;
	v3 =	vor.u32 s9, v0;
	v10 =	vld.idx.msk [tilespmem:v10+s24+$0x0], $0xffff;
	[tilespmem:s29+$0xFFFFFE30] =	vst v4  }
0x56: {  	s12 =	sadd.s32 $0x6, s28;
	v4 =	vor.u32 s11, v0;
	v14 =	vld.idx.msk [tilespmem:v14+s24+$0x0], $0xffff;
	[tilespmem:s29+$0xFFFFFE50] =	vst v5  }
0x57: {  	v15 =	vor.u32 s12, v0;
	v5 =	vld.idx.msk [tilespmem:v9+s24+$0x0], $0xffff;
	[tilespmem:s29+$0xFFFFFE70] =	vst v6  }
0x58: {  	v16 =	vor.u32 s31, v1;
	v6 =	vld.idx.msk [tilespmem:v8+s24+$0x0], $0xffff;
	[tilespmem:s29+$0x10] =	vst v12  }
0x59: {  	v17 =	vor.u32 s3, v1;
	v18 =	vld.idx.msk [tilespmem:v7+s24+$0x0], $0xffff;
	[tilespmem:s29+$0x30] =	vst v13  }
0x5a: {  	v19 =	vor.u32 s6, v1;
	v20 =	vld.idx.msk [tilespmem:v3+s24+$0x0], $0xffff;
	[tilespmem:s29+$0x50] =	vst v11  }
0x5b: {  	v21 =	vor.u32 s7, v1;
	v9 =	vld.idx.msk [tilespmem:v4+s24+$0x0], $0xffff;
	[tilespmem:s29+$0xFFFFFE10] =	vst v10;
	s29 =	sadd.s32 $0x400, s29  }
.Ltmp0:
0x5c: {  	v12 =	vor.u32 s9, v1;
	v8 =	vld.idx.msk [tilespmem:v15+s24+$0x0], $0xffff;
	[tilespmem:s29+$0x60] =	vst v14;
	(pc) =	sbr.rel @p1 .LBB2_3-.Ltmp0, $4  }
0x5d: {  	v13 =	vor.u32 s11, v1;
	[tilespmem:s29+$0xFFFFFE20] =	vst v5;
	v7 =	vld.idx.msk [tilespmem:v16+s24+$0x0], $0xffff  }
0x5e: {  	v11 =	vor.u32 s12, v1;
	v4 =	vld.idx.msk [tilespmem:v17+s24+$0x0], $0xffff;
	[tilespmem:s29+$0xFFFFFE40] =	vst v6  }
0x5f: {  	v3 =	vor.u32 s30, v0;
	v5 =	vld.idx.msk [tilespmem:v19+s24+$0x0], $0xffff;
	[tilespmem:s29+$0xFFFFFE60] =	vst v18  }
0x60: {  	s31 =	sadd.s32 $0x7, s30;
	v10 =	vor.u32 s28, v1;
	s28 =	smov.u32 s30;
	s30 =	sadd.s32 $0x8, s30;
	v6 =	vld.idx.msk [tilespmem:v21+s24+$0x0], $0xffff;
	[tilespmem:s29+$0x0] =	vst v20  }
0x61: {  	_ =	sdelay $0x1  }
0x62: {  	[tilespmem:s29+$0x20] =	vst v9  }
0x63: {  	[tilespmem:s29+$0x40] =	vst v8  }
0x64: {  	s3 =	sadd.s32 $0x1, s28;
	v41 =	vor.u32 s31, v0;
	v42 =	vld.idx.msk [tilespmem:v12+s24+$0x0], $0xffff;
	[tilespmem:s29+$0xFFFFFE00] =	vst v2  }
0x65: {  	s6 =	sadd.s32 $0x2, s28;
	v3 =	vld.idx.msk [tilespmem:v3+s24+$0x0], $0xffff;
	v43 =	vor.u32 s3, v0;
	[tilespmem:s29+$0x70] =	vst v7  }
0x66: {  	s7 =	sadd.s32 $0x3, s28;
	v44 =	vld.idx.msk [tilespmem:v13+s24+$0x0], $0xffff;
	v45 =	vor.u32 s6, v0;
	[tilespmem:s29+$0xFFFFFE30] =	vst v4  }
0x67: {  	s9 =	sadd.s32 $0x4, s28;
	v2 =	vld.idx.msk [tilespmem:v11+s24+$0x0], $0xffff;
	v46 =	vor.u32 s7, v0;
	[tilespmem:s29+$0xFFFFFE50] =	vst v5  }
0x68: {  	s11 =	sadd.s32 $0x5, s28;
	v47 =	vor.u32 s9, v0;
	v10 =	vld.idx.msk [tilespmem:v10+s24+$0x0], $0xffff;
	[tilespmem:s29+$0xFFFFFE70] =	vst v6  }
0x69: {  	s12 =	sadd.s32 $0x6, s28;
	s30 =	sadd.s32 $0x400, s29;
	v48 =	vor.u32 s11, v0;
	v9 =	vld.idx.msk [tilespmem:v41+s24+$0x0], $0xffff;
	[tilespmem:s29+$0x10] =	vst v42  }
0x6a: {  	v50 =	vor.u32 s12, v0;
	[tilespmem:s30+$0xFFFFFE00] =	vst v3;
	v49 =	vld.idx.msk [tilespmem:v43+s24+$0x0], $0xffff  }
0x6b: {  	v52 =	vor.u32 s31, v1;
	v51 =	vld.idx.msk [tilespmem:v45+s24+$0x0], $0xffff;
	[tilespmem:s29+$0x30] =	vst v44  }
0x6c: {  	v53 =	vld.idx.msk [tilespmem:v46+s24+$0x0], $0xffff;
	[tilespmem:s29+$0x50] =	vst v2;
	v2 =	vor.u32 s3, v1  }
0x6d: {  	v54 =	vor.u32 s6, v1;
	v4 =	vld.idx.msk [tilespmem:v47+s24+$0x0], $0xffff;
	[tilespmem:s29+$0xFFFFFE10] =	vst v10  }
0x6e: {  	v55 =	vor.u32 s7, v1;
	v5 =	vld.idx.msk [tilespmem:v48+s24+$0x0], $0xffff;
	[tilespmem:s30+$0x60] =	vst v9  }
0x6f: {  	v57 =	vor.u32 s9, v1;
	v56 =	vld.idx.msk [tilespmem:v50+s24+$0x0], $0xffff;
	[tilespmem:s30+$0xFFFFFE20] =	vst v49  }
0x70: {  	v59 =	vor.u32 s11, v1;
	v58 =	vld.idx.msk [tilespmem:v52+s24+$0x0], $0xffff;
	[tilespmem:s30+$0xFFFFFE40] =	vst v51  }
0x71: {  	v60 =	vor.u32 s12, v1;
	[tilespmem:s30+$0xFFFFFE60] =	vst v53;
	v2 =	vld.idx.msk [tilespmem:v2+s24+$0x0], $0xffff  }
0x72: {  	v62 =	vor.u32 s28, v1;
	[tilespmem:s30+$0x0] =	vst v4;
	v61 =	vld.idx.msk [tilespmem:v54+s24+$0x0], $0xffff  }
0x73: {  	[tilespmem:s30+$0x20] =	vst v5;
	v63 =	vld.idx.msk [tilespmem:v55+s24+$0x0], $0xffff  }
0x74: {  	[tilespmem:s30+$0x40] =	vst v56;
	v6 =	vld.idx.msk [tilespmem:v57+s24+$0x0], $0xffff  }
0x75: {  	v8 =	vld.idx.msk [tilespmem:v59+s24+$0x0], $0xffff;
	[tilespmem:s30+$0x70] =	vst v58  }
0x76: {  	v3 =	vld.idx.msk [tilespmem:v60+s24+$0x0], $0xffff;
	[tilespmem:s30+$0xFFFFFE30] =	vst v2  }
0x77: {  	v2 =	vld.idx.msk [tilespmem:v62+s24+$0x0], $0xffff;
	[tilespmem:s30+$0xFFFFFE50] =	vst v61  }
0x78: {  	[tilespmem:s30+$0xFFFFFE70] =	vst v63  }
0x79: {  	[tilespmem:s30+$0x10] =	vst v6  }
0x7a: {  	s31 =	sshll.u32 s26, $0x9;
	[tilespmem:s30+$0x30] =	vst v8  }
0x7b: {  	[tilespmem:s30+$0x50] =	vst v3;
	s24 =	sadd.s32 s8, s31  }
0x7c: {  	s26 =	simm.s32 $0x10;
	s28 =	sadd.s32 $0x200, s25;
	s29 =	sadd.s32 $0x0, s24;
	[tilespmem:s30+$0xFFFFFE10] =	vst v2  }
.LBB2_5:
0x7d: {  	[hbm4b:s29+s4] =	stream.linear.scatter [tilespmem:s25], [sflag:$0x2], $0x80, $0x38;
	[tilespmem:$0xC800] =	vst v63  }
0x7e: {  	s3 =	smov.u32 s26;
	s25 =	smov.u32 s28;
	p1 =	sne.s32 s26, $0x1F0  }
.Ltmp1:
0x7f: {  	s26 =	sadd.s32 $0x10, s26;
	(pc) =	sbr.rel @p1 .LBB2_5-.Ltmp1, $2  }
0x80: {  	_ =	sdelay $0x2  }
0x81: {  	s28 =	sadd.s32 $0x200, s28;
	s29 =	sadd.s32 s3, s24  }
0x82: {  	s23 =	sadd.s32 $0x1, s23  }
0x83: {  	p1 =	sne.s32 s23, $0xF5  }
.Ltmp2:
0x84: {  	_ = 	snop;
	(pc) =	sbr.rel @p1 .LBB2_2-.Ltmp2, $3  }
0x85: {  	_ =	sdelay $0x1  }
0x86: {  	[hbm4b:s29+s4] =	stream.linear.scatter [tilespmem:s25], [sflag:$0x2], $0x80, $0x38;
	[tilespmem:$0xC800] =	vst v63  }
0x87: {  	s22 =	sadd.s32 $0x1, s22  }
0x88: {  	_ =	swait.ge [sflag:s2], $0x1000  }
0x89: {  	[sflag:s2] =	ssyncset.done $0x0  }
0x8a: {  	s21 =	sadd.s32 $0x1, s21;
	[sflag:s2] =	ssyncadd.s32 $0xFFFFF000  }
0x8b: {  	p1 =	sne.s32 s21, s18;
	_ =	swait.ge [sflag:s2], $0x1000  }
.Ltmp3:
0x8c: {  	[sflag:s2] =	ssyncset.done $0x0;
	(pc) =	sbr.rel @p1 .LBB2_1-.Ltmp3, $4  }
0x8d: {  	[sflag:s2] =	ssyncadd.s32 $0xFFFFF000  }
0x8e: {  	_ =	swait.ge [sflag:s2], $0x1000  }
0x8f: {  	[sflag:s2] =	ssyncset.done $0x0  }
0x90: {  	[sflag:s2] =	ssyncadd.s32 $0xFFFFF000  }
0x91: {  	_ =	sfence.sel $0x180000  }
0x92: {  	[bflag:$0x0] =	sbarrier.arrive $0xFFFF  }
0x93: {  	_ =	strace $0x90000047  }
0x94: {  	s0 =	stileid.u32;
	[bflag:$0x2] =	sbarrier.arrive $0xFFFF  }
0x95: {  	p0 =	sne.s32 s0, $0x0;
	s0 =	rddreg [dreg:$0x3]  }
0x96: {  	s0 =	sadd.s32 @!p0 $0x100000, s0  }
0x97: {  	[sflag:s0] =	ssyncadd.tile.s32 @!p0 $0x1;
	_ =	shalt  }
.Lfunc_end2:
_tile_overlayer_lowered:
.L_overlay_start_2:
0x98: {  	(tag) =	ssettag $0x2  }
0x99: {  	s0 =	rddreg [dreg:$0x0];
	s2 =	stileid.u32  }
0x9a: {  	s1 =	rddreg [dreg:$0x1];
	p0 =	sne.s32 s2, $0x0  }
0x9b: {  	s3 =	rddreg [dreg:$0x2];
	[bflag:$0x3] =	sbarrier.arrive $0xFFFF;
	s2 =	simm.s32 @!p0 $0x1C04  }
0x9c: {  	[timem:s3], [sflag:s2] =	dma.local @!p0 [hbm:s0], s1  }
0x9d: {  	s0 =	simm.s32 @!p0 $0x4  }
0x9e: {  	_ =	swait.ge @!p0 [sflag:s0], s1  }
0x9f: {  	s1 =	ssub.s32 @!p0 $0x0, s1;
	[sflag:s0] =	ssyncset.done @!p0 $0x0  }
0xa0: {  	[sflag:s0] =	ssyncadd.s32 @!p0 s1  }
0xa1: {  	[bflag:$0x3] =	sbarrier.arrive $0xFFFF  }
0xa2: {  	_ =	shalt  }

// kernel: kernel.7.cloned.1.call-start
scs
__scs_entry_jumppad:
0x0: {  	(pc) =	sbr.rel $0x88, $3  }
0x1: {  	(tag) =	ssettag $0x0;
	lr =	simm.s32 $0x1  }
0x2: {  	[smem:$0x3F9F] =	sst lr;
	_ =	strace $0xD0000000  }
0x3: {  	_ = 	snop  }
0x4: {  	_ = 	snop  }
0x5: {  	_ = 	snop  }
0x6: {  	_ = 	snop  }
0x7: {  	_ = 	snop  }
__scs_overlays_trampoline_lowered:
0x8: {  	[smem:$0x3FAE] =	sst s0  }
0x9: {  	[smem:$0x3FAF] =	sst s1  }
0xa: {  	[smem:$0x3FB0] =	sst s2  }
0xb: {  	[smem:$0x3FB1] =	sst s3  }
0xc: {  	[smem:$0x3FB2] =	sst s4  }
0xd: {  	[smem:$0x3FB3] =	sst s5  }
0xe: {  	[smem:$0x3FB4] =	sst s6  }
0xf: {  	[smem:$0x3FB5] =	sst s7  }
0x10: {  	[smem:$0x3FB6] =	sst s8  }
0x11: {  	[smem:$0x3FB7] =	sst s9;
	s0 =	simm.s32 @!p0 $0x0  }
0x12: {  	s1 =	sld [smem:$0x3F9D];
	s0 =	simm.s32 @p0 $0x1  }
0x13: {  	[smem:$0x3FB8] =	sst s0;
	s0 =	simm.s32 @!p1 $0x0  }
0x14: {  	s2 =	sld [smem:$0x3F9C];
	s0 =	simm.s32 @p1 $0x1  }
0x15: {  	[smem:$0x3FB9] =	sst s0;
	s0 =	simm.s32 @!p2 $0x0  }
0x16: {  	s3 =	sld [smem:$0x3FDB];
	s0 =	simm.s32 @p2 $0x1  }
0x17: {  	s4 =	simm.s32 $0x1BF5;
	[smem:$0x3FBB] =	sst s0  }
0x18: {  	s0 =	sld [smem:$0x3F9E];
	_ =	swait.ge [sflag:s4], $0x0  }
0x19: {  	s7 =	sld [smem:$0x3F9F]  }
0x1a: {  	s8 =	sadd.s32 $0xFFFFE003, lr  }
0x1b: {  	s9 =	sadd.s32 $0xFFFFFEF7, lr;
	s5 =	simm.s32 $0xFFFFFFFF;
	p2 =	slt.u32 s8, $0xFFFFF086  }
0x1c: {  	p1 =	slt.u32 s9, $0xF7A;
	s5 =	simm.s32 @!p2 $0x0  }
0x1d: {  	s5 =	simm.s32 @p1 $0x1;
	p0 =	seq.s32 s7, s2  }
0x1e: {  	s7 =	smul.u32 @!p0 $0xF7A, s2;
	p2 =	seq.s32 @!p0 s5, $0x0  }
0x1f: {  	s9 =	smul.u32 $0xF7A, s1;
	s8 =	simm.s32 @!p0 $0x1BF5;
	p2 =	por !p2, p0  }
0x20: {  	[sflag:s8] =	ssyncset.s32 @!p0 $0xFFFFF086;
	s6 =	sadd.s32 @!p0 s3, s7;
	s7 =	simm.s32 @!p0 $0x108  }
0x21: {  	s3 =	sadd.s32 s3, s9;
	s6 =	sadd.s32 @!p0 $0x88, s6;
	s7 =	simm.s32 @p2 $0x1082  }
0x22: {  	[simem:s7], [sflag:s8] =	dma.local @!p0 [hbm:s6], $0xF7A  }
0x23: {  	s9 =	sor.u32 $0xD0000000, s2;
	s6 =	simm.s32 $0x108;
	_ =	swait.ge @!p0 [sflag:s8], $0x0  }
0x24: {  	s3 =	sadd.s32 $0x88, s3;
	s6 =	simm.s32 @!p1 $0x1082;
	[sflag:s4] =	ssyncset.s32 $0xFFFFF086  }
0x25: {  	[simem:s6], [sflag:s4] =	dma.local [hbm:s3], $0xF7A  }
0x26: {  	[smem:$0x3F9F] =	sst s1;
	(tag) =	ssettag s2;
	_ =	strace s9  }
0x27: {  	s1 =	sld [smem:$0x3FAF]  }
0x28: {  	s2 =	sld [smem:$0x3FB0]  }
0x29: {  	s4 =	sld [smem:$0x3FB2]  }
0x2a: {  	p0 =	seq.s32 s5, $0x0;
	s5 =	sld [smem:$0x3FB3]  }
0x2b: {  	s6 =	sld [smem:$0x3FB4]  }
0x2c: {  	s7 =	sld [smem:$0x3FB5]  }
0x2d: {  	s3 =	simm.s32 $0x108;
	s8 =	sld [smem:$0x3FB6]  }
0x2e: {  	s3 =	simm.s32 @!p0 $0x1082;
	s9 =	sld [smem:$0x3FB7]  }
0x2f: {  	lr =	sadd.s32 s0, s3;
	s0 =	sld [smem:$0x3FAE]  }
0x30: {  	s3 =	sld [smem:$0x3FB1]  }
0x31: {  	[smem:$0x3FBA] =	sst s10  }
0x32: {  	s10 =	sld [smem:$0x3FB8];
	_ =	sdelay $0x3  }
0x33: {  	p0 =	seq.s32 s10, $0x1;
	s10 =	sld [smem:$0x3FBA];
	_ =	sdelay $0x3  }
0x34: {  	[smem:$0x3FBA] =	sst s10  }
0x35: {  	s10 =	sld [smem:$0x3FB9];
	_ =	sdelay $0x3  }
0x36: {  	p1 =	seq.s32 s10, $0x1;
	s10 =	sld [smem:$0x3FBA];
	_ =	sdelay $0x3  }
0x37: {  	[smem:$0x3FBA] =	sst s10  }
0x38: {  	s10 =	sld [smem:$0x3FBB]  }
0x39: {  	_ = 	snop;
	(pc) =	sbr.ind lr, $3  }
0x3a: {  	_ = 	snop  }
0x3b: {  	_ = 	snop  }
0x3c: {  	p2 =	seq.s32 s10, $0x1;
	s10 =	sld [smem:$0x3FBA]  }
0x3d: {  	_ =	shalt  }
0x3e: {  	_ =	shalt  }
0x3f: {  	_ =	shalt  }
0x40: {  	_ =	shalt  }
0x41: {  	_ =	shalt  }
0x42: {  	_ =	shalt  }
0x43: {  	_ =	shalt  }
0x44: {  	_ =	shalt  }
0x45: {  	_ =	shalt  }
0x46: {  	_ =	shalt  }
0x47: {  	_ =	shalt  }
0x48: {  	_ =	shalt  }
0x49: {  	_ =	shalt  }
0x4a: {  	_ =	shalt  }
0x4b: {  	_ =	shalt  }
0x4c: {  	_ =	shalt  }
0x4d: {  	_ =	shalt  }
0x4e: {  	_ =	shalt  }
0x4f: {  	_ =	shalt  }
0x50: {  	_ =	shalt  }
0x51: {  	_ =	shalt  }
0x52: {  	_ =	shalt  }
0x53: {  	_ =	shalt  }
0x54: {  	_ =	shalt  }
0x55: {  	_ =	shalt  }
0x56: {  	_ =	shalt  }
0x57: {  	_ =	shalt  }
0x58: {  	_ =	shalt  }
0x59: {  	_ =	shalt  }
0x5a: {  	_ =	shalt  }
0x5b: {  	_ =	shalt  }
0x5c: {  	_ =	shalt  }
0x5d: {  	_ =	shalt  }
0x5e: {  	_ =	shalt  }
0x5f: {  	_ =	shalt  }
0x60: {  	_ =	shalt  }
0x61: {  	_ =	shalt  }
0x62: {  	_ =	shalt  }
0x63: {  	_ =	shalt  }
0x64: {  	_ =	shalt  }
0x65: {  	_ =	shalt  }
0x66: {  	_ =	shalt  }
0x67: {  	_ =	shalt  }
0x68: {  	_ =	shalt  }
0x69: {  	_ =	shalt  }
0x6a: {  	_ =	shalt  }
0x6b: {  	_ =	shalt  }
0x6c: {  	_ =	shalt  }
0x6d: {  	_ =	shalt  }
0x6e: {  	_ =	shalt  }
0x6f: {  	_ =	shalt  }
0x70: {  	_ =	shalt  }
0x71: {  	_ =	shalt  }
0x72: {  	_ =	shalt  }
0x73: {  	_ =	shalt  }
0x74: {  	_ =	shalt  }
0x75: {  	_ =	shalt  }
0x76: {  	_ =	shalt  }
0x77: {  	_ =	shalt  }
0x78: {  	_ =	shalt  }
0x79: {  	_ =	shalt  }
0x7a: {  	_ =	shalt  }
0x7b: {  	_ =	shalt  }
0x7c: {  	_ =	shalt  }
0x7d: {  	_ =	shalt  }
0x7e: {  	_ =	shalt  }
0x7f: {  	_ =	shalt  }
0x80: {  	_ =	shalt  }
0x81: {  	_ =	shalt  }
0x82: {  	_ =	shalt  }
0x83: {  	_ =	shalt  }
0x84: {  	_ =	shalt  }
0x85: {  	_ =	shalt  }
0x86: {  	_ =	shalt  }
0x87: {  	_ =	shalt  }
.Lfunc_end0:
.L_simem_size_0:
called_computation.1_lowered:
.L_overlay_start_0:
0x88: {  	s2 =	sld [smem:$0x3FD9]  }
0x89: {  	s3 =	sld [smem:$0x3FFE];
	_ =	sdelay $0x1  }
0x8a: {  	s1 =	srdreg.scid  }
0x8b: {  	s0 =	sand.u32 $0x1, s1  }
0x8c: {  	s17 =	sshll.u32 s0, $0xA;
	s2 =	sadd.s32 s3, s2  }
0x8d: {  	s2 =	sadd.s32 s2, s17  }
0x8e: {  	[smem:$0x3FC6] =	sst s2  }
0x8f: {  	_ = 	snop  }
0x90: {  	s2 =	sld [smem:$0x3FD0];
	(tm) =	ssettm $0x1  }
0x91: {  	s18 =	sld [smem:$0x3FFB];
	_ =	sdelay $0x3  }
0x92: {  	_ =	strace s18  }
0x93: {  	s3 =	sld [smem:$0x3FFC];
	_ =	sdelay $0x3  }
0x94: {  	_ =	strace s3  }
0x95: {  	s3 =	sld [smem:$0x3FFD];
	_ =	sdelay $0x3  }
0x96: {  	_ =	strace s3  }
0x97: {  	_ =	strace $0x8FFFFFFF  }
0x98: {  	s19 =	sld [smem:$0x3FDB];
	_ =	sdelay $0x1  }
0x99: {  	s4 =	simm.s32 $_scs_section_size  }
0x9a: {  	s5 =	simm.s32 $_size__tile_overlayer_lowered;
	s6 =	simm.s32 $_tile_overlayer_lowered  }
0x9b: {  	s22 =	simm.s32 $0x1BFF;
	s21 =	sshll.u32 s6, $0x1;
	s3 =	sadd.s32 s4, s19  }
0x9c: {  	s7 =	simm.s32 $0x0;
	s20 =	sshll.u32 s5, $0x1;
	s5 =	sadd.s32 s21, s3  }
0x9d: {  	[timem:s7], [sflag:s22] =	dma.local [hbm:s5], s20  }
0x9e: {  	_ =	swait.ge [sflag:s22], s20  }
0x9f: {  	s4 =	ssub.s32 $0x0, s20;
	[sflag:s22] =	ssyncset.done $0x0  }
0xa0: {  	[sflag:s22] =	ssyncadd.s32 s4;
	_ =	sdelay $0x1  }
0xa1: {  	s23 =	simm.s32 $0x1B8B  }
0xa2: {  	_ =	swait.ge [sflag:s23], $0x1  }
0xa3: {  	[sflag:s23] =	ssyncset.done $0x0  }
0xa4: {  	s25 =	simm.s32 $0x1B8E;
	s24 =	sld [smem:$0x3FFE];
	[sflag:s23] =	ssyncadd.s32 $0xFFFFFFFF  }
0xa5: {  	s26 =	simm.s32 $execute0_lowered;
	[smem:$0x3FD2] =	sst s25  }
0xa6: {  	s5 =	sshll.u32 s26, $0x1;
	_ =	strace $0x80000049;
	[dreg:$0x1] =	wrdreg $0xFFFFFFFF  }
0xa7: {  	s28 =	simm.s32 $_size_execute0_lowered;
	s3 =	sadd.s32 s3, s5;
	[dreg:$0x0] =	wrdreg $0x0  }
0xa8: {  	s5 =	sshll.u32 s28, $0x1;
	[dreg:$0x2] =	wrdreg s3  }
0xa9: {  	[dreg:$0x3] =	wrdreg s5  }
0xaa: {  	[dreg:$0x4] =	wrdreg $0xC0  }
0xab: {  	_ =	task [dreg:s7], $0x5FFFF  }
0xac: {  	[dreg:$0x1] =	wrdreg $0xFFFFFFFF  }
0xad: {  	[dreg:$0x0] =	wrdreg $0x60  }
0xae: {  	[dreg:$0x2] =	wrdreg s24  }
0xaf: {  	[dreg:$0x3] =	wrdreg s2  }
0xb0: {  	[dreg:$0x4] =	wrdreg $0x9  }
0xb1: {  	_ =	task.clear_ibuf [dreg:s7], $0x5FFFF;
	_ =	strace $0x90000049  }
0xb2: {  	s29 =	simm.s32 $0x9;
	_ =	strace $0x8000004B  }
0xb3: {  	_ =	swait.ge [sflag:s29], $0x1  }
0xb4: {  	[sflag:s29] =	ssyncadd.s32 $0xFFFFFFFF  }
0xb5: {  	_ =	strace $0x9000004B  }
0xb6: {  	_ =	sfence  }
0xb7: {  	s30 =	sld [smem:$0x0];
	_ =	sdelay $0x2  }
0xb8: {  	s31 =	sshll.u32 s1, $0xD;
	s1 =	sshrl.u32 s1, $0x2  }
0xb9: {  	s3 =	sand.u32 $0x4000, s31;
	s1 =	sadd.s32 s1, s30  }
0xba: {  	s0 =	sor.u32 s3, s0;
	s1 =	sshll.u32 s1, $0x11  }
0xbb: {  	s0 =	sor.u32 s1, s0  }
0xbc: {  	s0 =	sadd.s32 $0x8F2B, s0  }
0xbd: {  	[sflag:s0] =	ssyncadd.remote.s32 $0x1  }
0xbe: {  	_ =	sfence.sel $0xFFFF  }
0xbf: {  	[dreg:$0x0] =	wrdreg $0xFFFFFFFF;
	(pc) =	sbr.abs _section_cstart, $3  }
0xc0: {  	[dreg:$0x1] =	wrdreg $0xFFFFFFFF  }
0xc1: {  	_ =	task.clear_ibuf [dreg:s7], $0x2FFFF;
	_ =	strace $0x9FFFFFFF  }
0xc2: {  	(tm) =	ssettm $0x7FFFFFFF  }
0xc3: {  	_ =	shalt  }
tec
execute0_lowered:
.L_overlay_start_1:
0x0: {  	(tag) =	ssettag $0x1  }
0x1: {  	s4 =	rddreg [dreg:$0x0]  }
0x2: {  	s1 =	srdreg.scid;
	s0 =	stileid.u32  }
0x3: {  	s2 =	rddreg [dreg:$0x1];
	s3 =	simm.s32 $0x0;
	s14 =	simm.s32 $0x3  }
0x4: {  	v0 =	vlaneseq.u32;
	s15 =	simm.s32 $0x2;
	s5 =	sand.u32 $0x1, s1;
	s1 =	rddreg [dreg:$0x2]  }
0x5: {  	v1 =	vimm.s32 $0x0;
	vm0 =	vcmask $0x300;
	s16 =	simm.s32 $0x0;
	s6 =	sshll.u32 s0, $0x1;
	[smem:$0x7FF] =	sst s3;
	v0 =	vmul.u32 $0x210, v0  }
0x6: {  	v1 =	vsel vm0, $0x3, v1;
	s10 =	sadd.s32 $0x4000, s2;
	s11 =	sadd.s32 $0x8000, s2;
	s12 =	sadd.s32 $0xC000, s2  }
.Ltmp0:
0x7: {  	s6 =	sor.u32 s5, s6;
	s8 =	ssub.s32 $0x2, s5;
	v2 =	vadd.s32 $0x2100, v0;
	v3 =	vor.u32 $0x1, v0;
	v4 =	vadd.s32 $0x2101, v0;
	(pc) =	sbr.rel .LBB2_1-.Ltmp0, $4  }
0x8: {  	_ =	strace $0x8000004A;
	s7 =	sshll.u32 s6, $0x6;
	s9 =	sshrl.u32 s8, $0x1;
	v5 =	vor.u32 $0x2, v0;
	v6 =	vadd.s32 $0x2102, v0;
	v7 =	vor.u32 $0x3, v0  }
0x9: {  	s5 =	sshll.u32 s6, $0xC;
	v8 =	vadd.s32 $0x2103, v0;
	v9 =	vor.u32 $0x4, v0;
	v10 =	vadd.s32 $0x2104, v0;
	s7 =	sadd.s32 s7, s4;
	s4 =	sadd.s32 $0xA00, s4  }
0xa: {  	v11 =	vor.u32 $0x5, v0;
	v12 =	vadd.s32 $0x2105, v0;
	v13 =	vor.u32 $0x6, v0;
	s13 =	ssub.s32 s8, s9;
	s8 =	sor.u32 $0x800, s5;
	s9 =	sor.u32 $0xC00, s5  }
0xb: {  	v14 =	vadd.s32 $0x2106, v0;
	v15 =	vor.u32 $0x7, v0;
	v16 =	vadd.s32 $0x2107, v0;
	s6 =	sadd.s32 $0x3D1400, s7;
	s7 =	sor.u32 $0x400, s5;
	s13 =	smax.u32 s13, $0x1  }
.LBB2_8:
0xc: {  	_ =	swait.ge [sflag:s14], $0x400  }
0xd: {  	[sflag:s14] =	ssyncset.done $0x0  }
0xe: {  	[sflag:s14] =	ssyncadd.s32 $0xFFFFFC00  }
0xf: {  	_ =	swait.ge [sflag:s14], $0x400  }
0x10: {  	[sflag:s14] =	ssyncset.done $0x0  }
0x11: {  	[sflag:s14] =	ssyncadd.s32 $0xFFFFFC00  }
0x12: {  	_ =	swait.ge [sflag:s14], $0x400  }
0x13: {  	[sflag:s14] =	ssyncset.done $0x0  }
0x14: {  	[sflag:s14] =	ssyncadd.s32 $0xFFFFFC00  }
0x15: {  	_ =	swait.ge [sflag:s14], $0x400  }
0x16: {  	[sflag:s14] =	ssyncset.done $0x0  }
0x17: {  	[sflag:s14] =	ssyncadd.s32 $0xFFFFFC00  }
0x18: {  	_ =	swait.ge [sflag:s14], $0x400  }
0x19: {  	[sflag:s14] =	ssyncset.done $0x0  }
0x1a: {  	[sflag:s14] =	ssyncadd.s32 $0xFFFFFC00  }
0x1b: {  	_ =	swait.ge [sflag:s14], $0x400  }
0x1c: {  	[sflag:s14] =	ssyncset.done $0x0  }
0x1d: {  	[sflag:s14] =	ssyncadd.s32 $0xFFFFFC00  }
0x1e: {  	_ =	swait.ge [sflag:s14], $0x400  }
0x1f: {  	[sflag:s14] =	ssyncset.done $0x0  }
0x20: {  	[sflag:s14] =	ssyncadd.s32 $0xFFFFFC00  }
0x21: {  	_ =	swait.ge [sflag:s14], $0x400  }
0x22: {  	[sflag:s14] =	ssyncset.done $0x0  }
0x23: {  	[sflag:s14] =	ssyncadd.s32 $0xFFFFFC00  }
0x24: {  	_ =	swait.ge [sflag:s14], $0x400  }
0x25: {  	[sflag:s14] =	ssyncset.done $0x0  }
0x26: {  	[sflag:s14] =	ssyncadd.s32 $0xFFFFFC00  }
0x27: {  	_ =	swait.ge [sflag:s14], $0x400  }
0x28: {  	[sflag:s14] =	ssyncset.done $0x0  }
0x29: {  	[sflag:s14] =	ssyncadd.s32 $0xFFFFFC00  }
0x2a: {  	_ =	swait.ge [sflag:s14], $0x400  }
0x2b: {  	[sflag:s14] =	ssyncset.done $0x0  }
0x2c: {  	[sflag:s14] =	ssyncadd.s32 $0xFFFFFC00  }
0x2d: {  	_ =	swait.ge [sflag:s14], $0x400  }
0x2e: {  	[sflag:s14] =	ssyncset.done $0x0  }
0x2f: {  	[sflag:s14] =	ssyncadd.s32 $0xFFFFFC00  }
0x30: {  	_ =	swait.ge [sflag:s14], $0x400  }
0x31: {  	[sflag:s14] =	ssyncset.done $0x0  }
0x32: {  	[sflag:s14] =	ssyncadd.s32 $0xFFFFFC00  }
0x33: {  	_ =	swait.ge [sflag:s14], $0x400  }
0x34: {  	[sflag:s14] =	ssyncset.done $0x0  }
0x35: {  	s16 =	sadd.s32 $0x1, s16;
	[sflag:s14] =	ssyncadd.s32 $0xFFFFFC00  }
0x36: {  	p0 =	sne.s32 s16, s13;
	_ =	swait.ge [sflag:s14], $0x400  }
.Ltmp1:
0x37: {  	[sflag:s14] =	ssyncset.done $0x0;
	(pc) =	sbr.rel @!p0 .LBB2_9-.Ltmp1, $4  }
0x38: {  	[sflag:s14] =	ssyncadd.s32 $0xFFFFFC00  }
0x39: {  	_ =	swait.ge [sflag:s14], $0x400  }
0x3a: {  	[sflag:s14] =	ssyncset.done $0x0  }
0x3b: {  	[sflag:s14] =	ssyncadd.s32 $0xFFFFFC00  }
.LBB2_1:
.Ltmp2:
0x3c: {  	(pc) =	sbr.rel .LBB2_2-.Ltmp2, $3  }
0x3d: {  	_ =	sdelay $0x1  }
0x3e: {  	[tilespmem:s3], [sflag:$0x1] =	stream.linear.gather [hbm4b:s6+s3], $0x200, $0x38;
	[tilespmem:$0x10800] =	vst v63  }
0x3f: {  	s17 =	simm.s32 $0x0  }
.LBB2_6:
0x40: {  	s17 =	sshll.u32 s19, $0xB  }
0x41: {  	s18 =	sshll.u32 s18, $0x9;
	s17 =	sadd.s32 s17, s6  }
0x42: {  	[tilespmem:s18], [sflag:$0x1] =	stream.linear.gather [hbm4b:s17+s3], $0x200, $0x38;
	[tilespmem:$0x10800] =	vst v63  }
0x43: {  	s17 =	smov.u32 s19  }
.LBB2_7:
0x44: {  	p0 =	slt.u32 s17, $0x33  }
.Ltmp3:
0x45: {  	_ = 	snop;
	(pc) =	sbr.rel @!p0 .LBB2_8-.Ltmp3, $1  }
0x46: {  	_ =	sdelay $0x3  }
.LBB2_2:
0x47: {  	p0 =	slt.u32 s17, $0x2  }
0x48: {  	s18 =	simm.s32 @!p0 $0x3  }
0x49: {  	_ =	swait.ge @!p0 [sflag:s18], $0x400  }
0x4a: {  	[sflag:s18] =	ssyncset.done @!p0 $0x0  }
0x4b: {  	[sflag:s18] =	ssyncadd.s32 @!p0 $0xFFFFFC00  }
0x4c: {  	_ =	swait.ge @!p0 [sflag:s18], $0x400  }
0x4d: {  	[sflag:s18] =	ssyncset.done @!p0 $0x0  }
0x4e: {  	[sflag:s18] =	ssyncadd.s32 @!p0 $0xFFFFFC00  }
0x4f: {  	_ =	swait.ge @!p0 [sflag:s18], $0x400  }
0x50: {  	[sflag:s18] =	ssyncset.done @!p0 $0x0  }
0x51: {  	[sflag:s18] =	ssyncadd.s32 @!p0 $0xFFFFFC00  }
0x52: {  	_ =	swait.ge @!p0 [sflag:s18], $0x400  }
0x53: {  	[sflag:s18] =	ssyncset.done @!p0 $0x0  }
0x54: {  	[sflag:s18] =	ssyncadd.s32 @!p0 $0xFFFFFC00  }
0x55: {  	_ =	swait.ge @!p0 [sflag:s18], $0x400  }
0x56: {  	[sflag:s18] =	ssyncset.done @!p0 $0x0  }
0x57: {  	[sflag:s18] =	ssyncadd.s32 @!p0 $0xFFFFFC00  }
0x58: {  	_ =	swait.ge @!p0 [sflag:s18], $0x400  }
0x59: {  	[sflag:s18] =	ssyncset.done @!p0 $0x0  }
0x5a: {  	[sflag:s18] =	ssyncadd.s32 @!p0 $0xFFFFFC00  }
0x5b: {  	_ =	swait.ge @!p0 [sflag:s18], $0x400  }
0x5c: {  	[sflag:s18] =	ssyncset.done @!p0 $0x0  }
0x5d: {  	[sflag:s18] =	ssyncadd.s32 @!p0 $0xFFFFFC00  }
0x5e: {  	_ =	swait.ge @!p0 [sflag:s18], $0x400  }
0x5f: {  	[sflag:s18] =	ssyncset.done @!p0 $0x0  }
0x60: {  	[sflag:s18] =	ssyncadd.s32 @!p0 $0xFFFFFC00  }
0x61: {  	_ =	swait.ge @!p0 [sflag:s18], $0x400  }
0x62: {  	[sflag:s18] =	ssyncset.done @!p0 $0x0  }
0x63: {  	[sflag:s18] =	ssyncadd.s32 @!p0 $0xFFFFFC00  }
0x64: {  	_ =	swait.ge @!p0 [sflag:s18], $0x400  }
0x65: {  	[sflag:s18] =	ssyncset.done @!p0 $0x0  }
0x66: {  	[sflag:s18] =	ssyncadd.s32 @!p0 $0xFFFFFC00  }
0x67: {  	_ =	swait.ge @!p0 [sflag:s18], $0x400  }
0x68: {  	[sflag:s18] =	ssyncset.done @!p0 $0x0  }
0x69: {  	[sflag:s18] =	ssyncadd.s32 @!p0 $0xFFFFFC00  }
0x6a: {  	_ =	swait.ge @!p0 [sflag:s18], $0x400  }
0x6b: {  	[sflag:s18] =	ssyncset.done @!p0 $0x0  }
0x6c: {  	[sflag:s18] =	ssyncadd.s32 @!p0 $0xFFFFFC00  }
0x6d: {  	_ =	swait.ge @!p0 [sflag:s18], $0x400  }
0x6e: {  	[sflag:s18] =	ssyncset.done @!p0 $0x0  }
0x6f: {  	[sflag:s18] =	ssyncadd.s32 @!p0 $0xFFFFFC00  }
0x70: {  	_ =	swait.ge @!p0 [sflag:s18], $0x400  }
0x71: {  	[sflag:s18] =	ssyncset.done @!p0 $0x0  }
0x72: {  	[sflag:s18] =	ssyncadd.s32 @!p0 $0xFFFFFC00  }
0x73: {  	_ =	swait.ge @!p0 [sflag:s18], $0x400  }
0x74: {  	[sflag:s18] =	ssyncset.done @!p0 $0x0  }
0x75: {  	[sflag:s18] =	ssyncadd.s32 @!p0 $0xFFFFFC00  }
0x76: {  	p1 =	seq.s32 @!p0 s17, $0x32;
	_ =	swait.ge @!p0 [sflag:s18], $0x400  }
0x77: {  	p1 =	por p0, !p1;
	[sflag:s18] =	ssyncset.done @!p0 $0x0  }
0x78: {  	[sflag:s18] =	ssyncadd.s32 @!p0 $0xFFFFFC00;
	p0 =	seq.s32 @p1 s17, $0x0  }
0x79: {  	p0 =	por !p1, !p0  }
.Ltmp4:
0x7a: {  	s19 =	simm.s32 @p1 $0x1;
	(pc) =	sbr.rel @!p0 .LBB2_6-.Ltmp4, $4  }
0x7b: {  	s22 =	simm.s32 @p1 $0x200;
	s18 =	sand.u32 $0x1, s17;
	_ =	swait.ge @p1 [sflag:s19], $0x200  }
0x7c: {  	s20 =	sshll.u32 @p1 s18, $0x9;
	s21 =	sshll.u32 @p1 s18, $0xE;
	[sflag:s19] =	ssyncset.done @p1 $0x0  }
0x7d: {  	s18 =	sxor.u32 $0x1, s18;
	s21 =	sor.u32 @p1 $0x400, s21;
	[sflag:s19] =	ssyncadd.s32 @p1 $0xFFFFFE00  }
0x7e: {  	[tilespmem:s21], [sflag:$0x2] =	stream.indirect.gather @p1 [hbm4b:s4+s22], $0x20, s20, s22, $0xb8;
	[tilespmem:$0x10800] =	vst v63  }
0x7f: {  	s19 =	simm.s32 $0x0  }
0x80: {  	s29 =	simm.s32 $0x1;
	s20 =	simm.s32 $0x2;
	s30 =	simm.s32 $0x3;
	v17 =	vmov s19  }
0x81: {  	s31 =	simm.s32 $0x4;
	s21 =	simm.s32 $0x7;
	s22 =	simm.s32 $0x5;
	v18 =	vmov s29;
	v19 =	vmov s20;
	v20 =	vmov s30  }
0x82: {  	s23 =	simm.s32 $0x6;
	v21 =	vmov s31;
	v22 =	vmov s21;
	v23 =	vmov s22  }
0x83: {  	v24 =	vmov s23;
	v17 =	vshrl.u32 v17, $0x3;
	v22 =	vshrl.u32 v22, $0x3  }
0x84: {  	_ =	swait.ge [sflag:s15], $0x4000;
	v18 =	vshrl.u32 v18, $0x3;
	v19 =	vshrl.u32 v19, $0x3;
	v22 =	vshll.u32 v22, v1  }
0x85: {  	s24 =	sshll.u32 s18, $0xE;
	[sflag:s15] =	ssyncset.done $0x0;
	v20 =	vshrl.u32 v20, $0x3;
	v17 =	vshll.u32 v17, v1;
	v25 =	vbroadcast v22, $0x0  }
0x86: {  	s21 =	sor.u32 $0x480, s24;
	[sflag:s15] =	ssyncadd.s32 $0xFFFFC000;
	v21 =	vshrl.u32 v21, $0x3;
	v18 =	vshll.u32 v18, v1;
	v17 =	vbroadcast v17, $0x0  }
0x87: {  	v30 =	vbroadcast v18, $0x0;
	v18 =	vshll.u32 v19, v1;
	v19 =	vld [tilespmem:s21+$0x60];
	v26 =	vadd.s32 v15, v25  }
0x88: {  	s25 =	smul.u32 $0x10800, s18;
	v27 =	vld [tilespmem:s21+$0xFFFFFF80];
	v36 =	vbroadcast v18, $0x0;
	v18 =	vshll.u32 v20, v1;
	v28 =	vadd.s32 v0, v17  }
0x89: {  	v29 =	vld [tilespmem:s21+$0xFFFFFFA0];
	v31 =	vadd.s32 v3, v30;
	v20 =	vbroadcast v18, $0x0;
	v18 =	vshll.u32 v21, v1  }
0x8a: {  	s19 =	sshrl.u32 s25, $0x2;
	v32 =	vld [tilespmem:s21+$0xFFFFFFC0];
	v33 =	vadd.s32 v5, v36;
	v21 =	vbroadcast v18, $0x0;
	v18 =	vshrl.u32 v23, $0x3  }
0x8b: {  	s20 =	sadd.s32 $0x8400, s19;
	v34 =	vld [tilespmem:s21+$0xFFFFFFE0];
	v23 =	vshrl.u32 v24, $0x3;
	v39 =	vadd.s32 v7, v20;
	v18 =	vshll.u32 v18, v1  }
0x8c: {  	s26 =	simm.s32 $0x9;
	v40 =	vld [tilespmem:s21+$0x0];
	v41 =	vadd.s32 v9, v21;
	v22 =	vbroadcast v18, $0x0;
	v18 =	vshll.u32 v23, v1;
	[tilespmem:v26+s20+$0x0] =	vst.idx.msk $0xffff, v19  }
0x8d: {  	s28 =	simm.s32 $0xA;
	v37 =	vmov s26;
	v25 =	vadd.s32 v16, v25;
	v23 =	vbroadcast v18, $0x0;
	[tilespmem:v28+s20+$0x0] =	vst.idx.msk $0xffff, v27;
	v24 =	vld [tilespmem:s21+$0x70]  }
0x8e: {  	s22 =	simm.s32 $0x8;
	v38 =	vmov s28;
	v35 =	vadd.s32 v4, v30;
	[tilespmem:v31+s20+$0x0] =	vst.idx.msk $0xffff, v29;
	v26 =	vld [tilespmem:s21+$0x20];
	v27 =	vadd.s32 v11, v22  }
0x8f: {  	s23 =	simm.s32 $0xB;
	s30 =	simm.s32 $0xD;
	v36 =	vadd.s32 v6, v36;
	v19 =	vmov s22;
	v29 =	vld [tilespmem:s21+$0x40];
	[tilespmem:v33+s20+$0x0] =	vst.idx.msk $0xffff, v32;
	v31 =	vadd.s32 v13, v23  }
0x90: {  	s29 =	simm.s32 $0xC;
	s31 =	simm.s32 $0xE;
	v18 =	vmov s30;
	v28 =	vmov s23;
	v19 =	vshrl.u32 v19, $0x3;
	v33 =	vld [tilespmem:s21+$0xFFFFFFB0];
	[tilespmem:v39+s20+$0x0] =	vst.idx.msk $0xffff, v34  }
0x91: {  	s23 =	simm.s32 $0xF;
	s22 =	simm.s32 $0x10;
	v32 =	vmov s29;
	v30 =	vshll.u32 v19, v1;
	v19 =	vmov s31;
	v34 =	vld [tilespmem:s21+$0xFFFFFFD0];
	[tilespmem:v41+s20+$0x0] =	vst.idx.msk $0xffff, v40  }
.LBB2_4:
0x92: {  	p0 =	slt.u32 s22, $0x1F8;
	v37 =	vshrl.u32 v37, $0x3;
	v39 =	vmov s23;
	v40 =	vld [tilespmem:s21+$0xFFFFFFF0];
	v20 =	vadd.s32 v8, v20;
	[tilespmem:v25+s20+$0x0] =	vst.idx.msk $0xffff, v24  }
0x93: {  	v24 =	vshrl.u32 v38, $0x3;
	v21 =	vadd.s32 v10, v21;
	v25 =	vshrl.u32 v39, $0x3;
	v38 =	vld [tilespmem:s21+$0x10];
	[tilespmem:v27+s20+$0x0] =	vst.idx.msk $0xffff, v26  }
0x94: {  	v22 =	vadd.s32 v12, v22;
	v26 =	vshrl.u32 v28, $0x3;
	v25 =	vshll.u32 v25, v1;
	v27 =	vld [tilespmem:s21+$0x30];
	[tilespmem:v31+s20+$0x0] =	vst.idx.msk $0xffff, v29  }
0x95: {  	v23 =	vadd.s32 v14, v23;
	v28 =	vshrl.u32 v32, $0x3;
	v25 =	vbroadcast v25, $0x0;
	[tilespmem:v35+s20+$0x0] =	vst.idx.msk $0xffff, v33;
	v29 =	vld [tilespmem:s21+$0x50]  }
0x96: {  	v31 =	vshll.u32 v37, v1;
	v33 =	vadd.s32 v2, v17;
	v17 =	vbroadcast v30, $0x0;
	v32 =	vld [tilespmem:s21+$0xFFFFFF90];
	[tilespmem:v36+s20+$0x0] =	vst.idx.msk $0xffff, v34;
	s21 =	sadd.s32 $0x100, s21  }
0x97: {  	v24 =	vshll.u32 v24, v1;
	v30 =	vbroadcast v31, $0x0;
	v31 =	vld [tilespmem:s21+$0x60];
	v34 =	vadd.s32 v15, v25;
	[tilespmem:v20+s20+$0x0] =	vst.idx.msk $0xffff, v40  }
0x98: {  	v39 =	vbroadcast v24, $0x0;
	v36 =	vadd.s32 v0, v17;
	v20 =	vshll.u32 v26, v1;
	v35 =	vld [tilespmem:s21+$0xFFFFFF80];
	[tilespmem:v21+s20+$0x0] =	vst.idx.msk $0xffff, v38  }
0x99: {  	v38 =	vadd.s32 v3, v30;
	v20 =	vbroadcast v20, $0x0;
	v21 =	vshll.u32 v28, v1;
	v26 =	vld [tilespmem:s21+$0xFFFFFFA0];
	[tilespmem:v22+s20+$0x0] =	vst.idx.msk $0xffff, v27  }
0x9a: {  	v18 =	vshrl.u32 v18, $0x3;
	v41 =	vadd.s32 v5, v39;
	v21 =	vbroadcast v21, $0x0;
	v40 =	vld [tilespmem:s21+$0xFFFFFFC0];
	[tilespmem:v23+s20+$0x0] =	vst.idx.msk $0xffff, v29  }
0x9b: {  	v19 =	vshrl.u32 v19, $0x3;
	v18 =	vshll.u32 v18, v1;
	v43 =	vadd.s32 v7, v20;
	v42 =	vld [tilespmem:s21+$0xFFFFFFE0];
	[tilespmem:v33+s20+$0x0] =	vst.idx.msk $0xffff, v32  }
0x9c: {  	v22 =	vbroadcast v18, $0x0;
	v18 =	vshll.u32 v19, v1;
	v45 =	vadd.s32 v9, v21;
	v44 =	vld [tilespmem:s21+$0x0];
	[tilespmem:v34+s20+$0x0] =	vst.idx.msk $0xffff, v31  }
.Ltmp5:
0x9d: {  	s23 =	sadd.s32 $0x1, s22;
	v25 =	vadd.s32 v16, v25;
	v19 =	vmov s22;
	v23 =	vbroadcast v18, $0x0;
	[tilespmem:v36+s20+$0x0] =	vst.idx.msk $0xffff, v35;
	v24 =	vld [tilespmem:s21+$0x70];
	(pc) =	sbr.rel @p0 .LBB2_4-.Ltmp5, $4  }
0x9e: {  	s24 =	sadd.s32 $0x3, s22;
	v37 =	vmov s23;
	s23 =	sadd.s32 $0x2, s22;
	v19 =	vshrl.u32 v19, $0x3;
	v27 =	vadd.s32 v11, v22;
	[tilespmem:v38+s20+$0x0] =	vst.idx.msk $0xffff, v26;
	v26 =	vld [tilespmem:s21+$0x20]  }
0x9f: {  	v28 =	vmov s24;
	s24 =	sadd.s32 $0x5, s22;
	v31 =	vadd.s32 v13, v23;
	v38 =	vmov s23;
	s23 =	sadd.s32 $0x4, s22;
	[tilespmem:v41+s20+$0x0] =	vst.idx.msk $0xffff, v40;
	v29 =	vld [tilespmem:s21+$0x40]  }
0xa0: {  	v18 =	vmov s24;
	v35 =	vadd.s32 v4, v30;
	v32 =	vmov s23;
	s23 =	sadd.s32 $0x6, s22;
	v33 =	vld [tilespmem:s21+$0xFFFFFFB0];
	[tilespmem:v43+s20+$0x0] =	vst.idx.msk $0xffff, v42  }
0xa1: {  	v30 =	vshll.u32 v19, v1;
	v36 =	vadd.s32 v6, v39;
	v19 =	vmov s23;
	s23 =	sadd.s32 $0x7, s22;
	s22 =	sadd.s32 $0x8, s22;
	v34 =	vld [tilespmem:s21+$0xFFFFFFD0];
	[tilespmem:v45+s20+$0x0] =	vst.idx.msk $0xffff, v44  }
0xa2: {  	_ =	sdelay $0x2  }
0xa3: {  	v37 =	vshrl.u32 v37, $0x3;
	v39 =	vmov s23  }
0xa4: {  	v40 =	vld [tilespmem:s21+$0xFFFFFFF0];
	v20 =	vadd.s32 v8, v20;
	[tilespmem:v25+s20+$0x0] =	vst.idx.msk $0xffff, v24;
	v59 =	vshrl.u32 v38, $0x3;
	v21 =	vadd.s32 v10, v21  }
0xa5: {  	v61 =	vld [tilespmem:s21+$0x10];
	v62 =	vshrl.u32 v28, $0x3;
	v22 =	vadd.s32 v12, v22;
	v63 =	vshrl.u32 v32, $0x3;
	[tilespmem:v27+s20+$0x0] =	vst.idx.msk $0xffff, v26  }
0xa6: {  	v23 =	vadd.s32 v14, v23;
	v30 =	vbroadcast v30, $0x0;
	v41 =	vld [tilespmem:s21+$0xFFFFFF90];
	v17 =	vadd.s32 v2, v17;
	[tilespmem:v31+s20+$0x0] =	vst.idx.msk $0xffff, v29  }
0xa7: {  	s24 =	sadd.s32 $0x100, s21;
	v18 =	vshrl.u32 v18, $0x3;
	v60 =	vshrl.u32 v39, $0x3;
	v39 =	vshll.u32 v37, v1;
	v27 =	vld [tilespmem:s21+$0x30];
	[tilespmem:v35+s20+$0x0] =	vst.idx.msk $0xffff, v33  }
0xa8: {  	v24 =	vshll.u32 v59, v1;
	v44 =	vld [tilespmem:s24+$0xFFFFFF80];
	v31 =	vbroadcast v39, $0x0;
	v45 =	vadd.s32 v0, v30;
	[tilespmem:v36+s20+$0x0] =	vst.idx.msk $0xffff, v34  }
0xa9: {  	v19 =	vshrl.u32 v19, $0x3;
	v26 =	vshll.u32 v62, v1;
	v24 =	vbroadcast v24, $0x0;
	v29 =	vld [tilespmem:s21+$0x50];
	[tilespmem:v20+s20+$0x0] =	vst.idx.msk $0xffff, v40  }
0xaa: {  	v46 =	vld [tilespmem:s24+$0xFFFFFFA0];
	v18 =	vshll.u32 v18, v1;
	v26 =	vbroadcast v26, $0x0;
	v47 =	vadd.s32 v3, v31;
	[tilespmem:v21+s20+$0x0] =	vst.idx.msk $0xffff, v61  }
0xab: {  	v48 =	vld [tilespmem:s24+$0xFFFFFFC0];
	v19 =	vshll.u32 v19, v1;
	v18 =	vbroadcast v18, $0x0;
	v49 =	vadd.s32 v5, v24;
	[tilespmem:v17+s20+$0x0] =	vst.idx.msk $0xffff, v41  }
0xac: {  	v28 =	vshll.u32 v63, v1;
	v50 =	vld [tilespmem:s24+$0xFFFFFFE0];
	v19 =	vbroadcast v19, $0x0;
	v51 =	vadd.s32 v7, v26;
	[tilespmem:v22+s20+$0x0] =	vst.idx.msk $0xffff, v27  }
0xad: {  	v54 =	vld [tilespmem:s24+$0x20];
	v25 =	vshll.u32 v60, v1;
	v28 =	vbroadcast v28, $0x0;
	v55 =	vadd.s32 v11, v18;
	[tilespmem:v45+s20+$0x0] =	vst.idx.msk $0xffff, v44  }
0xae: {  	v56 =	vld [tilespmem:s24+$0x40];
	v25 =	vbroadcast v25, $0x0;
	v57 =	vadd.s32 v13, v19;
	[tilespmem:v23+s20+$0x0] =	vst.idx.msk $0xffff, v29  }
0xaf: {  	v52 =	vadd.s32 v9, v28;
	v17 =	vld [tilespmem:s24+$0x0];
	[tilespmem:v47+s20+$0x0] =	vst.idx.msk $0xffff, v46  }
0xb0: {  	v42 =	vld [tilespmem:s24+$0x60];
	v43 =	vadd.s32 v15, v25;
	[tilespmem:v49+s20+$0x0] =	vst.idx.msk $0xffff, v48  }
0xb1: {  	v63 =	vadd.s32 v2, v30;
	v62 =	vld [tilespmem:s24+$0xFFFFFF90];
	[tilespmem:v51+s20+$0x0] =	vst.idx.msk $0xffff, v50  }
0xb2: {  	v31 =	vadd.s32 v4, v31;
	[tilespmem:v55+s20+$0x0] =	vst.idx.msk $0xffff, v54;
	v58 =	vld [tilespmem:s24+$0xFFFFFFB0]  }
0xb3: {  	v24 =	vadd.s32 v6, v24;
	[tilespmem:v57+s20+$0x0] =	vst.idx.msk $0xffff, v56;
	v59 =	vld [tilespmem:s24+$0xFFFFFFD0]  }
0xb4: {  	v26 =	vadd.s32 v8, v26;
	[tilespmem:v52+s20+$0x0] =	vst.idx.msk $0xffff, v17;
	v17 =	vld [tilespmem:s24+$0xFFFFFFF0]  }
0xb5: {  	v18 =	vadd.s32 v12, v18;
	[tilespmem:v43+s20+$0x0] =	vst.idx.msk $0xffff, v42;
	v21 =	vld [tilespmem:s24+$0x30]  }
0xb6: {  	v19 =	vadd.s32 v14, v19;
	v22 =	vld [tilespmem:s24+$0x50];
	[tilespmem:v63+s20+$0x0] =	vst.idx.msk $0xffff, v62  }
0xb7: {  	v25 =	vadd.s32 v16, v25;
	v53 =	vld [tilespmem:s24+$0x70];
	[tilespmem:v31+s20+$0x0] =	vst.idx.msk $0xffff, v58  }
0xb8: {  	v61 =	vadd.s32 v10, v28;
	v60 =	vld [tilespmem:s24+$0x10];
	[tilespmem:v24+s20+$0x0] =	vst.idx.msk $0xffff, v59  }
0xb9: {  	s25 =	sshll.u32 s17, $0x13;
	[tilespmem:v26+s20+$0x0] =	vst.idx.msk $0xffff, v17  }
0xba: {  	s22 =	sadd.s32 $0xFFF80000, s25;
	[tilespmem:v18+s20+$0x0] =	vst.idx.msk $0xffff, v21  }
0xbb: {  	s21 =	sor.u32 s5, s22;
	[tilespmem:v19+s20+$0x0] =	vst.idx.msk $0xffff, v22  }
0xbc: {  	s23 =	sshrl.u32 s21, $0x3;
	[tilespmem:v25+s20+$0x0] =	vst.idx.msk $0xffff, v53  }
0xbd: {  	s21 =	sadd.s32 s2, s23;
	[tilespmem:v61+s20+$0x0] =	vst.idx.msk $0xffff, v60  }
0xbe: {  	[hbm4b:s21+s3] =	stream.linear.scatter [tilespmem:s20], [sflag:$0x3], $0x80, $0x38;
	[tilespmem:$0x10800] =	vst v63  }
0xbf: {  	s26 =	sadd.s32 $0x8610, s19;
	s24 =	sadd.s32 $0x10, s21  }
0xc0: {  	[hbm4b:s24+s3] =	stream.linear.scatter [tilespmem:s26], [sflag:$0x3], $0x80, $0x38;
	[tilespmem:$0x10800] =	vst v63  }
0xc1: {  	s28 =	sadd.s32 $0x8820, s19;
	s29 =	sadd.s32 $0x20, s21  }
0xc2: {  	[hbm4b:s29+s3] =	stream.linear.scatter [tilespmem:s28], [sflag:$0x3], $0x80, $0x38;
	[tilespmem:$0x10800] =	vst v63  }
0xc3: {  	s30 =	sadd.s32 $0x8A30, s19;
	s31 =	sadd.s32 $0x30, s21  }
0xc4: {  	[hbm4b:s31+s3] =	stream.linear.scatter [tilespmem:s30], [sflag:$0x3], $0x80, $0x38;
	[tilespmem:$0x10800] =	vst v63  }
0xc5: {  	s25 =	sadd.s32 $0x40, s21;
	s24 =	sadd.s32 $0x8C40, s19  }
0xc6: {  	[hbm4b:s25+s3] =	stream.linear.scatter [tilespmem:s24], [sflag:$0x3], $0x80, $0x38;
	[tilespmem:$0x10800] =	vst v63  }
0xc7: {  	s26 =	sadd.s32 $0x8E50, s19;
	s28 =	sadd.s32 $0x50, s21  }
0xc8: {  	[hbm4b:s28+s3] =	stream.linear.scatter [tilespmem:s26], [sflag:$0x3], $0x80, $0x38;
	[tilespmem:$0x10800] =	vst v63  }
0xc9: {  	s29 =	sadd.s32 $0x9060, s19;
	s30 =	sadd.s32 $0x60, s21  }
0xca: {  	[hbm4b:s30+s3] =	stream.linear.scatter [tilespmem:s29], [sflag:$0x3], $0x80, $0x38;
	[tilespmem:$0x10800] =	vst v63  }
0xcb: {  	s31 =	sadd.s32 $0x9270, s19;
	s21 =	sadd.s32 $0x70, s21  }
0xcc: {  	[hbm4b:s21+s3] =	stream.linear.scatter [tilespmem:s31], [sflag:$0x3], $0x80, $0x38;
	[tilespmem:$0x10800] =	vst v63  }
0xcd: {  	s21 =	sor.u32 s7, s22  }
0xce: {  	s20 =	sshrl.u32 s21, $0x3  }
0xcf: {  	s24 =	sadd.s32 $0x8480, s19;
	s20 =	sadd.s32 s2, s20  }
0xd0: {  	[hbm4b:s20+s3] =	stream.linear.scatter [tilespmem:s24], [sflag:$0x3], $0x80, $0x38;
	[tilespmem:$0x10800] =	vst v63  }
0xd1: {  	s25 =	sadd.s32 $0x8690, s19;
	s26 =	sadd.s32 $0x10, s20  }
0xd2: {  	[hbm4b:s26+s3] =	stream.linear.scatter [tilespmem:s25], [sflag:$0x3], $0x80, $0x38;
	[tilespmem:$0x10800] =	vst v63  }
0xd3: {  	s28 =	sadd.s32 $0x88A0, s19;
	s29 =	sadd.s32 $0x20, s20  }
0xd4: {  	[hbm4b:s29+s3] =	stream.linear.scatter [tilespmem:s28], [sflag:$0x3], $0x80, $0x38;
	[tilespmem:$0x10800] =	vst v63  }
0xd5: {  	s30 =	sadd.s32 $0x8AB0, s19;
	s31 =	sadd.s32 $0x30, s20  }
0xd6: {  	[hbm4b:s31+s3] =	stream.linear.scatter [tilespmem:s30], [sflag:$0x3], $0x80, $0x38;
	[tilespmem:$0x10800] =	vst v63  }
0xd7: {  	s25 =	sadd.s32 $0x8CC0, s19;
	s26 =	sadd.s32 $0x40, s20  }
0xd8: {  	[hbm4b:s26+s3] =	stream.linear.scatter [tilespmem:s25], [sflag:$0x3], $0x80, $0x38;
	[tilespmem:$0x10800] =	vst v63  }
0xd9: {  	s28 =	sadd.s32 $0x8ED0, s19;
	s29 =	sadd.s32 $0x50, s20  }
0xda: {  	[hbm4b:s29+s3] =	stream.linear.scatter [tilespmem:s28], [sflag:$0x3], $0x80, $0x38;
	[tilespmem:$0x10800] =	vst v63  }
0xdb: {  	s30 =	sadd.s32 $0x90E0, s19;
	s31 =	sadd.s32 $0x60, s20;
	s26 =	sor.u32 s8, s22  }
0xdc: {  	[hbm4b:s31+s3] =	stream.linear.scatter [tilespmem:s30], [sflag:$0x3], $0x80, $0x38;
	[tilespmem:$0x10800] =	vst v63  }
0xdd: {  	s24 =	sadd.s32 $0x92F0, s19;
	s25 =	sadd.s32 $0x70, s20;
	s21 =	sshrl.u32 s26, $0x3  }
0xde: {  	[hbm4b:s25+s3] =	stream.linear.scatter [tilespmem:s24], [sflag:$0x3], $0x80, $0x38;
	[tilespmem:$0x10800] =	vst v63  }
0xdf: {  	s21 =	sadd.s32 s2, s21;
	s28 =	sadd.s32 $0x8500, s19  }
0xe0: {  	[hbm4b:s21+s3] =	stream.linear.scatter [tilespmem:s28], [sflag:$0x3], $0x80, $0x38;
	[tilespmem:$0x10800] =	vst v63  }
0xe1: {  	s29 =	sadd.s32 $0x8710, s19;
	s25 =	sadd.s32 $0x10, s21  }
0xe2: {  	[hbm4b:s25+s3] =	stream.linear.scatter [tilespmem:s29], [sflag:$0x3], $0x80, $0x38;
	[tilespmem:$0x10800] =	vst v63  }
0xe3: {  	s30 =	sadd.s32 $0x8920, s19;
	s31 =	sadd.s32 $0x20, s21  }
0xe4: {  	[hbm4b:s31+s3] =	stream.linear.scatter [tilespmem:s30], [sflag:$0x3], $0x80, $0x38;
	[tilespmem:$0x10800] =	vst v63  }
0xe5: {  	s26 =	sadd.s32 $0x30, s21;
	s25 =	sadd.s32 $0x8B30, s19  }
0xe6: {  	[hbm4b:s26+s3] =	stream.linear.scatter [tilespmem:s25], [sflag:$0x3], $0x80, $0x38;
	[tilespmem:$0x10800] =	vst v63  }
0xe7: {  	s28 =	sadd.s32 $0x8D40, s19;
	s29 =	sadd.s32 $0x40, s21  }
0xe8: {  	[hbm4b:s29+s3] =	stream.linear.scatter [tilespmem:s28], [sflag:$0x3], $0x80, $0x38;
	[tilespmem:$0x10800] =	vst v63  }
0xe9: {  	s30 =	sadd.s32 $0x8F50, s19;
	s31 =	sadd.s32 $0x50, s21  }
0xea: {  	[hbm4b:s31+s3] =	stream.linear.scatter [tilespmem:s30], [sflag:$0x3], $0x80, $0x38;
	[tilespmem:$0x10800] =	vst v63  }
0xeb: {  	s22 =	sor.u32 s9, s22;
	s26 =	sadd.s32 $0x9160, s19;
	s28 =	sadd.s32 $0x60, s21  }
0xec: {  	[hbm4b:s28+s3] =	stream.linear.scatter [tilespmem:s26], [sflag:$0x3], $0x80, $0x38;
	[tilespmem:$0x10800] =	vst v63  }
0xed: {  	s22 =	sshrl.u32 s22, $0x3;
	s29 =	sadd.s32 $0x9370, s19;
	s30 =	sadd.s32 $0x70, s21  }
0xee: {  	[hbm4b:s30+s3] =	stream.linear.scatter [tilespmem:s29], [sflag:$0x3], $0x80, $0x38;
	[tilespmem:$0x10800] =	vst v63  }
0xef: {  	s22 =	sadd.s32 s2, s22;
	s31 =	sadd.s32 $0x8580, s19  }
0xf0: {  	[hbm4b:s22+s3] =	stream.linear.scatter [tilespmem:s31], [sflag:$0x3], $0x80, $0x38;
	[tilespmem:$0x10800] =	vst v63  }
0xf1: {  	s25 =	sadd.s32 $0x8790, s19;
	s26 =	sadd.s32 $0x10, s22  }
0xf2: {  	[hbm4b:s26+s3] =	stream.linear.scatter [tilespmem:s25], [sflag:$0x3], $0x80, $0x38;
	[tilespmem:$0x10800] =	vst v63  }
0xf3: {  	s28 =	sadd.s32 $0x89A0, s19;
	s29 =	sadd.s32 $0x20, s22  }
0xf4: {  	[hbm4b:s29+s3] =	stream.linear.scatter [tilespmem:s28], [sflag:$0x3], $0x80, $0x38;
	[tilespmem:$0x10800] =	vst v63  }
0xf5: {  	s30 =	sadd.s32 $0x8BB0, s19;
	s31 =	sadd.s32 $0x30, s22  }
0xf6: {  	[hbm4b:s31+s3] =	stream.linear.scatter [tilespmem:s30], [sflag:$0x3], $0x80, $0x38;
	[tilespmem:$0x10800] =	vst v63  }
0xf7: {  	s25 =	sadd.s32 $0x8DC0, s19;
	s26 =	sadd.s32 $0x40, s22  }
0xf8: {  	[hbm4b:s26+s3] =	stream.linear.scatter [tilespmem:s25], [sflag:$0x3], $0x80, $0x38;
	[tilespmem:$0x10800] =	vst v63  }
0xf9: {  	s28 =	sadd.s32 $0x8FD0, s19;
	s29 =	sadd.s32 $0x50, s22  }
0xfa: {  	[hbm4b:s29+s3] =	stream.linear.scatter [tilespmem:s28], [sflag:$0x3], $0x80, $0x38;
	[tilespmem:$0x10800] =	vst v63  }
0xfb: {  	s30 =	sadd.s32 $0x91E0, s19;
	s31 =	sadd.s32 $0x60, s22  }
0xfc: {  	[hbm4b:s31+s3] =	stream.linear.scatter [tilespmem:s30], [sflag:$0x3], $0x80, $0x38;
	[tilespmem:$0x10800] =	vst v63  }
0xfd: {  	s25 =	sadd.s32 $0x93F0, s19;
	s26 =	sadd.s32 $0x70, s22  }
0xfe: {  	[hbm4b:s26+s3] =	stream.linear.scatter [tilespmem:s25], [sflag:$0x3], $0x80, $0x38;
	[tilespmem:$0x10800] =	vst v63  }
0xff: {  	s24 =	sadd.s32 s23, s10;
	s28 =	sadd.s32 $0x9480, s19  }
0x100: {  	[hbm4b:s24+s3] =	stream.linear.scatter [tilespmem:s28], [sflag:$0x3], $0x80, $0x38;
	[tilespmem:$0x10800] =	vst v63  }
0x101: {  	s29 =	sadd.s32 $0x9690, s19;
	s26 =	sadd.s32 $0x10, s24  }
0x102: {  	[hbm4b:s26+s3] =	stream.linear.scatter [tilespmem:s29], [sflag:$0x3], $0x80, $0x38;
	[tilespmem:$0x10800] =	vst v63  }
0x103: {  	s30 =	sadd.s32 $0x98A0, s19;
	s31 =	sadd.s32 $0x20, s24  }
0x104: {  	[hbm4b:s31+s3] =	stream.linear.scatter [tilespmem:s30], [sflag:$0x3], $0x80, $0x38;
	[tilespmem:$0x10800] =	vst v63  }
0x105: {  	s28 =	sadd.s32 $0x9AB0, s19;
	s29 =	sadd.s32 $0x30, s24  }
0x106: {  	[hbm4b:s29+s3] =	stream.linear.scatter [tilespmem:s28], [sflag:$0x3], $0x80, $0x38;
	[tilespmem:$0x10800] =	vst v63  }
0x107: {  	s30 =	sadd.s32 $0x9CC0, s19;
	s31 =	sadd.s32 $0x40, s24  }
0x108: {  	[hbm4b:s31+s3] =	stream.linear.scatter [tilespmem:s30], [sflag:$0x3], $0x80, $0x38;
	[tilespmem:$0x10800] =	vst v63  }
0x109: {  	s26 =	sadd.s32 $0x9ED0, s19;
	s28 =	sadd.s32 $0x50, s24  }
0x10a: {  	[hbm4b:s28+s3] =	stream.linear.scatter [tilespmem:s26], [sflag:$0x3], $0x80, $0x38;
	[tilespmem:$0x10800] =	vst v63  }
0x10b: {  	s29 =	sadd.s32 $0xA0E0, s19;
	s30 =	sadd.s32 $0x60, s24  }
0x10c: {  	[hbm4b:s30+s3] =	stream.linear.scatter [tilespmem:s29], [sflag:$0x3], $0x80, $0x38;
	[tilespmem:$0x10800] =	vst v63  }
0x10d: {  	s31 =	sadd.s32 $0xA2F0, s19;
	s24 =	sadd.s32 $0x70, s24  }
0x10e: {  	[hbm4b:s24+s3] =	stream.linear.scatter [tilespmem:s31], [sflag:$0x3], $0x80, $0x38;
	[tilespmem:$0x10800] =	vst v63  }
0x10f: {  	s25 =	sadd.s32 $0x4000, s20;
	s26 =	sadd.s32 $0x9500, s19  }
0x110: {  	[hbm4b:s25+s3] =	stream.linear.scatter [tilespmem:s26], [sflag:$0x3], $0x80, $0x38;
	[tilespmem:$0x10800] =	vst v63  }
0x111: {  	s28 =	sadd.s32 $0x9710, s19;
	s29 =	sadd.s32 $0x4010, s20  }
0x112: {  	[hbm4b:s29+s3] =	stream.linear.scatter [tilespmem:s28], [sflag:$0x3], $0x80, $0x38;
	[tilespmem:$0x10800] =	vst v63  }
0x113: {  	s30 =	sadd.s32 $0x9920, s19;
	s31 =	sadd.s32 $0x4020, s20  }
0x114: {  	[hbm4b:s31+s3] =	stream.linear.scatter [tilespmem:s30], [sflag:$0x3], $0x80, $0x38;
	[tilespmem:$0x10800] =	vst v63  }
0x115: {  	s25 =	sadd.s32 $0x9B30, s19;
	s26 =	sadd.s32 $0x4030, s20  }
0x116: {  	[hbm4b:s26+s3] =	stream.linear.scatter [tilespmem:s25], [sflag:$0x3], $0x80, $0x38;
	[tilespmem:$0x10800] =	vst v63  }
0x117: {  	s28 =	sadd.s32 $0x9D40, s19;
	s29 =	sadd.s32 $0x4040, s20  }
0x118: {  	[hbm4b:s29+s3] =	stream.linear.scatter [tilespmem:s28], [sflag:$0x3], $0x80, $0x38;
	[tilespmem:$0x10800] =	vst v63  }
0x119: {  	s30 =	sadd.s32 $0x9F50, s19;
	s31 =	sadd.s32 $0x4050, s20  }
0x11a: {  	[hbm4b:s31+s3] =	stream.linear.scatter [tilespmem:s30], [sflag:$0x3], $0x80, $0x38;
	[tilespmem:$0x10800] =	vst v63  }
0x11b: {  	s25 =	sadd.s32 $0xA160, s19;
	s26 =	sadd.s32 $0x4060, s20  }
0x11c: {  	[hbm4b:s26+s3] =	stream.linear.scatter [tilespmem:s25], [sflag:$0x3], $0x80, $0x38;
	[tilespmem:$0x10800] =	vst v63  }
0x11d: {  	s28 =	sadd.s32 $0xA370, s19;
	s29 =	sadd.s32 $0x4070, s20  }
0x11e: {  	[hbm4b:s29+s3] =	stream.linear.scatter [tilespmem:s28], [sflag:$0x3], $0x80, $0x38;
	[tilespmem:$0x10800] =	vst v63  }
0x11f: {  	s30 =	sadd.s32 $0x4000, s21;
	s31 =	sadd.s32 $0x9580, s19  }
0x120: {  	[hbm4b:s30+s3] =	stream.linear.scatter [tilespmem:s31], [sflag:$0x3], $0x80, $0x38;
	[tilespmem:$0x10800] =	vst v63  }
0x121: {  	s25 =	sadd.s32 $0x9790, s19;
	s26 =	sadd.s32 $0x4010, s21  }
0x122: {  	[hbm4b:s26+s3] =	stream.linear.scatter [tilespmem:s25], [sflag:$0x3], $0x80, $0x38;
	[tilespmem:$0x10800] =	vst v63  }
0x123: {  	s28 =	sadd.s32 $0x99A0, s19;
	s29 =	sadd.s32 $0x4020, s21  }
0x124: {  	[hbm4b:s29+s3] =	stream.linear.scatter [tilespmem:s28], [sflag:$0x3], $0x80, $0x38;
	[tilespmem:$0x10800] =	vst v63  }
0x125: {  	s30 =	sadd.s32 $0x9BB0, s19;
	s31 =	sadd.s32 $0x4030, s21  }
0x126: {  	[hbm4b:s31+s3] =	stream.linear.scatter [tilespmem:s30], [sflag:$0x3], $0x80, $0x38;
	[tilespmem:$0x10800] =	vst v63  }
0x127: {  	s25 =	sadd.s32 $0x9DC0, s19;
	s26 =	sadd.s32 $0x4040, s21  }
0x128: {  	[hbm4b:s26+s3] =	stream.linear.scatter [tilespmem:s25], [sflag:$0x3], $0x80, $0x38;
	[tilespmem:$0x10800] =	vst v63  }
0x129: {  	s28 =	sadd.s32 $0x9FD0, s19;
	s29 =	sadd.s32 $0x4050, s21  }
0x12a: {  	[hbm4b:s29+s3] =	stream.linear.scatter [tilespmem:s28], [sflag:$0x3], $0x80, $0x38;
	[tilespmem:$0x10800] =	vst v63  }
0x12b: {  	s30 =	sadd.s32 $0xA1E0, s19;
	s31 =	sadd.s32 $0x4060, s21  }
0x12c: {  	[hbm4b:s31+s3] =	stream.linear.scatter [tilespmem:s30], [sflag:$0x3], $0x80, $0x38;
	[tilespmem:$0x10800] =	vst v63  }
0x12d: {  	s25 =	sadd.s32 $0xA3F0, s19;
	s26 =	sadd.s32 $0x4070, s21  }
0x12e: {  	[hbm4b:s26+s3] =	stream.linear.scatter [tilespmem:s25], [sflag:$0x3], $0x80, $0x38;
	[tilespmem:$0x10800] =	vst v63  }
0x12f: {  	s28 =	sadd.s32 $0x4000, s22;
	s29 =	sadd.s32 $0x9600, s19  }
0x130: {  	[hbm4b:s28+s3] =	stream.linear.scatter [tilespmem:s29], [sflag:$0x3], $0x80, $0x38;
	[tilespmem:$0x10800] =	vst v63  }
0x131: {  	s30 =	sadd.s32 $0x9810, s19;
	s31 =	sadd.s32 $0x4010, s22  }
0x132: {  	[hbm4b:s31+s3] =	stream.linear.scatter [tilespmem:s30], [sflag:$0x3], $0x80, $0x38;
	[tilespmem:$0x10800] =	vst v63  }
0x133: {  	s25 =	sadd.s32 $0x9A20, s19;
	s26 =	sadd.s32 $0x4020, s22  }
0x134: {  	[hbm4b:s26+s3] =	stream.linear.scatter [tilespmem:s25], [sflag:$0x3], $0x80, $0x38;
	[tilespmem:$0x10800] =	vst v63  }
0x135: {  	s28 =	sadd.s32 $0x9C30, s19;
	s29 =	sadd.s32 $0x4030, s22  }
0x136: {  	[hbm4b:s29+s3] =	stream.linear.scatter [tilespmem:s28], [sflag:$0x3], $0x80, $0x38;
	[tilespmem:$0x10800] =	vst v63  }
0x137: {  	s30 =	sadd.s32 $0x9E40, s19;
	s31 =	sadd.s32 $0x4040, s22  }
0x138: {  	[hbm4b:s31+s3] =	stream.linear.scatter [tilespmem:s30], [sflag:$0x3], $0x80, $0x38;
	[tilespmem:$0x10800] =	vst v63  }
0x139: {  	s25 =	sadd.s32 $0xA050, s19;
	s26 =	sadd.s32 $0x4050, s22  }
0x13a: {  	[hbm4b:s26+s3] =	stream.linear.scatter [tilespmem:s25], [sflag:$0x3], $0x80, $0x38;
	[tilespmem:$0x10800] =	vst v63  }
0x13b: {  	s28 =	sadd.s32 $0xA260, s19;
	s29 =	sadd.s32 $0x4060, s22  }
0x13c: {  	[hbm4b:s29+s3] =	stream.linear.scatter [tilespmem:s28], [sflag:$0x3], $0x80, $0x38;
	[tilespmem:$0x10800] =	vst v63  }
0x13d: {  	s30 =	sadd.s32 $0xA470, s19;
	s31 =	sadd.s32 $0x4070, s22  }
0x13e: {  	[hbm4b:s31+s3] =	stream.linear.scatter [tilespmem:s30], [sflag:$0x3], $0x80, $0x38;
	[tilespmem:$0x10800] =	vst v63  }
0x13f: {  	s24 =	sadd.s32 s23, s11;
	s26 =	sadd.s32 $0xA500, s19  }
0x140: {  	[hbm4b:s24+s3] =	stream.linear.scatter [tilespmem:s26], [sflag:$0x3], $0x80, $0x38;
	[tilespmem:$0x10800] =	vst v63  }
0x141: {  	s28 =	sadd.s32 $0xA710, s19;
	s29 =	sadd.s32 $0x10, s24  }
0x142: {  	[hbm4b:s29+s3] =	stream.linear.scatter [tilespmem:s28], [sflag:$0x3], $0x80, $0x38;
	[tilespmem:$0x10800] =	vst v63  }
0x143: {  	s30 =	sadd.s32 $0xA920, s19;
	s31 =	sadd.s32 $0x20, s24  }
0x144: {  	[hbm4b:s31+s3] =	stream.linear.scatter [tilespmem:s30], [sflag:$0x3], $0x80, $0x38;
	[tilespmem:$0x10800] =	vst v63  }
0x145: {  	s28 =	sadd.s32 $0xAB30, s19;
	s29 =	sadd.s32 $0x30, s24  }
0x146: {  	[hbm4b:s29+s3] =	stream.linear.scatter [tilespmem:s28], [sflag:$0x3], $0x80, $0x38;
	[tilespmem:$0x10800] =	vst v63  }
0x147: {  	s30 =	sadd.s32 $0xAD40, s19;
	s31 =	sadd.s32 $0x40, s24  }
0x148: {  	[hbm4b:s31+s3] =	stream.linear.scatter [tilespmem:s30], [sflag:$0x3], $0x80, $0x38;
	[tilespmem:$0x10800] =	vst v63  }
0x149: {  	s26 =	sadd.s32 $0xAF50, s19;
	s28 =	sadd.s32 $0x50, s24  }
0x14a: {  	[hbm4b:s28+s3] =	stream.linear.scatter [tilespmem:s26], [sflag:$0x3], $0x80, $0x38;
	[tilespmem:$0x10800] =	vst v63  }
0x14b: {  	s29 =	sadd.s32 $0xB160, s19;
	s30 =	sadd.s32 $0x60, s24  }
0x14c: {  	[hbm4b:s30+s3] =	stream.linear.scatter [tilespmem:s29], [sflag:$0x3], $0x80, $0x38;
	[tilespmem:$0x10800] =	vst v63  }
0x14d: {  	s31 =	sadd.s32 $0xB370, s19;
	s24 =	sadd.s32 $0x70, s24  }
0x14e: {  	[hbm4b:s24+s3] =	stream.linear.scatter [tilespmem:s31], [sflag:$0x3], $0x80, $0x38;
	[tilespmem:$0x10800] =	vst v63  }
0x14f: {  	s25 =	sadd.s32 $0x8000, s20;
	s26 =	sadd.s32 $0xA580, s19  }
0x150: {  	[hbm4b:s25+s3] =	stream.linear.scatter [tilespmem:s26], [sflag:$0x3], $0x80, $0x38;
	[tilespmem:$0x10800] =	vst v63  }
0x151: {  	s28 =	sadd.s32 $0xA790, s19;
	s29 =	sadd.s32 $0x8010, s20  }
0x152: {  	[hbm4b:s29+s3] =	stream.linear.scatter [tilespmem:s28], [sflag:$0x3], $0x80, $0x38;
	[tilespmem:$0x10800] =	vst v63  }
0x153: {  	s30 =	sadd.s32 $0xA9A0, s19;
	s31 =	sadd.s32 $0x8020, s20  }
0x154: {  	[hbm4b:s31+s3] =	stream.linear.scatter [tilespmem:s30], [sflag:$0x3], $0x80, $0x38;
	[tilespmem:$0x10800] =	vst v63  }
0x155: {  	s25 =	sadd.s32 $0xABB0, s19;
	s26 =	sadd.s32 $0x8030, s20  }
0x156: {  	[hbm4b:s26+s3] =	stream.linear.scatter [tilespmem:s25], [sflag:$0x3], $0x80, $0x38;
	[tilespmem:$0x10800] =	vst v63  }
0x157: {  	s28 =	sadd.s32 $0xADC0, s19;
	s29 =	sadd.s32 $0x8040, s20  }
0x158: {  	[hbm4b:s29+s3] =	stream.linear.scatter [tilespmem:s28], [sflag:$0x3], $0x80, $0x38;
	[tilespmem:$0x10800] =	vst v63  }
0x159: {  	s30 =	sadd.s32 $0xAFD0, s19;
	s31 =	sadd.s32 $0x8050, s20  }
0x15a: {  	[hbm4b:s31+s3] =	stream.linear.scatter [tilespmem:s30], [sflag:$0x3], $0x80, $0x38;
	[tilespmem:$0x10800] =	vst v63  }
0x15b: {  	s25 =	sadd.s32 $0xB1E0, s19;
	s26 =	sadd.s32 $0x8060, s20  }
0x15c: {  	[hbm4b:s26+s3] =	stream.linear.scatter [tilespmem:s25], [sflag:$0x3], $0x80, $0x38;
	[tilespmem:$0x10800] =	vst v63  }
0x15d: {  	s28 =	sadd.s32 $0xB3F0, s19;
	s29 =	sadd.s32 $0x8070, s20  }
0x15e: {  	[hbm4b:s29+s3] =	stream.linear.scatter [tilespmem:s28], [sflag:$0x3], $0x80, $0x38;
	[tilespmem:$0x10800] =	vst v63  }
0x15f: {  	s30 =	sadd.s32 $0x8000, s21;
	s31 =	sadd.s32 $0xA600, s19  }
0x160: {  	[hbm4b:s30+s3] =	stream.linear.scatter [tilespmem:s31], [sflag:$0x3], $0x80, $0x38;
	[tilespmem:$0x10800] =	vst v63  }
0x161: {  	s25 =	sadd.s32 $0xA810, s19;
	s26 =	sadd.s32 $0x8010, s21  }
0x162: {  	[hbm4b:s26+s3] =	stream.linear.scatter [tilespmem:s25], [sflag:$0x3], $0x80, $0x38;
	[tilespmem:$0x10800] =	vst v63  }
0x163: {  	s28 =	sadd.s32 $0xAA20, s19;
	s29 =	sadd.s32 $0x8020, s21  }
0x164: {  	[hbm4b:s29+s3] =	stream.linear.scatter [tilespmem:s28], [sflag:$0x3], $0x80, $0x38;
	[tilespmem:$0x10800] =	vst v63  }
0x165: {  	s30 =	sadd.s32 $0xAC30, s19;
	s31 =	sadd.s32 $0x8030, s21  }
0x166: {  	[hbm4b:s31+s3] =	stream.linear.scatter [tilespmem:s30], [sflag:$0x3], $0x80, $0x38;
	[tilespmem:$0x10800] =	vst v63  }
0x167: {  	s25 =	sadd.s32 $0xAE40, s19;
	s26 =	sadd.s32 $0x8040, s21  }
0x168: {  	[hbm4b:s26+s3] =	stream.linear.scatter [tilespmem:s25], [sflag:$0x3], $0x80, $0x38;
	[tilespmem:$0x10800] =	vst v63  }
0x169: {  	s28 =	sadd.s32 $0xB050, s19;
	s29 =	sadd.s32 $0x8050, s21  }
0x16a: {  	[hbm4b:s29+s3] =	stream.linear.scatter [tilespmem:s28], [sflag:$0x3], $0x80, $0x38;
	[tilespmem:$0x10800] =	vst v63  }
0x16b: {  	s30 =	sadd.s32 $0xB260, s19;
	s31 =	sadd.s32 $0x8060, s21  }
0x16c: {  	[hbm4b:s31+s3] =	stream.linear.scatter [tilespmem:s30], [sflag:$0x3], $0x80, $0x38;
	[tilespmem:$0x10800] =	vst v63  }
0x16d: {  	s25 =	sadd.s32 $0xB470, s19;
	s26 =	sadd.s32 $0x8070, s21  }
0x16e: {  	[hbm4b:s26+s3] =	stream.linear.scatter [tilespmem:s25], [sflag:$0x3], $0x80, $0x38;
	[tilespmem:$0x10800] =	vst v63  }
0x16f: {  	s28 =	sadd.s32 $0x8000, s22;
	s29 =	sadd.s32 $0xA680, s19  }
0x170: {  	[hbm4b:s28+s3] =	stream.linear.scatter [tilespmem:s29], [sflag:$0x3], $0x80, $0x38;
	[tilespmem:$0x10800] =	vst v63  }
0x171: {  	s30 =	sadd.s32 $0xA890, s19;
	s31 =	sadd.s32 $0x8010, s22  }
0x172: {  	[hbm4b:s31+s3] =	stream.linear.scatter [tilespmem:s30], [sflag:$0x3], $0x80, $0x38;
	[tilespmem:$0x10800] =	vst v63  }
0x173: {  	s25 =	sadd.s32 $0xAAA0, s19;
	s26 =	sadd.s32 $0x8020, s22  }
0x174: {  	[hbm4b:s26+s3] =	stream.linear.scatter [tilespmem:s25], [sflag:$0x3], $0x80, $0x38;
	[tilespmem:$0x10800] =	vst v63  }
0x175: {  	s28 =	sadd.s32 $0xACB0, s19;
	s29 =	sadd.s32 $0x8030, s22  }
0x176: {  	[hbm4b:s29+s3] =	stream.linear.scatter [tilespmem:s28], [sflag:$0x3], $0x80, $0x38;
	[tilespmem:$0x10800] =	vst v63  }
0x177: {  	s30 =	sadd.s32 $0xAEC0, s19;
	s31 =	sadd.s32 $0x8040, s22  }
0x178: {  	[hbm4b:s31+s3] =	stream.linear.scatter [tilespmem:s30], [sflag:$0x3], $0x80, $0x38;
	[tilespmem:$0x10800] =	vst v63  }
0x179: {  	s25 =	sadd.s32 $0xB0D0, s19;
	s26 =	sadd.s32 $0x8050, s22  }
0x17a: {  	[hbm4b:s26+s3] =	stream.linear.scatter [tilespmem:s25], [sflag:$0x3], $0x80, $0x38;
	[tilespmem:$0x10800] =	vst v63  }
0x17b: {  	s28 =	sadd.s32 $0xB2E0, s19;
	s29 =	sadd.s32 $0x8060, s22  }
0x17c: {  	[hbm4b:s29+s3] =	stream.linear.scatter [tilespmem:s28], [sflag:$0x3], $0x80, $0x38;
	[tilespmem:$0x10800] =	vst v63  }
0x17d: {  	s30 =	sadd.s32 $0xB4F0, s19;
	s31 =	sadd.s32 $0x8070, s22  }
0x17e: {  	[hbm4b:s31+s3] =	stream.linear.scatter [tilespmem:s30], [sflag:$0x3], $0x80, $0x38;
	[tilespmem:$0x10800] =	vst v63  }
0x17f: {  	s23 =	sadd.s32 s23, s12;
	s26 =	sadd.s32 $0xB580, s19  }
0x180: {  	[hbm4b:s23+s3] =	stream.linear.scatter [tilespmem:s26], [sflag:$0x3], $0x80, $0x38;
	[tilespmem:$0x10800] =	vst v63  }
0x181: {  	s28 =	sadd.s32 $0xB790, s19;
	s29 =	sadd.s32 $0x10, s23  }
0x182: {  	[hbm4b:s29+s3] =	stream.linear.scatter [tilespmem:s28], [sflag:$0x3], $0x80, $0x38;
	[tilespmem:$0x10800] =	vst v63  }
0x183: {  	s30 =	sadd.s32 $0xB9A0, s19;
	s31 =	sadd.s32 $0x20, s23  }
0x184: {  	[hbm4b:s31+s3] =	stream.linear.scatter [tilespmem:s30], [sflag:$0x3], $0x80, $0x38;
	[tilespmem:$0x10800] =	vst v63  }
0x185: {  	s25 =	sadd.s32 $0xBBB0, s19;
	s26 =	sadd.s32 $0x30, s23  }
0x186: {  	[hbm4b:s26+s3] =	stream.linear.scatter [tilespmem:s25], [sflag:$0x3], $0x80, $0x38;
	[tilespmem:$0x10800] =	vst v63  }
0x187: {  	s28 =	sadd.s32 $0xBDC0, s19;
	s29 =	sadd.s32 $0x40, s23  }
0x188: {  	[hbm4b:s29+s3] =	stream.linear.scatter [tilespmem:s28], [sflag:$0x3], $0x80, $0x38;
	[tilespmem:$0x10800] =	vst v63  }
0x189: {  	s30 =	sadd.s32 $0xBFD0, s19;
	s31 =	sadd.s32 $0x50, s23  }
0x18a: {  	[hbm4b:s31+s3] =	stream.linear.scatter [tilespmem:s30], [sflag:$0x3], $0x80, $0x38;
	[tilespmem:$0x10800] =	vst v63  }
0x18b: {  	s26 =	sadd.s32 $0xC1E0, s19;
	s28 =	sadd.s32 $0x60, s23  }
0x18c: {  	[hbm4b:s28+s3] =	stream.linear.scatter [tilespmem:s26], [sflag:$0x3], $0x80, $0x38;
	[tilespmem:$0x10800] =	vst v63  }
0x18d: {  	s29 =	sadd.s32 $0xC3F0, s19;
	s23 =	sadd.s32 $0x70, s23  }
0x18e: {  	[hbm4b:s23+s3] =	stream.linear.scatter [tilespmem:s29], [sflag:$0x3], $0x80, $0x38;
	[tilespmem:$0x10800] =	vst v63  }
0x18f: {  	s30 =	sadd.s32 $0xC000, s20;
	s31 =	sadd.s32 $0xB600, s19  }
0x190: {  	[hbm4b:s30+s3] =	stream.linear.scatter [tilespmem:s31], [sflag:$0x3], $0x80, $0x38;
	[tilespmem:$0x10800] =	vst v63  }
0x191: {  	s25 =	sadd.s32 $0xB810, s19;
	s26 =	sadd.s32 $0xC010, s20  }
0x192: {  	[hbm4b:s26+s3] =	stream.linear.scatter [tilespmem:s25], [sflag:$0x3], $0x80, $0x38;
	[tilespmem:$0x10800] =	vst v63  }
0x193: {  	s28 =	sadd.s32 $0xBA20, s19;
	s29 =	sadd.s32 $0xC020, s20  }
0x194: {  	[hbm4b:s29+s3] =	stream.linear.scatter [tilespmem:s28], [sflag:$0x3], $0x80, $0x38;
	[tilespmem:$0x10800] =	vst v63  }
0x195: {  	s30 =	sadd.s32 $0xBC30, s19;
	s31 =	sadd.s32 $0xC030, s20  }
0x196: {  	[hbm4b:s31+s3] =	stream.linear.scatter [tilespmem:s30], [sflag:$0x3], $0x80, $0x38;
	[tilespmem:$0x10800] =	vst v63  }
0x197: {  	s24 =	sadd.s32 $0xBE40, s19;
	s25 =	sadd.s32 $0xC040, s20  }
0x198: {  	[hbm4b:s25+s3] =	stream.linear.scatter [tilespmem:s24], [sflag:$0x3], $0x80, $0x38;
	[tilespmem:$0x10800] =	vst v63  }
0x199: {  	s26 =	sadd.s32 $0xC050, s19;
	s28 =	sadd.s32 $0xC050, s20  }
0x19a: {  	[hbm4b:s28+s3] =	stream.linear.scatter [tilespmem:s26], [sflag:$0x3], $0x80, $0x38;
	[tilespmem:$0x10800] =	vst v63  }
0x19b: {  	s29 =	sadd.s32 $0xC260, s19;
	s30 =	sadd.s32 $0xC060, s20  }
0x19c: {  	[hbm4b:s30+s3] =	stream.linear.scatter [tilespmem:s29], [sflag:$0x3], $0x80, $0x38;
	[tilespmem:$0x10800] =	vst v63  }
0x19d: {  	s31 =	sadd.s32 $0xC470, s19;
	s20 =	sadd.s32 $0xC070, s20  }
0x19e: {  	[hbm4b:s20+s3] =	stream.linear.scatter [tilespmem:s31], [sflag:$0x3], $0x80, $0x38;
	[tilespmem:$0x10800] =	vst v63  }
0x19f: {  	s23 =	sadd.s32 $0xC000, s21;
	s24 =	sadd.s32 $0xB680, s19  }
0x1a0: {  	[hbm4b:s23+s3] =	stream.linear.scatter [tilespmem:s24], [sflag:$0x3], $0x80, $0x38;
	[tilespmem:$0x10800] =	vst v63  }
0x1a1: {  	s25 =	sadd.s32 $0xB890, s19;
	s26 =	sadd.s32 $0xC010, s21  }
0x1a2: {  	[hbm4b:s26+s3] =	stream.linear.scatter [tilespmem:s25], [sflag:$0x3], $0x80, $0x38;
	[tilespmem:$0x10800] =	vst v63  }
0x1a3: {  	s28 =	sadd.s32 $0xBAA0, s19;
	s29 =	sadd.s32 $0xC020, s21  }
0x1a4: {  	[hbm4b:s29+s3] =	stream.linear.scatter [tilespmem:s28], [sflag:$0x3], $0x80, $0x38;
	[tilespmem:$0x10800] =	vst v63  }
0x1a5: {  	s30 =	sadd.s32 $0xBCB0, s19;
	s31 =	sadd.s32 $0xC030, s21  }
0x1a6: {  	[hbm4b:s31+s3] =	stream.linear.scatter [tilespmem:s30], [sflag:$0x3], $0x80, $0x38;
	[tilespmem:$0x10800] =	vst v63  }
0x1a7: {  	s24 =	sadd.s32 $0xBEC0, s19;
	s25 =	sadd.s32 $0xC040, s21  }
0x1a8: {  	[hbm4b:s25+s3] =	stream.linear.scatter [tilespmem:s24], [sflag:$0x3], $0x80, $0x38;
	[tilespmem:$0x10800] =	vst v63  }
0x1a9: {  	s26 =	sadd.s32 $0xC0D0, s19;
	s28 =	sadd.s32 $0xC050, s21  }
0x1aa: {  	[hbm4b:s28+s3] =	stream.linear.scatter [tilespmem:s26], [sflag:$0x3], $0x80, $0x38;
	[tilespmem:$0x10800] =	vst v63  }
0x1ab: {  	s29 =	sadd.s32 $0xC2E0, s19;
	s30 =	sadd.s32 $0xC060, s21  }
0x1ac: {  	[hbm4b:s30+s3] =	stream.linear.scatter [tilespmem:s29], [sflag:$0x3], $0x80, $0x38;
	[tilespmem:$0x10800] =	vst v63  }
0x1ad: {  	s31 =	sadd.s32 $0xC4F0, s19;
	s21 =	sadd.s32 $0xC070, s21  }
0x1ae: {  	[hbm4b:s21+s3] =	stream.linear.scatter [tilespmem:s31], [sflag:$0x3], $0x80, $0x38;
	[tilespmem:$0x10800] =	vst v63  }
0x1af: {  	s23 =	sadd.s32 $0xC000, s22;
	s24 =	sadd.s32 $0xB700, s19  }
0x1b0: {  	[hbm4b:s23+s3] =	stream.linear.scatter [tilespmem:s24], [sflag:$0x3], $0x80, $0x38;
	[tilespmem:$0x10800] =	vst v63  }
0x1b1: {  	s25 =	sadd.s32 $0xB910, s19;
	s26 =	sadd.s32 $0xC010, s22  }
0x1b2: {  	[hbm4b:s26+s3] =	stream.linear.scatter [tilespmem:s25], [sflag:$0x3], $0x80, $0x38;
	[tilespmem:$0x10800] =	vst v63  }
0x1b3: {  	s28 =	sadd.s32 $0xBB20, s19;
	s29 =	sadd.s32 $0xC020, s22  }
0x1b4: {  	[hbm4b:s29+s3] =	stream.linear.scatter [tilespmem:s28], [sflag:$0x3], $0x80, $0x38;
	[tilespmem:$0x10800] =	vst v63  }
0x1b5: {  	s30 =	sadd.s32 $0xBD30, s19;
	s31 =	sadd.s32 $0xC030, s22  }
0x1b6: {  	[hbm4b:s31+s3] =	stream.linear.scatter [tilespmem:s30], [sflag:$0x3], $0x80, $0x38;
	[tilespmem:$0x10800] =	vst v63  }
0x1b7: {  	s23 =	sadd.s32 $0xBF40, s19;
	s24 =	sadd.s32 $0xC040, s22  }
0x1b8: {  	[hbm4b:s24+s3] =	stream.linear.scatter [tilespmem:s23], [sflag:$0x3], $0x80, $0x38;
	[tilespmem:$0x10800] =	vst v63  }
0x1b9: {  	p0 =	sgt.u32 s17, $0x30;
	s25 =	sadd.s32 $0xC150, s19;
	s26 =	sadd.s32 $0xC050, s22  }
0x1ba: {  	[hbm4b:s26+s3] =	stream.linear.scatter [tilespmem:s25], [sflag:$0x3], $0x80, $0x38;
	[tilespmem:$0x10800] =	vst v63  }
.Ltmp6:
0x1bb: {  	s28 =	sadd.s32 $0xC360, s19;
	s29 =	sadd.s32 $0xC060, s22;
	(pc) =	sbr.rel @p0 .LBB2_7-.Ltmp6, $4  }
.Ltmp7:
0x1bc: {  	s30 =	sadd.s32 $0xC570, s19;
	s19 =	sadd.s32 $0x1, s17;
	(pc) =	sbr.rel @!p0 .LBB2_6-.Ltmp7, $4  }
0x1bd: {  	[hbm4b:s29+s3] =	stream.linear.scatter [tilespmem:s28], [sflag:$0x3], $0x80, $0x38;
	[tilespmem:$0x10800] =	vst v63  }
0x1be: {  	s31 =	sadd.s32 $0xC070, s22;
	s17 =	smov.u32 s19  }
0x1bf: {  	[hbm4b:s31+s3] =	stream.linear.scatter [tilespmem:s30], [sflag:$0x3], $0x80, $0x38;
	[tilespmem:$0x10800] =	vst v63  }
0x1c0: {  	_ = 	snop  }
.LBB2_9:
0x1c1: {  	_ =	sfence.sel $0x180000  }
0x1c2: {  	[bflag:$0x0] =	sbarrier.arrive $0xFFFF  }
0x1c3: {  	p0 =	sne.s32 s0, $0x0;
	_ =	strace $0x9000004A  }
0x1c4: {  	s0 =	sadd.s32 @!p0 $0x100000, s1;
	[bflag:$0x2] =	sbarrier.arrive $0xFFFF  }
0x1c5: {  	[sflag:s0] =	ssyncadd.tile.s32 @!p0 $0x1;
	_ =	shalt  }
.Lfunc_end2:
_tile_overlayer_lowered:
.L_overlay_start_2:
0x1c6: {  	(tag) =	ssettag $0x2  }
0x1c7: {  	s0 =	rddreg [dreg:$0x0];
	s2 =	stileid.u32  }
0x1c8: {  	s1 =	rddreg [dreg:$0x1];
	p0 =	sne.s32 s2, $0x0  }
0x1c9: {  	s3 =	rddreg [dreg:$0x2];
	[bflag:$0x3] =	sbarrier.arrive $0xFFFF;
	s2 =	simm.s32 @!p0 $0x1C04  }
0x1ca: {  	[timem:s3], [sflag:s2] =	dma.local @!p0 [hbm:s0], s1  }
0x1cb: {  	s0 =	simm.s32 @!p0 $0x4  }
0x1cc: {  	_ =	swait.ge @!p0 [sflag:s0], s1  }
0x1cd: {  	s1 =	ssub.s32 @!p0 $0x0, s1;
	[sflag:s0] =	ssyncset.done @!p0 $0x0  }
0x1ce: {  	[sflag:s0] =	ssyncadd.s32 @!p0 s1  }
0x1cf: {  	[bflag:$0x3] =	sbarrier.arrive $0xFFFF  }
0x1d0: {  	_ =	shalt  }

</sc_bundles>
